<compile_context>
chip_gen: v7x
topology: tpu7x:2x2x1
jax: 0.10.2.dev20260603
libtpu: 0.0.44.dev20260713+nightly
codegen_flags: <defaults>
</compile_context>

<pallas_src>
import functools

import jax
import jax.numpy as jnp
from jax import lax
from jax.experimental import pallas as pl
from jax.experimental.pallas import tpu as pltpu
from jax.experimental.pallas import tpu_sc as plsc

N_NODES = 10000
NP = 10240
LANES = 16
NTILES = 16
NCORES = 2
F = 128
BW = 128
FN = 16
R = 512


def _loop(lo, hi, body):
    lax.fori_loop(lo, hi, lambda i, c: (body(i), c)[1], None)



def _make_deg(ep):
    epw = ep // (NCORES * NTILES)
    mesh = plsc.VectorSubcoreMesh(core_axis_name="c", subcore_axis_name="s")

    @functools.partial(
        pl.kernel,
        out_type=[jax.ShapeDtypeStruct((32, NP), jnp.float32),
                  jax.ShapeDtypeStruct((32, NP), jnp.float32)],
        mesh=mesh,
        scratch_types=[pltpu.VMEM((NP,), jnp.float32),
                       pltpu.VMEM((NP,), jnp.float32),
                       pltpu.VMEM((epw,), jnp.int32),
                       pltpu.VMEM((epw,), jnp.int32)],
        compiler_params=pltpu.CompilerParams(needs_layout_passes=False),
    )
    def deg_kernel(src_hbm, dst_hbm, dso_hbm, dsd_hbm, acc_s, acc_d, isrc, idst):
        c = lax.axis_index("c")
        s = lax.axis_index("s")
        w = c * NTILES + s
        zero = jnp.zeros((LANES,), jnp.float32)

        def z(i):
            acc_s[pl.ds(i * LANES, LANES)] = zero
            acc_d[pl.ds(i * LANES, LANES)] = zero
        _loop(0, NP // LANES, z)

        pltpu.sync_copy(src_hbm.at[pl.ds(w * epw, epw)], isrc)
        pltpu.sync_copy(dst_hbm.at[pl.ds(w * epw, epw)], idst)
        ones = jnp.ones((LANES,), jnp.float32)

        def body(i):
            sv = isrc[pl.ds(i * LANES, LANES)]
            dv = idst[pl.ds(i * LANES, LANES)]
            plsc.addupdate_scatter(acc_s, [sv], ones)
            plsc.addupdate_scatter(acc_d, [dv], ones)
        _loop(0, epw // LANES, body)

        pltpu.sync_copy(acc_s, dso_hbm.at[w])
        pltpu.sync_copy(acc_d, dsd_hbm.at[w])

    return deg_kernel


def _make_swide(ep, ncpc):
    ept = ep // NTILES
    nb = ept // BW
    C = NCORES * ncpc
    rpt = NP // NTILES
    mesh = plsc.VectorSubcoreMesh(core_axis_name="c", subcore_axis_name="s")

    @functools.partial(
        pl.kernel,
        out_type=jax.ShapeDtypeStruct((C * NP, F), jnp.float32),
        mesh=mesh,
        scratch_types=[pltpu.VMEM((nb, BW), jnp.int32),
                       [pltpu.VMEM((BW,), jnp.int32) for _ in range(4)],
                       pltpu.VMEM((BW, F), jnp.float32),
                       pltpu.VMEM((BW, F), jnp.float32),
                       pltpu.VMEM_SHARED((NP, F), jnp.float32),
                       [pltpu.SemaphoreType.DMA for _ in range(4)],
                       pltpu.SemaphoreType.DMA,
                       pltpu.SemaphoreType.DMA,
                       pltpu.SemaphoreType.DMA,
                       pltpu.SemaphoreType.DMA],
    )
    def swide(src4_hbm, dst3_hbm, h_hbm, out_hbm, idst, ix, rows_a,
              rows_b, acc, isem, g_a, g_b, s_a, s_b):
        c = lax.axis_index("c")
        s = lax.axis_index("s")
        pltpu.sync_copy(dst3_hbm.at[s], idst)
        zero = jnp.zeros((LANES,), jnp.float32)
        base_row = s * rpt

        for j in range(ncpc):
            cid = c * ncpc + j

            def zr(i):
                rows_a[i // (F // LANES),
                       pl.ds((i % (F // LANES)) * LANES, LANES)] = zero
            _loop(0, BW * (F // LANES), zr)
            for k in range(rpt // BW):
                pltpu.sync_copy(rows_a, acc.at[pl.ds(base_row + k * BW, BW)])
            plsc.subcore_barrier()

            def stage(q, b):
                pltpu.async_copy(src4_hbm.at[cid, s, b], ix[q], isem[q])

            def gather(q, rows, gsem, b):
                pltpu.make_async_copy(src4_hbm.at[cid, s, b], ix[q],
                                      isem[q]).wait()
                pltpu.async_copy(h_hbm.at[ix[q]], rows, gsem)

            stage(0, 0)
            gather(0, rows_a, g_a, 0)
            stage(1, 1)

            def pair(p):
                b0 = 2 * p
                gather(1, rows_b, g_b, b0 + 1)

                @pl.when(b0 + 2 < nb)
                def _():
                    stage(0, b0 + 2)
                pltpu.make_async_copy(h_hbm.at[ix[0]], rows_a, g_a).wait()
                pltpu.sync_copy(rows_a, acc.at[idst.at[b0]], add=True)

                @pl.when(b0 + 2 < nb)
                def _():
                    gather(0, rows_a, g_a, b0 + 2)

                @pl.when(b0 + 3 < nb)
                def _():
                    stage(1, b0 + 3)
                pltpu.make_async_copy(h_hbm.at[ix[1]], rows_b, g_b).wait()
                pltpu.sync_copy(rows_b, acc.at[idst.at[b0 + 1]], add=True)
            _loop(0, nb // 2, pair)
            plsc.subcore_barrier()

            base = cid * NP
            for k in range(rpt // F):
                pltpu.sync_copy(acc.at[pl.ds(base_row + k * F, F)],
                                out_hbm.at[pl.ds(base + base_row + k * F, F)])
            if j + 1 < ncpc:
                plsc.subcore_barrier()

    return swide


def _make_snarrow(ep):
    epw = ep // (NCORES * NTILES)
    mesh = plsc.VectorSubcoreMesh(core_axis_name="c", subcore_axis_name="s")

    @functools.partial(
        pl.kernel,
        out_type=jax.ShapeDtypeStruct((32, NP * 2), jnp.float32),
        mesh=mesh,
        scratch_types=[pltpu.VMEM((NP * 2,), jnp.float32),
                       pltpu.VMEM((NP * 2,), jnp.float32),
                       pltpu.VMEM((epw,), jnp.int32),
                       pltpu.VMEM((epw,), jnp.int32)],
        compiler_params=pltpu.CompilerParams(needs_layout_passes=False),
    )
    def snarrow(g_hbm, src_hbm, dst_hbm, out_hbm, gbuf, acc, isrc, idst):
        c = lax.axis_index("c")
        s = lax.axis_index("s")
        w = c * NTILES + s
        zero = jnp.zeros((LANES,), jnp.float32)

        def z(i):
            acc[pl.ds(i * LANES, LANES)] = zero
        _loop(0, NP * 2 // LANES, z)

        pltpu.sync_copy(g_hbm, gbuf)
        pltpu.sync_copy(src_hbm.at[pl.ds(w * epw, epw)], isrc)
        pltpu.sync_copy(dst_hbm.at[pl.ds(w * epw, epw)], idst)

        def body(i):
            sv = isrc[pl.ds(i * LANES, LANES)]
            dv = idst[pl.ds(i * LANES, LANES)]
            sv2 = sv + sv
            dv2 = dv + dv
            v0 = plsc.load_gather(gbuf, [sv2])
            plsc.addupdate_scatter(acc, [dv2], v0)
            v1 = plsc.load_gather(gbuf, [sv2 + 1])
            plsc.addupdate_scatter(acc, [dv2 + 1], v1)
        _loop(0, epw // LANES, body)

        pltpu.sync_copy(acc, out_hbm.at[w])

    return snarrow



def _stage_a_body(x_ref, dso_ref, dsd_ref, xs_ref, dns_ref, dnd_ref):
    i = pl.program_id(0)
    row = i * R + lax.broadcasted_iota(jnp.int32, (R, 1), 0)
    valid = (row < N_NODES).astype(jnp.float32)
    dn_s = lax.rsqrt(jnp.maximum(jnp.sum(dso_ref[...], axis=0), 1.0))[:, None] * valid
    dn_d = lax.rsqrt(jnp.maximum(jnp.sum(dsd_ref[...], axis=0), 1.0))[:, None] * valid
    xs = x_ref[...] * dn_s
    xs_ref[0] = xs[:, :F]
    xs_ref[1] = xs[:, F:]
    dns_ref[...] = dn_s
    dnd_ref[...] = dn_d


_stage_a = pl.pallas_call(
    _stage_a_body,
    grid=(NP // R,),
    in_specs=[pl.BlockSpec((R, 256), lambda i: (i, 0)),
              pl.BlockSpec((32, R), lambda i: (0, i)),
              pl.BlockSpec((32, R), lambda i: (0, i))],
    out_specs=[pl.BlockSpec((2, R, F), lambda i: (0, i, 0)),
               pl.BlockSpec((R, 1), lambda i: (i, 0)),
               pl.BlockSpec((R, 1), lambda i: (i, 0))],
    out_shape=[jax.ShapeDtypeStruct((2, NP, F), jnp.float32),
               jax.ShapeDtypeStruct((NP, 1), jnp.float32),
               jax.ShapeDtypeStruct((NP, 1), jnp.float32)],
)


def _stage_b_body(a0_ref, dnd_ref, dns_ref, w_ref, b_ref, out_ref):
    a = jnp.concatenate([a0_ref[0], a0_ref[1]], axis=1) * dnd_ref[...]
    h = jnp.dot(a, w_ref[...], preferred_element_type=jnp.float32) + b_ref[...]
    h = jnp.maximum(h, 0.0) * dns_ref[...]
    for k in range(4):
        out_ref[k] = h[:, k * F:(k + 1) * F]


_stage_b = pl.pallas_call(
    _stage_b_body,
    grid=(NP // R,),
    in_specs=[pl.BlockSpec((2, R, F), lambda i: (0, i, 0)),
              pl.BlockSpec((R, 1), lambda i: (i, 0)),
              pl.BlockSpec((R, 1), lambda i: (i, 0)),
              pl.BlockSpec((256, 512), lambda i: (0, 0)),
              pl.BlockSpec((1, 512), lambda i: (0, 0))],
    out_specs=pl.BlockSpec((4, R, F), lambda i: (0, i, 0)),
    out_shape=jax.ShapeDtypeStruct((4, NP, F), jnp.float32),
)


def _stage_c_body(a1_ref, dnd_ref, dns_ref, w1_ref, b1_ref, wf_ref, out_ref):
    a = jnp.concatenate([a1_ref[k] for k in range(4)], axis=1) * dnd_ref[...]
    h = jnp.maximum(
        jnp.dot(a, w1_ref[...], preferred_element_type=jnp.float32) + b1_ref[...],
        0.0)
    out_ref[...] = jnp.dot(h, wf_ref[...],
                           preferred_element_type=jnp.float32) * dns_ref[...]


_stage_c = pl.pallas_call(
    _stage_c_body,
    grid=(NP // R,),
    in_specs=[pl.BlockSpec((4, R, F), lambda i: (0, i, 0)),
              pl.BlockSpec((R, 1), lambda i: (i, 0)),
              pl.BlockSpec((R, 1), lambda i: (i, 0)),
              pl.BlockSpec((512, 512), lambda i: (0, 0)),
              pl.BlockSpec((1, 512), lambda i: (0, 0)),
              pl.BlockSpec((512, 2), lambda i: (0, 0))],
    out_specs=pl.BlockSpec((R, 2), lambda i: (i, 0)),
    out_shape=jax.ShapeDtypeStruct((NP, 2), jnp.float32),
)


def _stage_d_body(a2_ref, dnd_ref, bf_ref, out_ref):
    acc = jnp.sum(a2_ref[...], axis=0)
    out_ref[...] = acc * dnd_ref[...] + bf_ref[...]


_stage_d = pl.pallas_call(
    _stage_d_body,
    grid=(NP // R,),
    in_specs=[pl.BlockSpec((32, R, 2), lambda i: (0, i, 0)),
              pl.BlockSpec((R, 1), lambda i: (i, 0)),
              pl.BlockSpec((1, 2), lambda i: (0, 0))],
    out_specs=pl.BlockSpec((R, 2), lambda i: (i, 0)),
    out_shape=jax.ShapeDtypeStruct((NP, 2), jnp.float32),
)



def kernel(x, edge_index, W0, b0, W1, b1, Wf, bf):
    src = edge_index[0].astype(jnp.int32)
    dst = edge_index[1].astype(jnp.int32)
    e = src.shape[0]
    ep = -(-e // 4096) * 4096
    pad = ep - e
    src_p = jnp.concatenate([src, jnp.full((pad,), N_NODES, jnp.int32)])
    dst_p = jnp.concatenate([dst, jnp.full((pad,), N_NODES, jnp.int32)])
    nb = ep // NTILES // BW
    dst3w = dst_p.reshape(NTILES, nb, BW)
    off2 = (jnp.arange(2, dtype=jnp.int32) * NP)[:, None]
    off4 = (jnp.arange(4, dtype=jnp.int32) * NP)[:, None]
    src4_2 = (src_p[None, :] + off2).reshape(2, NTILES, nb, BW)
    src4_4 = (src_p[None, :] + off4).reshape(4, NTILES, nb, BW)

    x_p = jnp.pad(x, ((0, NP - N_NODES), (0, 0)))

    dso, dsd = _make_deg(ep)(src_p, dst_p)
    xs, dns, dnd = _stage_a(x_p, dso, dsd)
    a0 = _make_swide(ep, 1)(src4_2, dst3w, xs.reshape(2 * NP, F))
    h1s = _stage_b(a0.reshape(2, NP, F), dnd, dns, W0, b0.reshape(1, 512))
    a1 = _make_swide(ep, 2)(src4_4, dst3w, h1s.reshape(4 * NP, F))
    gs = _stage_c(a1.reshape(4, NP, F), dnd, dns, W1, b1.reshape(1, 512), Wf)
    a2 = _make_snarrow(ep)(gs.reshape(NP * 2), src_p, dst_p)
    out = _stage_d(a2.reshape(32, NP, 2), dnd, bf.reshape(1, 2))
    return out[:N_NODES]

# --- scband reference (transcript-rebuilt; emitter-appended) ---
"""Pipeline reference for scband-gcn-17068200034384 (READ-ONLY COPY).

The authoritative reference and input builder live on the scoring server;
editing this copy changes nothing except your own understanding.
"""

import jax, jax.numpy as jnp
import numpy as np

N_NODES = 10000


def _graph_conv(x, W, b, src, dst, n_nodes):
    # DGL GraphConv with norm='both':
    # h_i = (1/sqrt(deg_in_i)) * sum_{j->i} (1/sqrt(deg_out_j)) * (x_j @ W) + b
    ones = jnp.ones((src.shape[0],), dtype=x.dtype)
    deg_out = jax.ops.segment_sum(ones, src, num_segments=n_nodes)
    deg_in = jax.ops.segment_sum(ones, dst, num_segments=n_nodes)
    norm_src = jax.lax.rsqrt(jnp.clip(deg_out, 1.0, None))
    norm_dst = jax.lax.rsqrt(jnp.clip(deg_in, 1.0, None))
    h = x * norm_src[:, None]
    h = h @ W
    msgs = jnp.take(h, src, axis=0)
    agg = jax.ops.segment_sum(msgs, dst, num_segments=n_nodes)
    out = agg * norm_dst[:, None] + b
    return out


def setup_inputs(seed: int = 0) -> dict:
    key = jax.random.key(seed)
    k_x, k_e, k0, k1, k2 = jax.random.split(key, 5)
    n_inp, n_hidden, n_classes = 256, 512, 2
    E = 160000
    x = jax.random.normal(k_x, (N_NODES, n_inp), dtype=jnp.float32)
    edge_index = jax.random.randint(k_e, (2, E), 0, N_NODES, dtype=jnp.int64)
    s0 = 1.0 / np.sqrt(n_inp)
    s1 = 1.0 / np.sqrt(n_hidden)
    W0 = jax.random.uniform(k0, (n_inp, n_hidden), dtype=jnp.float32, minval=-s0, maxval=s0)
    b0 = jnp.zeros((n_hidden,), dtype=jnp.float32)
    W1 = jax.random.uniform(k1, (n_hidden, n_hidden), dtype=jnp.float32, minval=-s1, maxval=s1)
    b1 = jnp.zeros((n_hidden,), dtype=jnp.float32)
    Wf = jax.random.uniform(k2, (n_hidden, n_classes), dtype=jnp.float32, minval=-s1, maxval=s1)
    bf = jnp.zeros((n_classes,), dtype=jnp.float32)
    return {"x": x, "edge_index": edge_index, "W0": W0, "b0": b0, "W1": W1, "b1": b1, "Wf": Wf, "bf": bf}


def reference(x, edge_index, W0, b0, W1, b1, Wf, bf):
    src = edge_index[0]
    dst = edge_index[1]
    # layer 0 (n_inp -> n_hidden), ReLU, dropout p=0.0 (identity at inference)
    h = _graph_conv(x, W0, b0, src, dst, N_NODES)
    h = jax.nn.relu(h)
    # layer 1 (n_hidden -> n_hidden), ReLU
    h = _graph_conv(h, W1, b1, src, dst, N_NODES)
    h = jax.nn.relu(h)
    # final (n_hidden -> n_classes), no activation
    out = _graph_conv(h, Wf, bf, src, dst, N_NODES)
    return out

if __name__ == "__main__":
    import jax
    _d = setup_inputs()
    print(jax.jit(kernel)(*tuple(_d.values())))

</pallas_src>

<mosaic_0001>
#map = affine_map<(d0, d1) -> (0, 0, 0, 0)>
#map1 = affine_map<(d0, d1) -> (0, 0, 0)>
#map2 = affine_map<(d0, d1) -> (0, 0)>
module attributes {stable_mosaic.version = 14 : i64} {
  func.func @swide(%arg0: i32, %arg1: i32, %arg2: memref<2x16x80x128xi32, #tpu.memory_space<hbm>>, %arg3: memref<16x80x128xi32, #tpu.memory_space<hbm>>, %arg4: memref<20480x128xf32, #tpu.memory_space<hbm>>, %arg5: memref<20480x128xf32, #tpu.memory_space<hbm>>, %arg6: memref<80x128xi32, #tpu.memory_space<vmem>>, %arg7: memref<128xi32, #tpu.memory_space<vmem>>, %arg8: memref<128xi32, #tpu.memory_space<vmem>>, %arg9: memref<128xi32, #tpu.memory_space<vmem>>, %arg10: memref<128xi32, #tpu.memory_space<vmem>>, %arg11: memref<128x128xf32, #tpu.memory_space<vmem>>, %arg12: memref<128x128xf32, #tpu.memory_space<vmem>>, %arg13: memref<10240x128xf32, #tpu.memory_space<vmem_shared>>, %arg14: memref<!tpu.dma_semaphore, #tpu.memory_space<semaphore_mem>>, %arg15: memref<!tpu.dma_semaphore, #tpu.memory_space<semaphore_mem>>, %arg16: memref<!tpu.dma_semaphore, #tpu.memory_space<semaphore_mem>>, %arg17: memref<!tpu.dma_semaphore, #tpu.memory_space<semaphore_mem>>, %arg18: memref<!tpu.dma_semaphore, #tpu.memory_space<semaphore_mem>>, %arg19: memref<!tpu.dma_semaphore, #tpu.memory_space<semaphore_mem>>, %arg20: memref<!tpu.dma_semaphore, #tpu.memory_space<semaphore_mem>>, %arg21: memref<!tpu.dma_semaphore, #tpu.memory_space<semaphore_mem>>) attributes {dimension_semantics = [#tpu.dimension_semantics<core_parallel>, #tpu.dimension_semantics<subcore_parallel>], iteration_bounds = array<i64: 2, 16>, scalar_prefetch = 0 : i64, scratch_operands = 16 : i64, tpu.core_type = #tpu.core_type<sc_vector_subcore>, window_params = [{transform_indices = #map}, {transform_indices = #map1}, {transform_indices = #map2}, {transform_indices = #map2}]} {
    "tpu.region"() ({
      %run_scoped3A = tpu.sem_alloc : memref<!tpu.dma_semaphore, #tpu.memory_space<semaphore_mem>>
      %dma_start3A_74 = arith.constant 0 : i32
      %dma_start3A_75 = arith.constant 0 : i32
      %dma_start3A_76 = tpu.memref_slice %arg3[%arg1, %dma_start3A_74, %dma_start3A_75] : memref<16x80x128xi32, #tpu.memory_space<hbm>> -> memref<1x80x128xi32, #tpu.memory_space<hbm>>
      %dma_start3A_77 = tpu.memref_squeeze %dma_start3A_76 : memref<1x80x128xi32, #tpu.memory_space<hbm>> -> memref<80x128xi32, #tpu.memory_space<hbm>>
      %dma_start3A_78 = arith.constant 0 : i32
      %dma_start3A_79 = arith.constant 0 : i32
      %dma_start3A_80 = tpu.memref_slice %arg3[%arg1, %dma_start3A_78, %dma_start3A_79] : memref<16x80x128xi32, #tpu.memory_space<hbm>> -> memref<1x80x128xi32, #tpu.memory_space<hbm>>
      %dma_start3A_81 = tpu.memref_squeeze %dma_start3A_80 : memref<1x80x128xi32, #tpu.memory_space<hbm>> -> memref<80x128xi32, #tpu.memory_space<hbm>>
      tpu.enqueue_dma source(%dma_start3A_81 : memref<80x128xi32, #tpu.memory_space<hbm>>) target(%arg6 : memref<80x128xi32, #tpu.memory_space<vmem>>) target_semaphore(%run_scoped3A : memref<!tpu.dma_semaphore, #tpu.memory_space<semaphore_mem>>)
      %dma_wait3A_82 = arith.constant 0 : i32
      %dma_wait3A_83 = arith.constant 0 : i32
      %dma_wait3A_84 = tpu.memref_slice %arg3[%arg1, %dma_wait3A_82, %dma_wait3A_83] : memref<16x80x128xi32, #tpu.memory_space<hbm>> -> memref<1x80x128xi32, #tpu.memory_space<hbm>>
      %dma_wait3A_85 = tpu.memref_squeeze %dma_wait3A_84 : memref<1x80x128xi32, #tpu.memory_space<hbm>> -> memref<80x128xi32, #tpu.memory_space<hbm>>
      %dma_wait3A_86 = arith.constant 0 : i32
      %dma_wait3A_87 = arith.constant 0 : i32
      %dma_wait3A_88 = tpu.memref_slice %arg3[%arg1, %dma_wait3A_86, %dma_wait3A_87] : memref<16x80x128xi32, #tpu.memory_space<hbm>> -> memref<1x80x128xi32, #tpu.memory_space<hbm>>
      %dma_wait3A_89 = tpu.memref_squeeze %dma_wait3A_88 : memref<1x80x128xi32, #tpu.memory_space<hbm>> -> memref<80x128xi32, #tpu.memory_space<hbm>>
      tpu.wait_dma2 semaphore(%run_scoped3A : memref<!tpu.dma_semaphore, #tpu.memory_space<semaphore_mem>>) src(%dma_wait3A_89 : memref<80x128xi32, #tpu.memory_space<hbm>>) dst(%arg6 : memref<80x128xi32, #tpu.memory_space<vmem>>)
      tpu.yield
    }) : () -> ()
    %broadcast_in_dim3A = arith.constant 0.000000e+00 : f32
    %broadcast_in_dim3A_0 = vector.broadcast %broadcast_in_dim3A : f32 to vector<16xf32>
    %mul3A = arith.constant 640 : i32
    %mul3A_1 = arith.muli %arg1, %mul3A : i32
    %mul3A_2 = arith.constant 1 : i32
    %mul3A_3 = arith.muli %arg0, %mul3A_2 : i32
    %add3A = arith.constant 0 : i32
    %add3A_4 = arith.addi %mul3A_3, %add3A : i32
    %scan3A = arith.constant 0 : i32
    %scan3A_5 = arith.constant 1024 : i32
    %scan3A_6 = arith.addi %scan3A, %scan3A_5 : i32
    %scan3A_7 = arith.constant 1 : i32
    scf.for %scan3A_74 = %scan3A to %scan3A_6 step %scan3A_7  : i32 {
      %jit3A = arith.constant 8 : i32
      %div3A = arith.divsi %scan3A_74, %jit3A : i32
      %sign3A = arith.constant 0 : i32
      %sign3A_75 = arith.cmpi sgt, %scan3A_74, %sign3A : i32
      %sign3A_76 = arith.extui %sign3A_75 : i1 to i32
      %sign3A_77 = arith.constant 0 : i32
      %sign3A_78 = arith.cmpi slt, %scan3A_74, %sign3A_77 : i32
      %sign3A_79 = arith.extui %sign3A_78 : i1 to i32
      %sign3A_80 = arith.subi %sign3A_76, %sign3A_79 : i32
      %sign3A_81 = arith.constant 0 : i32
      %sign3A_82 = arith.cmpi sgt, %jit3A, %sign3A_81 : i32
      %sign3A_83 = arith.extui %sign3A_82 : i1 to i32
      %sign3A_84 = arith.constant 0 : i32
      %sign3A_85 = arith.cmpi slt, %jit3A, %sign3A_84 : i32
      %sign3A_86 = arith.extui %sign3A_85 : i1 to i32
      %sign3A_87 = arith.subi %sign3A_83, %sign3A_86 : i32
      %ne3A = arith.cmpi ne, %sign3A_80, %sign3A_87 : i32
      %rem3A = arith.remsi %scan3A_74, %jit3A : i32
      %ne3A_88 = arith.constant 0 : i32
      %ne3A_89 = arith.cmpi ne, %rem3A, %ne3A_88 : i32
      %and3A = arith.andi %ne3A, %ne3A_89 : i1
      %sub3A = arith.constant 1 : i32
      %sub3A_90 = arith.subi %div3A, %sub3A : i32
      %select_n3A = arith.select %and3A, %sub3A_90, %div3A : i32
      %jit3A_91 = arith.constant 8 : i32
      %eq3A = arith.constant 0 : i32
      %eq3A_92 = arith.cmpi eq, %jit3A_91, %eq3A : i32
      %jit3A_93 = arith.constant 1 : i32
      %select_n3A_94 = arith.select %eq3A_92, %jit3A_93, %jit3A_91 : i32
      %rem3A_95 = arith.remsi %scan3A_74, %select_n3A_94 : i32
      %ne3A_96 = arith.constant 0 : i32
      %ne3A_97 = arith.cmpi ne, %rem3A_95, %ne3A_96 : i32
      %lt3A = arith.constant 0 : i32
      %lt3A_98 = arith.cmpi slt, %rem3A_95, %lt3A : i32
      %lt3A_99 = arith.constant 0 : i32
      %lt3A_100 = arith.cmpi slt, %select_n3A_94, %lt3A_99 : i32
      %ne3A_101 = arith.xori %lt3A_98, %lt3A_100 : i1
      %and3A_102 = arith.andi %ne3A_101, %ne3A_97 : i1
      %add3A_103 = arith.addi %rem3A_95, %select_n3A_94 : i32
      %select_n3A_104 = arith.select %and3A_102, %add3A_103, %rem3A_95 : i32
      %mul3A_105 = arith.constant 16 : i32
      %mul3A_106 = arith.muli %select_n3A_104, %mul3A_105 : i32
      %swap3A = arith.index_cast %select_n3A : i32 to index
      %swap3A_107 = arith.index_cast %mul3A_106 : i32 to index
      %swap3A_108 = tpu.vector_load %arg11[%swap3A, %swap3A_107] {strides = array<i32>} : memref<128x128xf32, #tpu.memory_space<vmem>>, vector<1x16xf32>,
      %swap3A_109 = vector.shape_cast %swap3A_108 : vector<1x16xf32> to vector<16xf32>
      %swap3A_110 = vector.shape_cast %broadcast_in_dim3A_0 : vector<16xf32> to vector<1x16xf32>
      tpu.vector_store %arg11[%swap3A, %swap3A_107], %swap3A_110 {strides = array<i32>} : memref<128x128xf32, #tpu.memory_space<vmem>>, vector<1x16xf32>,
    }
    %scan3A_8 = arith.constant 1024 : i32
    %add3A_9 = arith.constant 0 : i32
    %add3A_10 = arith.addi %mul3A_1, %add3A_9 : i32
    "tpu.region"() ({
      %run_scoped3A = tpu.sem_alloc : memref<!tpu.dma_semaphore, #tpu.memory_space<semaphore_mem>>
      %dma_start3A_74 = arith.constant 0 : i32
      %dma_start3A_75 = tpu.memref_slice %arg13[%add3A_10, %dma_start3A_74] : memref<10240x128xf32, #tpu.memory_space<vmem_shared>> -> memref<128x128xf32, #tpu.memory_space<vmem_shared>>
      %dma_start3A_76 = arith.constant 0 : i32
      %dma_start3A_77 = tpu.memref_slice %arg13[%add3A_10, %dma_start3A_76] : memref<10240x128xf32, #tpu.memory_space<vmem_shared>> -> memref<128x128xf32, #tpu.memory_space<vmem_shared>>
      tpu.enqueue_dma source(%arg11 : memref<128x128xf32, #tpu.memory_space<vmem>>) target(%dma_start3A_77 : memref<128x128xf32, #tpu.memory_space<vmem_shared>>) target_semaphore(%run_scoped3A : memref<!tpu.dma_semaphore, #tpu.memory_space<semaphore_mem>>)
      %dma_wait3A_78 = arith.constant 0 : i32
      %dma_wait3A_79 = tpu.memref_slice %arg13[%add3A_10, %dma_wait3A_78] : memref<10240x128xf32, #tpu.memory_space<vmem_shared>> -> memref<128x128xf32, #tpu.memory_space<vmem_shared>>
      %dma_wait3A_80 = arith.constant 0 : i32
      %dma_wait3A_81 = tpu.memref_slice %arg13[%add3A_10, %dma_wait3A_80] : memref<10240x128xf32, #tpu.memory_space<vmem_shared>> -> memref<128x128xf32, #tpu.memory_space<vmem_shared>>
      tpu.wait_dma2 semaphore(%run_scoped3A : memref<!tpu.dma_semaphore, #tpu.memory_space<semaphore_mem>>) src(%arg11 : memref<128x128xf32, #tpu.memory_space<vmem>>) dst(%dma_wait3A_81 : memref<128x128xf32, #tpu.memory_space<vmem_shared>>)
      tpu.yield
    }) : () -> ()
    %add3A_11 = arith.constant 128 : i32
    %add3A_12 = arith.addi %mul3A_1, %add3A_11 : i32
    "tpu.region"() ({
      %run_scoped3A = tpu.sem_alloc : memref<!tpu.dma_semaphore, #tpu.memory_space<semaphore_mem>>
      %dma_start3A_74 = arith.constant 0 : i32
      %dma_start3A_75 = tpu.memref_slice %arg13[%add3A_12, %dma_start3A_74] : memref<10240x128xf32, #tpu.memory_space<vmem_shared>> -> memref<128x128xf32, #tpu.memory_space<vmem_shared>>
      %dma_start3A_76 = arith.constant 0 : i32
      %dma_start3A_77 = tpu.memref_slice %arg13[%add3A_12, %dma_start3A_76] : memref<10240x128xf32, #tpu.memory_space<vmem_shared>> -> memref<128x128xf32, #tpu.memory_space<vmem_shared>>
      tpu.enqueue_dma source(%arg11 : memref<128x128xf32, #tpu.memory_space<vmem>>) target(%dma_start3A_77 : memref<128x128xf32, #tpu.memory_space<vmem_shared>>) target_semaphore(%run_scoped3A : memref<!tpu.dma_semaphore, #tpu.memory_space<semaphore_mem>>)
      %dma_wait3A_78 = arith.constant 0 : i32
      %dma_wait3A_79 = tpu.memref_slice %arg13[%add3A_12, %dma_wait3A_78] : memref<10240x128xf32, #tpu.memory_space<vmem_shared>> -> memref<128x128xf32, #tpu.memory_space<vmem_shared>>
      %dma_wait3A_80 = arith.constant 0 : i32
      %dma_wait3A_81 = tpu.memref_slice %arg13[%add3A_12, %dma_wait3A_80] : memref<10240x128xf32, #tpu.memory_space<vmem_shared>> -> memref<128x128xf32, #tpu.memory_space<vmem_shared>>
      tpu.wait_dma2 semaphore(%run_scoped3A : memref<!tpu.dma_semaphore, #tpu.memory_space<semaphore_mem>>) src(%arg11 : memref<128x128xf32, #tpu.memory_space<vmem>>) dst(%dma_wait3A_81 : memref<128x128xf32, #tpu.memory_space<vmem_shared>>)
      tpu.yield
    }) : () -> ()
    %add3A_13 = arith.constant 256 : i32
    %add3A_14 = arith.addi %mul3A_1, %add3A_13 : i32
    "tpu.region"() ({
      %run_scoped3A = tpu.sem_alloc : memref<!tpu.dma_semaphore, #tpu.memory_space<semaphore_mem>>
      %dma_start3A_74 = arith.constant 0 : i32
      %dma_start3A_75 = tpu.memref_slice %arg13[%add3A_14, %dma_start3A_74] : memref<10240x128xf32, #tpu.memory_space<vmem_shared>> -> memref<128x128xf32, #tpu.memory_space<vmem_shared>>
      %dma_start3A_76 = arith.constant 0 : i32
      %dma_start3A_77 = tpu.memref_slice %arg13[%add3A_14, %dma_start3A_76] : memref<10240x128xf32, #tpu.memory_space<vmem_shared>> -> memref<128x128xf32, #tpu.memory_space<vmem_shared>>
      tpu.enqueue_dma source(%arg11 : memref<128x128xf32, #tpu.memory_space<vmem>>) target(%dma_start3A_77 : memref<128x128xf32, #tpu.memory_space<vmem_shared>>) target_semaphore(%run_scoped3A : memref<!tpu.dma_semaphore, #tpu.memory_space<semaphore_mem>>)
      %dma_wait3A_78 = arith.constant 0 : i32
      %dma_wait3A_79 = tpu.memref_slice %arg13[%add3A_14, %dma_wait3A_78] : memref<10240x128xf32, #tpu.memory_space<vmem_shared>> -> memref<128x128xf32, #tpu.memory_space<vmem_shared>>
      %dma_wait3A_80 = arith.constant 0 : i32
      %dma_wait3A_81 = tpu.memref_slice %arg13[%add3A_14, %dma_wait3A_80] : memref<10240x128xf32, #tpu.memory_space<vmem_shared>> -> memref<128x128xf32, #tpu.memory_space<vmem_shared>>
      tpu.wait_dma2 semaphore(%run_scoped3A : memref<!tpu.dma_semaphore, #tpu.memory_space<semaphore_mem>>) src(%arg11 : memref<128x128xf32, #tpu.memory_space<vmem>>) dst(%dma_wait3A_81 : memref<128x128xf32, #tpu.memory_space<vmem_shared>>)
      tpu.yield
    }) : () -> ()
    %add3A_15 = arith.constant 384 : i32
    %add3A_16 = arith.addi %mul3A_1, %add3A_15 : i32
    "tpu.region"() ({
      %run_scoped3A = tpu.sem_alloc : memref<!tpu.dma_semaphore, #tpu.memory_space<semaphore_mem>>
      %dma_start3A_74 = arith.constant 0 : i32
      %dma_start3A_75 = tpu.memref_slice %arg13[%add3A_16, %dma_start3A_74] : memref<10240x128xf32, #tpu.memory_space<vmem_shared>> -> memref<128x128xf32, #tpu.memory_space<vmem_shared>>
      %dma_start3A_76 = arith.constant 0 : i32
      %dma_start3A_77 = tpu.memref_slice %arg13[%add3A_16, %dma_start3A_76] : memref<10240x128xf32, #tpu.memory_space<vmem_shared>> -> memref<128x128xf32, #tpu.memory_space<vmem_shared>>
      tpu.enqueue_dma source(%arg11 : memref<128x128xf32, #tpu.memory_space<vmem>>) target(%dma_start3A_77 : memref<128x128xf32, #tpu.memory_space<vmem_shared>>) target_semaphore(%run_scoped3A : memref<!tpu.dma_semaphore, #tpu.memory_space<semaphore_mem>>)
      %dma_wait3A_78 = arith.constant 0 : i32
      %dma_wait3A_79 = tpu.memref_slice %arg13[%add3A_16, %dma_wait3A_78] : memref<10240x128xf32, #tpu.memory_space<vmem_shared>> -> memref<128x128xf32, #tpu.memory_space<vmem_shared>>
      %dma_wait3A_80 = arith.constant 0 : i32
      %dma_wait3A_81 = tpu.memref_slice %arg13[%add3A_16, %dma_wait3A_80] : memref<10240x128xf32, #tpu.memory_space<vmem_shared>> -> memref<128x128xf32, #tpu.memory_space<vmem_shared>>
      tpu.wait_dma2 semaphore(%run_scoped3A : memref<!tpu.dma_semaphore, #tpu.memory_space<semaphore_mem>>) src(%arg11 : memref<128x128xf32, #tpu.memory_space<vmem>>) dst(%dma_wait3A_81 : memref<128x128xf32, #tpu.memory_space<vmem_shared>>)
      tpu.yield
    }) : () -> ()
    %add3A_17 = arith.constant 512 : i32
    %add3A_18 = arith.addi %mul3A_1, %add3A_17 : i32
    "tpu.region"() ({
      %run_scoped3A = tpu.sem_alloc : memref<!tpu.dma_semaphore, #tpu.memory_space<semaphore_mem>>
      %dma_start3A_74 = arith.constant 0 : i32
      %dma_start3A_75 = tpu.memref_slice %arg13[%add3A_18, %dma_start3A_74] : memref<10240x128xf32, #tpu.memory_space<vmem_shared>> -> memref<128x128xf32, #tpu.memory_space<vmem_shared>>
      %dma_start3A_76 = arith.constant 0 : i32
      %dma_start3A_77 = tpu.memref_slice %arg13[%add3A_18, %dma_start3A_76] : memref<10240x128xf32, #tpu.memory_space<vmem_shared>> -> memref<128x128xf32, #tpu.memory_space<vmem_shared>>
      tpu.enqueue_dma source(%arg11 : memref<128x128xf32, #tpu.memory_space<vmem>>) target(%dma_start3A_77 : memref<128x128xf32, #tpu.memory_space<vmem_shared>>) target_semaphore(%run_scoped3A : memref<!tpu.dma_semaphore, #tpu.memory_space<semaphore_mem>>)
      %dma_wait3A_78 = arith.constant 0 : i32
      %dma_wait3A_79 = tpu.memref_slice %arg13[%add3A_18, %dma_wait3A_78] : memref<10240x128xf32, #tpu.memory_space<vmem_shared>> -> memref<128x128xf32, #tpu.memory_space<vmem_shared>>
      %dma_wait3A_80 = arith.constant 0 : i32
      %dma_wait3A_81 = tpu.memref_slice %arg13[%add3A_18, %dma_wait3A_80] : memref<10240x128xf32, #tpu.memory_space<vmem_shared>> -> memref<128x128xf32, #tpu.memory_space<vmem_shared>>
      tpu.wait_dma2 semaphore(%run_scoped3A : memref<!tpu.dma_semaphore, #tpu.memory_space<semaphore_mem>>) src(%arg11 : memref<128x128xf32, #tpu.memory_space<vmem>>) dst(%dma_wait3A_81 : memref<128x128xf32, #tpu.memory_space<vmem_shared>>)
      tpu.yield
    }) : () -> ()
    %barrier3A = arith.constant 0 : index
    tpu.barrier barrier_id(%barrier3A)
    %dma_start3A = arith.constant 0 : i32
    %dma_start3A_19 = arith.constant 0 : i32
    %dma_start3A_20 = tpu.memref_slice %arg2[%add3A_4, %arg1, %dma_start3A, %dma_start3A_19] : memref<2x16x80x128xi32, #tpu.memory_space<hbm>> -> memref<1x1x1x128xi32, #tpu.memory_space<hbm>>
    %dma_start3A_21 = tpu.memref_squeeze %dma_start3A_20 : memref<1x1x1x128xi32, #tpu.memory_space<hbm>> -> memref<128xi32, #tpu.memory_space<hbm>>
    %dma_start3A_22 = arith.constant 0 : i32
    %dma_start3A_23 = tpu.memref_slice %arg2[%add3A_4, %arg1, %dma_start3A, %dma_start3A_22] : memref<2x16x80x128xi32, #tpu.memory_space<hbm>> -> memref<1x1x1x128xi32, #tpu.memory_space<hbm>>
    %dma_start3A_24 = tpu.memref_squeeze %dma_start3A_23 : memref<1x1x1x128xi32, #tpu.memory_space<hbm>> -> memref<128xi32, #tpu.memory_space<hbm>>
    tpu.enqueue_dma source(%dma_start3A_24 : memref<128xi32, #tpu.memory_space<hbm>>) target(%arg7 : memref<128xi32, #tpu.memory_space<vmem>>) target_semaphore(%arg14 : memref<!tpu.dma_semaphore, #tpu.memory_space<semaphore_mem>>)
    %dma_wait3A = arith.constant 0 : i32
    %dma_wait3A_25 = arith.constant 0 : i32
    %dma_wait3A_26 = tpu.memref_slice %arg2[%add3A_4, %arg1, %dma_wait3A, %dma_wait3A_25] : memref<2x16x80x128xi32, #tpu.memory_space<hbm>> -> memref<1x1x1x128xi32, #tpu.memory_space<hbm>>
    %dma_wait3A_27 = tpu.memref_squeeze %dma_wait3A_26 : memref<1x1x1x128xi32, #tpu.memory_space<hbm>> -> memref<128xi32, #tpu.memory_space<hbm>>
    %dma_wait3A_28 = arith.constant 0 : i32
    %dma_wait3A_29 = tpu.memref_slice %arg2[%add3A_4, %arg1, %dma_wait3A, %dma_wait3A_28] : memref<2x16x80x128xi32, #tpu.memory_space<hbm>> -> memref<1x1x1x128xi32, #tpu.memory_space<hbm>>
    %dma_wait3A_30 = tpu.memref_squeeze %dma_wait3A_29 : memref<1x1x1x128xi32, #tpu.memory_space<hbm>> -> memref<128xi32, #tpu.memory_space<hbm>>
    tpu.wait_dma2 semaphore(%arg14 : memref<!tpu.dma_semaphore, #tpu.memory_space<semaphore_mem>>) src(%dma_wait3A_30 : memref<128xi32, #tpu.memory_space<hbm>>) dst(%arg7 : memref<128xi32, #tpu.memory_space<vmem>>)
    %dma_start3A_31 = arith.constant 0 : i32
    %dma_start3A_32 = arith.constant 0 : i32
    %dma_start3A_33 = tpu.memref_slice %arg4[%dma_start3A_31, %dma_start3A_32] : memref<20480x128xf32, #tpu.memory_space<hbm>> -> memref<20480x128xf32, #tpu.memory_space<hbm>>
    tpu.enqueue_indirect_dma source(%dma_start3A_33 : memref<20480x128xf32, #tpu.memory_space<hbm>>) target(%arg11 : memref<128x128xf32, #tpu.memory_space<vmem>>) offsets(%arg7 : memref<128xi32, #tpu.memory_space<vmem>>) semaphore(%arg18 : memref<!tpu.dma_semaphore, #tpu.memory_space<semaphore_mem>>)
    %dma_start3A_34 = arith.constant 1 : i32
    %dma_start3A_35 = arith.constant 0 : i32
    %dma_start3A_36 = tpu.memref_slice %arg2[%add3A_4, %arg1, %dma_start3A_34, %dma_start3A_35] : memref<2x16x80x128xi32, #tpu.memory_space<hbm>> -> memref<1x1x1x128xi32, #tpu.memory_space<hbm>>
    %dma_start3A_37 = tpu.memref_squeeze %dma_start3A_36 : memref<1x1x1x128xi32, #tpu.memory_space<hbm>> -> memref<128xi32, #tpu.memory_space<hbm>>
    %dma_start3A_38 = arith.constant 0 : i32
    %dma_start3A_39 = tpu.memref_slice %arg2[%add3A_4, %arg1, %dma_start3A_34, %dma_start3A_38] : memref<2x16x80x128xi32, #tpu.memory_space<hbm>> -> memref<1x1x1x128xi32, #tpu.memory_space<hbm>>
    %dma_start3A_40 = tpu.memref_squeeze %dma_start3A_39 : memref<1x1x1x128xi32, #tpu.memory_space<hbm>> -> memref<128xi32, #tpu.memory_space<hbm>>
    tpu.enqueue_dma source(%dma_start3A_40 : memref<128xi32, #tpu.memory_space<hbm>>) target(%arg8 : memref<128xi32, #tpu.memory_space<vmem>>) target_semaphore(%arg15 : memref<!tpu.dma_semaphore, #tpu.memory_space<semaphore_mem>>)
    %scan3A_41 = arith.constant 0 : i32
    %scan3A_42 = arith.constant 40 : i32
    %scan3A_43 = arith.addi %scan3A_41, %scan3A_42 : i32
    %scan3A_44 = arith.constant 1 : i32
    scf.for %scan3A_74 = %scan3A_41 to %scan3A_43 step %scan3A_44  : i32 {
      %mul3A_75 = arith.constant 2 : i32
      %mul3A_76 = arith.muli %mul3A_75, %scan3A_74 : i32
      %add3A_77 = arith.constant 1 : i32
      %add3A_78 = arith.addi %mul3A_76, %add3A_77 : i32
      %dma_wait3A_79 = arith.constant 0 : i32
      %dma_wait3A_80 = tpu.memref_slice %arg2[%add3A_4, %arg1, %add3A_78, %dma_wait3A_79] : memref<2x16x80x128xi32, #tpu.memory_space<hbm>> -> memref<1x1x1x128xi32, #tpu.memory_space<hbm>>
      %dma_wait3A_81 = tpu.memref_squeeze %dma_wait3A_80 : memref<1x1x1x128xi32, #tpu.memory_space<hbm>> -> memref<128xi32, #tpu.memory_space<hbm>>
      %dma_wait3A_82 = arith.constant 0 : i32
      %dma_wait3A_83 = tpu.memref_slice %arg2[%add3A_4, %arg1, %add3A_78, %dma_wait3A_82] : memref<2x16x80x128xi32, #tpu.memory_space<hbm>> -> memref<1x1x1x128xi32, #tpu.memory_space<hbm>>
      %dma_wait3A_84 = tpu.memref_squeeze %dma_wait3A_83 : memref<1x1x1x128xi32, #tpu.memory_space<hbm>> -> memref<128xi32, #tpu.memory_space<hbm>>
      tpu.wait_dma2 semaphore(%arg15 : memref<!tpu.dma_semaphore, #tpu.memory_space<semaphore_mem>>) src(%dma_wait3A_84 : memref<128xi32, #tpu.memory_space<hbm>>) dst(%arg8 : memref<128xi32, #tpu.memory_space<vmem>>)
      %dma_start3A_85 = arith.constant 0 : i32
      %dma_start3A_86 = arith.constant 0 : i32
      %dma_start3A_87 = tpu.memref_slice %arg4[%dma_start3A_85, %dma_start3A_86] : memref<20480x128xf32, #tpu.memory_space<hbm>> -> memref<20480x128xf32, #tpu.memory_space<hbm>>
      tpu.enqueue_indirect_dma source(%dma_start3A_87 : memref<20480x128xf32, #tpu.memory_space<hbm>>) target(%arg12 : memref<128x128xf32, #tpu.memory_space<vmem>>) offsets(%arg8 : memref<128xi32, #tpu.memory_space<vmem>>) semaphore(%arg19 : memref<!tpu.dma_semaphore, #tpu.memory_space<semaphore_mem>>)
      %add3A_88 = arith.constant 2 : i32
      %add3A_89 = arith.addi %mul3A_76, %add3A_88 : i32
      %lt3A = arith.constant 80 : i32
      %lt3A_90 = arith.cmpi slt, %add3A_89, %lt3A : i32
      %convert_element_type3A = arith.extui %lt3A_90 : i1 to i32
      %cond3A = arith.constant 0 : i32
      %cond3A_91 = arith.cmpi ne, %convert_element_type3A, %cond3A : i32
      scf.if %cond3A_91 {
        %add3A_114 = arith.constant 2 : i32
        %add3A_115 = arith.addi %mul3A_76, %add3A_114 : i32
        %dma_start3A_116 = arith.constant 0 : i32
        %dma_start3A_117 = tpu.memref_slice %arg2[%add3A_4, %arg1, %add3A_115, %dma_start3A_116] : memref<2x16x80x128xi32, #tpu.memory_space<hbm>> -> memref<1x1x1x128xi32, #tpu.memory_space<hbm>>
        %dma_start3A_118 = tpu.memref_squeeze %dma_start3A_117 : memref<1x1x1x128xi32, #tpu.memory_space<hbm>> -> memref<128xi32, #tpu.memory_space<hbm>>
        %dma_start3A_119 = arith.constant 0 : i32
        %dma_start3A_120 = tpu.memref_slice %arg2[%add3A_4, %arg1, %add3A_115, %dma_start3A_119] : memref<2x16x80x128xi32, #tpu.memory_space<hbm>> -> memref<1x1x1x128xi32, #tpu.memory_space<hbm>>
        %dma_start3A_121 = tpu.memref_squeeze %dma_start3A_120 : memref<1x1x1x128xi32, #tpu.memory_space<hbm>> -> memref<128xi32, #tpu.memory_space<hbm>>
        tpu.enqueue_dma source(%dma_start3A_121 : memref<128xi32, #tpu.memory_space<hbm>>) target(%arg7 : memref<128xi32, #tpu.memory_space<vmem>>) target_semaphore(%arg14 : memref<!tpu.dma_semaphore, #tpu.memory_space<semaphore_mem>>)
      } else {
      }
      %dma_wait3A_92 = arith.constant 0 : i32
      %dma_wait3A_93 = arith.constant 0 : i32
      %dma_wait3A_94 = tpu.memref_slice %arg4[%dma_wait3A_92, %dma_wait3A_93] : memref<20480x128xf32, #tpu.memory_space<hbm>> -> memref<20480x128xf32, #tpu.memory_space<hbm>>
      tpu.wait_indirect_dma semaphore(%arg18 : memref<!tpu.dma_semaphore, #tpu.memory_space<semaphore_mem>>) src(%dma_wait3A_94 : memref<20480x128xf32, #tpu.memory_space<hbm>>) dst(%arg11 : memref<128x128xf32, #tpu.memory_space<vmem>>)
      "tpu.region"() ({
        %run_scoped3A = tpu.sem_alloc : memref<!tpu.dma_semaphore, #tpu.memory_space<semaphore_mem>>
        %dma_start3A_114 = arith.constant 0 : i32
        %dma_start3A_115 = tpu.memref_slice %arg6[%mul3A_76, %dma_start3A_114] : memref<80x128xi32, #tpu.memory_space<vmem>> -> memref<1x128xi32, #tpu.memory_space<vmem>>
        %dma_start3A_116 = tpu.memref_squeeze %dma_start3A_115 : memref<1x128xi32, #tpu.memory_space<vmem>> -> memref<128xi32, #tpu.memory_space<vmem>>
        %dma_start3A_117 = arith.constant 0 : i32
        %dma_start3A_118 = arith.constant 0 : i32
        %dma_start3A_119 = tpu.memref_slice %arg13[%dma_start3A_117, %dma_start3A_118] : memref<10240x128xf32, #tpu.memory_space<vmem_shared>> -> memref<10240x128xf32, #tpu.memory_space<vmem_shared>>
        tpu.enqueue_indirect_dma source(%arg11 : memref<128x128xf32, #tpu.memory_space<vmem>>) target(%dma_start3A_119 : memref<10240x128xf32, #tpu.memory_space<vmem_shared>>) offsets(%dma_start3A_116 : memref<128xi32, #tpu.memory_space<vmem>>) semaphore(%run_scoped3A : memref<!tpu.dma_semaphore, #tpu.memory_space<semaphore_mem>>) {add = true}
        %dma_wait3A_120 = arith.constant 0 : i32
        %dma_wait3A_121 = tpu.memref_slice %arg6[%mul3A_76, %dma_wait3A_120] : memref<80x128xi32, #tpu.memory_space<vmem>> -> memref<1x128xi32, #tpu.memory_space<vmem>>
        %dma_wait3A_122 = tpu.memref_squeeze %dma_wait3A_121 : memref<1x128xi32, #tpu.memory_space<vmem>> -> memref<128xi32, #tpu.memory_space<vmem>>
        %dma_wait3A_123 = arith.constant 0 : i32
        %dma_wait3A_124 = arith.constant 0 : i32
        %dma_wait3A_125 = tpu.memref_slice %arg13[%dma_wait3A_123, %dma_wait3A_124] : memref<10240x128xf32, #tpu.memory_space<vmem_shared>> -> memref<10240x128xf32, #tpu.memory_space<vmem_shared>>
        tpu.wait_indirect_dma semaphore(%run_scoped3A : memref<!tpu.dma_semaphore, #tpu.memory_space<semaphore_mem>>) src(%arg11 : memref<128x128xf32, #tpu.memory_space<vmem>>) dst(%dma_wait3A_125 : memref<10240x128xf32, #tpu.memory_space<vmem_shared>>)
        tpu.yield
      }) : () -> ()
      %add3A_95 = arith.constant 2 : i32
      %add3A_96 = arith.addi %mul3A_76, %add3A_95 : i32
      %lt3A_97 = arith.constant 80 : i32
      %lt3A_98 = arith.cmpi slt, %add3A_96, %lt3A_97 : i32
      %convert_element_type3A_99 = arith.extui %lt3A_98 : i1 to i32
      %cond3A_100 = arith.constant 0 : i32
      %cond3A_101 = arith.cmpi ne, %convert_element_type3A_99, %cond3A_100 : i32
      scf.if %cond3A_101 {
        %add3A_114 = arith.constant 2 : i32
        %add3A_115 = arith.addi %mul3A_76, %add3A_114 : i32
        %dma_wait3A_116 = arith.constant 0 : i32
        %dma_wait3A_117 = tpu.memref_slice %arg2[%add3A_4, %arg1, %add3A_115, %dma_wait3A_116] : memref<2x16x80x128xi32, #tpu.memory_space<hbm>> -> memref<1x1x1x128xi32, #tpu.memory_space<hbm>>
        %dma_wait3A_118 = tpu.memref_squeeze %dma_wait3A_117 : memref<1x1x1x128xi32, #tpu.memory_space<hbm>> -> memref<128xi32, #tpu.memory_space<hbm>>
        %dma_wait3A_119 = arith.constant 0 : i32
        %dma_wait3A_120 = tpu.memref_slice %arg2[%add3A_4, %arg1, %add3A_115, %dma_wait3A_119] : memref<2x16x80x128xi32, #tpu.memory_space<hbm>> -> memref<1x1x1x128xi32, #tpu.memory_space<hbm>>
        %dma_wait3A_121 = tpu.memref_squeeze %dma_wait3A_120 : memref<1x1x1x128xi32, #tpu.memory_space<hbm>> -> memref<128xi32, #tpu.memory_space<hbm>>
        tpu.wait_dma2 semaphore(%arg14 : memref<!tpu.dma_semaphore, #tpu.memory_space<semaphore_mem>>) src(%dma_wait3A_121 : memref<128xi32, #tpu.memory_space<hbm>>) dst(%arg7 : memref<128xi32, #tpu.memory_space<vmem>>)
        %dma_start3A_122 = arith.constant 0 : i32
        %dma_start3A_123 = arith.constant 0 : i32
        %dma_start3A_124 = tpu.memref_slice %arg4[%dma_start3A_122, %dma_start3A_123] : memref<20480x128xf32, #tpu.memory_space<hbm>> -> memref<20480x128xf32, #tpu.memory_space<hbm>>
        tpu.enqueue_indirect_dma source(%dma_start3A_124 : memref<20480x128xf32, #tpu.memory_space<hbm>>) target(%arg11 : memref<128x128xf32, #tpu.memory_space<vmem>>) offsets(%arg7 : memref<128xi32, #tpu.memory_space<vmem>>) semaphore(%arg18 : memref<!tpu.dma_semaphore, #tpu.memory_space<semaphore_mem>>)
      } else {
      }
      %add3A_102 = arith.constant 3 : i32
      %add3A_103 = arith.addi %mul3A_76, %add3A_102 : i32
      %lt3A_104 = arith.constant 80 : i32
      %lt3A_105 = arith.cmpi slt, %add3A_103, %lt3A_104 : i32
      %convert_element_type3A_106 = arith.extui %lt3A_105 : i1 to i32
      %cond3A_107 = arith.constant 0 : i32
      %cond3A_108 = arith.cmpi ne, %convert_element_type3A_106, %cond3A_107 : i32
      scf.if %cond3A_108 {
        %add3A_114 = arith.constant 3 : i32
        %add3A_115 = arith.addi %mul3A_76, %add3A_114 : i32
        %dma_start3A_116 = arith.constant 0 : i32
        %dma_start3A_117 = tpu.memref_slice %arg2[%add3A_4, %arg1, %add3A_115, %dma_start3A_116] : memref<2x16x80x128xi32, #tpu.memory_space<hbm>> -> memref<1x1x1x128xi32, #tpu.memory_space<hbm>>
        %dma_start3A_118 = tpu.memref_squeeze %dma_start3A_117 : memref<1x1x1x128xi32, #tpu.memory_space<hbm>> -> memref<128xi32, #tpu.memory_space<hbm>>
        %dma_start3A_119 = arith.constant 0 : i32
        %dma_start3A_120 = tpu.memref_slice %arg2[%add3A_4, %arg1, %add3A_115, %dma_start3A_119] : memref<2x16x80x128xi32, #tpu.memory_space<hbm>> -> memref<1x1x1x128xi32, #tpu.memory_space<hbm>>
        %dma_start3A_121 = tpu.memref_squeeze %dma_start3A_120 : memref<1x1x1x128xi32, #tpu.memory_space<hbm>> -> memref<128xi32, #tpu.memory_space<hbm>>
        tpu.enqueue_dma source(%dma_start3A_121 : memref<128xi32, #tpu.memory_space<hbm>>) target(%arg8 : memref<128xi32, #tpu.memory_space<vmem>>) target_semaphore(%arg15 : memref<!tpu.dma_semaphore, #tpu.memory_space<semaphore_mem>>)
      } else {
      }
      %dma_wait3A_109 = arith.constant 0 : i32
      %dma_wait3A_110 = arith.constant 0 : i32
      %dma_wait3A_111 = tpu.memref_slice %arg4[%dma_wait3A_109, %dma_wait3A_110] : memref<20480x128xf32, #tpu.memory_space<hbm>> -> memref<20480x128xf32, #tpu.memory_space<hbm>>
      tpu.wait_indirect_dma semaphore(%arg19 : memref<!tpu.dma_semaphore, #tpu.memory_space<semaphore_mem>>) src(%dma_wait3A_111 : memref<20480x128xf32, #tpu.memory_space<hbm>>) dst(%arg12 : memref<128x128xf32, #tpu.memory_space<vmem>>)
      %add3A_112 = arith.constant 1 : i32
      %add3A_113 = arith.addi %mul3A_76, %add3A_112 : i32
      "tpu.region"() ({
        %run_scoped3A = tpu.sem_alloc : memref<!tpu.dma_semaphore, #tpu.memory_space<semaphore_mem>>
        %dma_start3A_114 = arith.constant 0 : i32
        %dma_start3A_115 = tpu.memref_slice %arg6[%add3A_113, %dma_start3A_114] : memref<80x128xi32, #tpu.memory_space<vmem>> -> memref<1x128xi32, #tpu.memory_space<vmem>>
        %dma_start3A_116 = tpu.memref_squeeze %dma_start3A_115 : memref<1x128xi32, #tpu.memory_space<vmem>> -> memref<128xi32, #tpu.memory_space<vmem>>
        %dma_start3A_117 = arith.constant 0 : i32
        %dma_start3A_118 = arith.constant 0 : i32
        %dma_start3A_119 = tpu.memref_slice %arg13[%dma_start3A_117, %dma_start3A_118] : memref<10240x128xf32, #tpu.memory_space<vmem_shared>> -> memref<10240x128xf32, #tpu.memory_space<vmem_shared>>
        tpu.enqueue_indirect_dma source(%arg12 : memref<128x128xf32, #tpu.memory_space<vmem>>) target(%dma_start3A_119 : memref<10240x128xf32, #tpu.memory_space<vmem_shared>>) offsets(%dma_start3A_116 : memref<128xi32, #tpu.memory_space<vmem>>) semaphore(%run_scoped3A : memref<!tpu.dma_semaphore, #tpu.memory_space<semaphore_mem>>) {add = true}
        %dma_wait3A_120 = arith.constant 0 : i32
        %dma_wait3A_121 = tpu.memref_slice %arg6[%add3A_113, %dma_wait3A_120] : memref<80x128xi32, #tpu.memory_space<vmem>> -> memref<1x128xi32, #tpu.memory_space<vmem>>
        %dma_wait3A_122 = tpu.memref_squeeze %dma_wait3A_121 : memref<1x128xi32, #tpu.memory_space<vmem>> -> memref<128xi32, #tpu.memory_space<vmem>>
        %dma_wait3A_123 = arith.constant 0 : i32
        %dma_wait3A_124 = arith.constant 0 : i32
        %dma_wait3A_125 = tpu.memref_slice %arg13[%dma_wait3A_123, %dma_wait3A_124] : memref<10240x128xf32, #tpu.memory_space<vmem_shared>> -> memref<10240x128xf32, #tpu.memory_space<vmem_shared>>
        tpu.wait_indirect_dma semaphore(%run_scoped3A : memref<!tpu.dma_semaphore, #tpu.memory_space<semaphore_mem>>) src(%arg12 : memref<128x128xf32, #tpu.memory_space<vmem>>) dst(%dma_wait3A_125 : memref<10240x128xf32, #tpu.memory_space<vmem_shared>>)
        tpu.yield
      }) : () -> ()
    }
    %scan3A_45 = arith.constant 40 : i32
    %barrier3A_46 = arith.constant 0 : index
    tpu.barrier barrier_id(%barrier3A_46)
    %mul3A_47 = arith.constant 10240 : i32
    %mul3A_48 = arith.muli %add3A_4, %mul3A_47 : i32
    %add3A_49 = arith.constant 0 : i32
    %add3A_50 = arith.addi %mul3A_1, %add3A_49 : i32
    %add3A_51 = arith.addi %mul3A_48, %mul3A_1 : i32
    %add3A_52 = arith.constant 0 : i32
    %add3A_53 = arith.addi %add3A_51, %add3A_52 : i32
    "tpu.region"() ({
      %run_scoped3A = tpu.sem_alloc : memref<!tpu.dma_semaphore, #tpu.memory_space<semaphore_mem>>
      %dma_start3A_74 = arith.constant 0 : i32
      %dma_start3A_75 = tpu.memref_slice %arg5[%add3A_53, %dma_start3A_74] : memref<20480x128xf32, #tpu.memory_space<hbm>> -> memref<128x128xf32, #tpu.memory_space<hbm>>
      %dma_start3A_76 = arith.constant 0 : i32
      %dma_start3A_77 = tpu.memref_slice %arg13[%add3A_50, %dma_start3A_76] : memref<10240x128xf32, #tpu.memory_space<vmem_shared>> -> memref<128x128xf32, #tpu.memory_space<vmem_shared>>
      tpu.enqueue_dma source(%dma_start3A_77 : memref<128x128xf32, #tpu.memory_space<vmem_shared>>) target(%dma_start3A_75 : memref<128x128xf32, #tpu.memory_space<hbm>>) target_semaphore(%run_scoped3A : memref<!tpu.dma_semaphore, #tpu.memory_space<semaphore_mem>>)
      %dma_wait3A_78 = arith.constant 0 : i32
      %dma_wait3A_79 = tpu.memref_slice %arg5[%add3A_53, %dma_wait3A_78] : memref<20480x128xf32, #tpu.memory_space<hbm>> -> memref<128x128xf32, #tpu.memory_space<hbm>>
      %dma_wait3A_80 = arith.constant 0 : i32
      %dma_wait3A_81 = tpu.memref_slice %arg13[%add3A_50, %dma_wait3A_80] : memref<10240x128xf32, #tpu.memory_space<vmem_shared>> -> memref<128x128xf32, #tpu.memory_space<vmem_shared>>
      tpu.wait_dma2 semaphore(%run_scoped3A : memref<!tpu.dma_semaphore, #tpu.memory_space<semaphore_mem>>) src(%dma_wait3A_81 : memref<128x128xf32, #tpu.memory_space<vmem_shared>>) dst(%dma_wait3A_79 : memref<128x128xf32, #tpu.memory_space<hbm>>)
      tpu.yield
    }) : () -> ()
    %add3A_54 = arith.constant 128 : i32
    %add3A_55 = arith.addi %mul3A_1, %add3A_54 : i32
    %add3A_56 = arith.addi %mul3A_48, %mul3A_1 : i32
    %add3A_57 = arith.constant 128 : i32
    %add3A_58 = arith.addi %add3A_56, %add3A_57 : i32
    "tpu.region"() ({
      %run_scoped3A = tpu.sem_alloc : memref<!tpu.dma_semaphore, #tpu.memory_space<semaphore_mem>>
      %dma_start3A_74 = arith.constant 0 : i32
      %dma_start3A_75 = tpu.memref_slice %arg5[%add3A_58, %dma_start3A_74] : memref<20480x128xf32, #tpu.memory_space<hbm>> -> memref<128x128xf32, #tpu.memory_space<hbm>>
      %dma_start3A_76 = arith.constant 0 : i32
      %dma_start3A_77 = tpu.memref_slice %arg13[%add3A_55, %dma_start3A_76] : memref<10240x128xf32, #tpu.memory_space<vmem_shared>> -> memref<128x128xf32, #tpu.memory_space<vmem_shared>>
      tpu.enqueue_dma source(%dma_start3A_77 : memref<128x128xf32, #tpu.memory_space<vmem_shared>>) target(%dma_start3A_75 : memref<128x128xf32, #tpu.memory_space<hbm>>) target_semaphore(%run_scoped3A : memref<!tpu.dma_semaphore, #tpu.memory_space<semaphore_mem>>)
      %dma_wait3A_78 = arith.constant 0 : i32
      %dma_wait3A_79 = tpu.memref_slice %arg5[%add3A_58, %dma_wait3A_78] : memref<20480x128xf32, #tpu.memory_space<hbm>> -> memref<128x128xf32, #tpu.memory_space<hbm>>
      %dma_wait3A_80 = arith.constant 0 : i32
      %dma_wait3A_81 = tpu.memref_slice %arg13[%add3A_55, %dma_wait3A_80] : memref<10240x128xf32, #tpu.memory_space<vmem_shared>> -> memref<128x128xf32, #tpu.memory_space<vmem_shared>>
      tpu.wait_dma2 semaphore(%run_scoped3A : memref<!tpu.dma_semaphore, #tpu.memory_space<semaphore_mem>>) src(%dma_wait3A_81 : memref<128x128xf32, #tpu.memory_space<vmem_shared>>) dst(%dma_wait3A_79 : memref<128x128xf32, #tpu.memory_space<hbm>>)
      tpu.yield
    }) : () -> ()
    %add3A_59 = arith.constant 256 : i32
    %add3A_60 = arith.addi %mul3A_1, %add3A_59 : i32
    %add3A_61 = arith.addi %mul3A_48, %mul3A_1 : i32
    %add3A_62 = arith.constant 256 : i32
    %add3A_63 = arith.addi %add3A_61, %add3A_62 : i32
    "tpu.region"() ({
      %run_scoped3A = tpu.sem_alloc : memref<!tpu.dma_semaphore, #tpu.memory_space<semaphore_mem>>
      %dma_start3A_74 = arith.constant 0 : i32
      %dma_start3A_75 = tpu.memref_slice %arg5[%add3A_63, %dma_start3A_74] : memref<20480x128xf32, #tpu.memory_space<hbm>> -> memref<128x128xf32, #tpu.memory_space<hbm>>
      %dma_start3A_76 = arith.constant 0 : i32
      %dma_start3A_77 = tpu.memref_slice %arg13[%add3A_60, %dma_start3A_76] : memref<10240x128xf32, #tpu.memory_space<vmem_shared>> -> memref<128x128xf32, #tpu.memory_space<vmem_shared>>
      tpu.enqueue_dma source(%dma_start3A_77 : memref<128x128xf32, #tpu.memory_space<vmem_shared>>) target(%dma_start3A_75 : memref<128x128xf32, #tpu.memory_space<hbm>>) target_semaphore(%run_scoped3A : memref<!tpu.dma_semaphore, #tpu.memory_space<semaphore_mem>>)
      %dma_wait3A_78 = arith.constant 0 : i32
      %dma_wait3A_79 = tpu.memref_slice %arg5[%add3A_63, %dma_wait3A_78] : memref<20480x128xf32, #tpu.memory_space<hbm>> -> memref<128x128xf32, #tpu.memory_space<hbm>>
      %dma_wait3A_80 = arith.constant 0 : i32
      %dma_wait3A_81 = tpu.memref_slice %arg13[%add3A_60, %dma_wait3A_80] : memref<10240x128xf32, #tpu.memory_space<vmem_shared>> -> memref<128x128xf32, #tpu.memory_space<vmem_shared>>
      tpu.wait_dma2 semaphore(%run_scoped3A : memref<!tpu.dma_semaphore, #tpu.memory_space<semaphore_mem>>) src(%dma_wait3A_81 : memref<128x128xf32, #tpu.memory_space<vmem_shared>>) dst(%dma_wait3A_79 : memref<128x128xf32, #tpu.memory_space<hbm>>)
      tpu.yield
    }) : () -> ()
    %add3A_64 = arith.constant 384 : i32
    %add3A_65 = arith.addi %mul3A_1, %add3A_64 : i32
    %add3A_66 = arith.addi %mul3A_48, %mul3A_1 : i32
    %add3A_67 = arith.constant 384 : i32
    %add3A_68 = arith.addi %add3A_66, %add3A_67 : i32
    "tpu.region"() ({
      %run_scoped3A = tpu.sem_alloc : memref<!tpu.dma_semaphore, #tpu.memory_space<semaphore_mem>>
      %dma_start3A_74 = arith.constant 0 : i32
      %dma_start3A_75 = tpu.memref_slice %arg5[%add3A_68, %dma_start3A_74] : memref<20480x128xf32, #tpu.memory_space<hbm>> -> memref<128x128xf32, #tpu.memory_space<hbm>>
      %dma_start3A_76 = arith.constant 0 : i32
      %dma_start3A_77 = tpu.memref_slice %arg13[%add3A_65, %dma_start3A_76] : memref<10240x128xf32, #tpu.memory_space<vmem_shared>> -> memref<128x128xf32, #tpu.memory_space<vmem_shared>>
      tpu.enqueue_dma source(%dma_start3A_77 : memref<128x128xf32, #tpu.memory_space<vmem_shared>>) target(%dma_start3A_75 : memref<128x128xf32, #tpu.memory_space<hbm>>) target_semaphore(%run_scoped3A : memref<!tpu.dma_semaphore, #tpu.memory_space<semaphore_mem>>)
      %dma_wait3A_78 = arith.constant 0 : i32
      %dma_wait3A_79 = tpu.memref_slice %arg5[%add3A_68, %dma_wait3A_78] : memref<20480x128xf32, #tpu.memory_space<hbm>> -> memref<128x128xf32, #tpu.memory_space<hbm>>
      %dma_wait3A_80 = arith.constant 0 : i32
      %dma_wait3A_81 = tpu.memref_slice %arg13[%add3A_65, %dma_wait3A_80] : memref<10240x128xf32, #tpu.memory_space<vmem_shared>> -> memref<128x128xf32, #tpu.memory_space<vmem_shared>>
      tpu.wait_dma2 semaphore(%run_scoped3A : memref<!tpu.dma_semaphore, #tpu.memory_space<semaphore_mem>>) src(%dma_wait3A_81 : memref<128x128xf32, #tpu.memory_space<vmem_shared>>) dst(%dma_wait3A_79 : memref<128x128xf32, #tpu.memory_space<hbm>>)
      tpu.yield
    }) : () -> ()
    %add3A_69 = arith.constant 512 : i32
    %add3A_70 = arith.addi %mul3A_1, %add3A_69 : i32
    %add3A_71 = arith.addi %mul3A_48, %mul3A_1 : i32
    %add3A_72 = arith.constant 512 : i32
    %add3A_73 = arith.addi %add3A_71, %add3A_72 : i32
    "tpu.region"() ({
      %run_scoped3A = tpu.sem_alloc : memref<!tpu.dma_semaphore, #tpu.memory_space<semaphore_mem>>
      %dma_start3A_74 = arith.constant 0 : i32
      %dma_start3A_75 = tpu.memref_slice %arg5[%add3A_73, %dma_start3A_74] : memref<20480x128xf32, #tpu.memory_space<hbm>> -> memref<128x128xf32, #tpu.memory_space<hbm>>
      %dma_start3A_76 = arith.constant 0 : i32
      %dma_start3A_77 = tpu.memref_slice %arg13[%add3A_70, %dma_start3A_76] : memref<10240x128xf32, #tpu.memory_space<vmem_shared>> -> memref<128x128xf32, #tpu.memory_space<vmem_shared>>
      tpu.enqueue_dma source(%dma_start3A_77 : memref<128x128xf32, #tpu.memory_space<vmem_shared>>) target(%dma_start3A_75 : memref<128x128xf32, #tpu.memory_space<hbm>>) target_semaphore(%run_scoped3A : memref<!tpu.dma_semaphore, #tpu.memory_space<semaphore_mem>>)
      %dma_wait3A_78 = arith.constant 0 : i32
      %dma_wait3A_79 = tpu.memref_slice %arg5[%add3A_73, %dma_wait3A_78] : memref<20480x128xf32, #tpu.memory_space<hbm>> -> memref<128x128xf32, #tpu.memory_space<hbm>>
      %dma_wait3A_80 = arith.constant 0 : i32
      %dma_wait3A_81 = tpu.memref_slice %arg13[%add3A_70, %dma_wait3A_80] : memref<10240x128xf32, #tpu.memory_space<vmem_shared>> -> memref<128x128xf32, #tpu.memory_space<vmem_shared>>
      tpu.wait_dma2 semaphore(%run_scoped3A : memref<!tpu.dma_semaphore, #tpu.memory_space<semaphore_mem>>) src(%dma_wait3A_81 : memref<128x128xf32, #tpu.memory_space<vmem_shared>>) dst(%dma_wait3A_79 : memref<128x128xf32, #tpu.memory_space<hbm>>)
      tpu.yield
    }) : () -> ()
    return
  }
}

#map = affine_map<(d0, d1) -> (0)>
#map1 = affine_map<(d0, d1) -> (0, 0)>
module attributes {stable_mosaic.version = 14 : i64} {
  func.func @deg_kernel(%arg0: i32, %arg1: i32, %arg2: memref<163840xi32, #tpu.memory_space<hbm>>, %arg3: memref<163840xi32, #tpu.memory_space<hbm>>, %arg4: memref<32x10240xf32, #tpu.memory_space<hbm>>, %arg5: memref<32x10240xf32, #tpu.memory_space<hbm>>, %arg6: memref<10240xf32, #tpu.memory_space<vmem>>, %arg7: memref<10240xf32, #tpu.memory_space<vmem>>, %arg8: memref<5120xi32, #tpu.memory_space<vmem>>, %arg9: memref<5120xi32, #tpu.memory_space<vmem>>) attributes {dimension_semantics = [#tpu.dimension_semantics<core_parallel>, #tpu.dimension_semantics<subcore_parallel>], iteration_bounds = array<i64: 2, 16>, scalar_prefetch = 0 : i64, scratch_operands = 4 : i64, tpu.core_type = #tpu.core_type<sc_vector_subcore>, window_params = [{transform_indices = #map}, {transform_indices = #map}, {transform_indices = #map1}, {transform_indices = #map1}]} {
    %mul3A = arith.constant 16 : i32
    %mul3A_0 = arith.muli %arg0, %mul3A : i32
    %add3A = arith.addi %mul3A_0, %arg1 : i32
    %broadcast_in_dim3A = arith.constant 0.000000e+00 : f32
    %broadcast_in_dim3A_1 = vector.broadcast %broadcast_in_dim3A : f32 to vector<16xf32>
    %scan3A = arith.constant 0 : i32
    %scan3A_2 = arith.constant 640 : i32
    %scan3A_3 = arith.addi %scan3A, %scan3A_2 : i32
    %scan3A_4 = arith.constant 1 : i32
    scf.for %scan3A_17 = %scan3A to %scan3A_3 step %scan3A_4  : i32 {
      %mul3A_18 = arith.constant 16 : i32
      %mul3A_19 = arith.muli %scan3A_17, %mul3A_18 : i32
      %swap3A = arith.index_cast %mul3A_19 : i32 to index
      %swap3A_20 = tpu.vector_load %arg6[%swap3A] {strides = array<i32>} : memref<10240xf32, #tpu.memory_space<vmem>>, vector<16xf32>,
      tpu.vector_store %arg6[%swap3A], %broadcast_in_dim3A_1 {strides = array<i32>} : memref<10240xf32, #tpu.memory_space<vmem>>, vector<16xf32>,
      %mul3A_21 = arith.constant 16 : i32
      %mul3A_22 = arith.muli %scan3A_17, %mul3A_21 : i32
      %swap3A_23 = arith.index_cast %mul3A_22 : i32 to index
      %swap3A_24 = tpu.vector_load %arg7[%swap3A_23] {strides = array<i32>} : memref<10240xf32, #tpu.memory_space<vmem>>, vector<16xf32>,
      tpu.vector_store %arg7[%swap3A_23], %broadcast_in_dim3A_1 {strides = array<i32>} : memref<10240xf32, #tpu.memory_space<vmem>>, vector<16xf32>,
    }
    %scan3A_5 = arith.constant 640 : i32
    %mul3A_6 = arith.constant 5120 : i32
    %mul3A_7 = arith.muli %add3A, %mul3A_6 : i32
    "tpu.region"() ({
      %run_scoped3A = tpu.sem_alloc : memref<!tpu.dma_semaphore, #tpu.memory_space<semaphore_mem>>
      %dma_start3A = tpu.memref_slice %arg2[%mul3A_7] : memref<163840xi32, #tpu.memory_space<hbm>> -> memref<5120xi32, #tpu.memory_space<hbm>>
      %dma_start3A_17 = tpu.memref_slice %arg2[%mul3A_7] : memref<163840xi32, #tpu.memory_space<hbm>> -> memref<5120xi32, #tpu.memory_space<hbm>>
      tpu.enqueue_dma source(%dma_start3A_17 : memref<5120xi32, #tpu.memory_space<hbm>>) target(%arg8 : memref<5120xi32, #tpu.memory_space<vmem>>) target_semaphore(%run_scoped3A : memref<!tpu.dma_semaphore, #tpu.memory_space<semaphore_mem>>)
      %dma_wait3A = tpu.memref_slice %arg2[%mul3A_7] : memref<163840xi32, #tpu.memory_space<hbm>> -> memref<5120xi32, #tpu.memory_space<hbm>>
      %dma_wait3A_18 = tpu.memref_slice %arg2[%mul3A_7] : memref<163840xi32, #tpu.memory_space<hbm>> -> memref<5120xi32, #tpu.memory_space<hbm>>
      tpu.wait_dma2 semaphore(%run_scoped3A : memref<!tpu.dma_semaphore, #tpu.memory_space<semaphore_mem>>) src(%dma_wait3A_18 : memref<5120xi32, #tpu.memory_space<hbm>>) dst(%arg8 : memref<5120xi32, #tpu.memory_space<vmem>>)
      tpu.yield
    }) : () -> ()
    %mul3A_8 = arith.constant 5120 : i32
    %mul3A_9 = arith.muli %add3A, %mul3A_8 : i32
    "tpu.region"() ({
      %run_scoped3A = tpu.sem_alloc : memref<!tpu.dma_semaphore, #tpu.memory_space<semaphore_mem>>
      %dma_start3A = tpu.memref_slice %arg3[%mul3A_9] : memref<163840xi32, #tpu.memory_space<hbm>> -> memref<5120xi32, #tpu.memory_space<hbm>>
      %dma_start3A_17 = tpu.memref_slice %arg3[%mul3A_9] : memref<163840xi32, #tpu.memory_space<hbm>> -> memref<5120xi32, #tpu.memory_space<hbm>>
      tpu.enqueue_dma source(%dma_start3A_17 : memref<5120xi32, #tpu.memory_space<hbm>>) target(%arg9 : memref<5120xi32, #tpu.memory_space<vmem>>) target_semaphore(%run_scoped3A : memref<!tpu.dma_semaphore, #tpu.memory_space<semaphore_mem>>)
      %dma_wait3A = tpu.memref_slice %arg3[%mul3A_9] : memref<163840xi32, #tpu.memory_space<hbm>> -> memref<5120xi32, #tpu.memory_space<hbm>>
      %dma_wait3A_18 = tpu.memref_slice %arg3[%mul3A_9] : memref<163840xi32, #tpu.memory_space<hbm>> -> memref<5120xi32, #tpu.memory_space<hbm>>
      tpu.wait_dma2 semaphore(%run_scoped3A : memref<!tpu.dma_semaphore, #tpu.memory_space<semaphore_mem>>) src(%dma_wait3A_18 : memref<5120xi32, #tpu.memory_space<hbm>>) dst(%arg9 : memref<5120xi32, #tpu.memory_space<vmem>>)
      tpu.yield
    }) : () -> ()
    %broadcast_in_dim3A_10 = arith.constant 1.000000e+00 : f32
    %broadcast_in_dim3A_11 = vector.broadcast %broadcast_in_dim3A_10 : f32 to vector<16xf32>
    %scan3A_12 = arith.constant 0 : i32
    %scan3A_13 = arith.constant 320 : i32
    %scan3A_14 = arith.addi %scan3A_12, %scan3A_13 : i32
    %scan3A_15 = arith.constant 1 : i32
    scf.for %scan3A_17 = %scan3A_12 to %scan3A_14 step %scan3A_15  : i32 {
      %mul3A_18 = arith.constant 16 : i32
      %mul3A_19 = arith.muli %scan3A_17, %mul3A_18 : i32
      %get3A = arith.index_cast %mul3A_19 : i32 to index
      %get3A_20 = tpu.vector_load %arg8[%get3A] {strides = array<i32>} : memref<5120xi32, #tpu.memory_space<vmem>>, vector<16xi32>,
      %mul3A_21 = arith.constant 16 : i32
      %mul3A_22 = arith.muli %scan3A_17, %mul3A_21 : i32
      %get3A_23 = arith.index_cast %mul3A_22 : i32 to index
      %get3A_24 = tpu.vector_load %arg9[%get3A_23] {strides = array<i32>} : memref<5120xi32, #tpu.memory_space<vmem>>, vector<16xi32>,
      tpu.vector_store_idx %arg6[%get3A_20], %broadcast_in_dim3A_11 {add = true} : memref<10240xf32, #tpu.memory_space<vmem>>[vector<16xi32>], vector<16xf32>,
      tpu.vector_store_idx %arg7[%get3A_24], %broadcast_in_dim3A_11 {add = true} : memref<10240xf32, #tpu.memory_space<vmem>>[vector<16xi32>], vector<16xf32>,
    }
    %scan3A_16 = arith.constant 320 : i32
    "tpu.region"() ({
      %run_scoped3A = tpu.sem_alloc : memref<!tpu.dma_semaphore, #tpu.memory_space<semaphore_mem>>
      %dma_start3A = arith.constant 0 : i32
      %dma_start3A_17 = tpu.memref_slice %arg4[%add3A, %dma_start3A] : memref<32x10240xf32, #tpu.memory_space<hbm>> -> memref<1x10240xf32, #tpu.memory_space<hbm>>
      %dma_start3A_18 = tpu.memref_squeeze %dma_start3A_17 : memref<1x10240xf32, #tpu.memory_space<hbm>> -> memref<10240xf32, #tpu.memory_space<hbm>>
      %dma_start3A_19 = arith.constant 0 : i32
      %dma_start3A_20 = tpu.memref_slice %arg4[%add3A, %dma_start3A_19] : memref<32x10240xf32, #tpu.memory_space<hbm>> -> memref<1x10240xf32, #tpu.memory_space<hbm>>
      %dma_start3A_21 = tpu.memref_squeeze %dma_start3A_20 : memref<1x10240xf32, #tpu.memory_space<hbm>> -> memref<10240xf32, #tpu.memory_space<hbm>>
      tpu.enqueue_dma source(%arg6 : memref<10240xf32, #tpu.memory_space<vmem>>) target(%dma_start3A_21 : memref<10240xf32, #tpu.memory_space<hbm>>) target_semaphore(%run_scoped3A : memref<!tpu.dma_semaphore, #tpu.memory_space<semaphore_mem>>)
      %dma_wait3A = arith.constant 0 : i32
      %dma_wait3A_22 = tpu.memref_slice %arg4[%add3A, %dma_wait3A] : memref<32x10240xf32, #tpu.memory_space<hbm>> -> memref<1x10240xf32, #tpu.memory_space<hbm>>
      %dma_wait3A_23 = tpu.memref_squeeze %dma_wait3A_22 : memref<1x10240xf32, #tpu.memory_space<hbm>> -> memref<10240xf32, #tpu.memory_space<hbm>>
      %dma_wait3A_24 = arith.constant 0 : i32
      %dma_wait3A_25 = tpu.memref_slice %arg4[%add3A, %dma_wait3A_24] : memref<32x10240xf32, #tpu.memory_space<hbm>> -> memref<1x10240xf32, #tpu.memory_space<hbm>>
      %dma_wait3A_26 = tpu.memref_squeeze %dma_wait3A_25 : memref<1x10240xf32, #tpu.memory_space<hbm>> -> memref<10240xf32, #tpu.memory_space<hbm>>
      tpu.wait_dma2 semaphore(%run_scoped3A : memref<!tpu.dma_semaphore, #tpu.memory_space<semaphore_mem>>) src(%arg6 : memref<10240xf32, #tpu.memory_space<vmem>>) dst(%dma_wait3A_26 : memref<10240xf32, #tpu.memory_space<hbm>>)
      tpu.yield
    }) : () -> ()
    "tpu.region"() ({
      %run_scoped3A = tpu.sem_alloc : memref<!tpu.dma_semaphore, #tpu.memory_space<semaphore_mem>>
      %dma_start3A = arith.constant 0 : i32
      %dma_start3A_17 = tpu.memref_slice %arg5[%add3A, %dma_start3A] : memref<32x10240xf32, #tpu.memory_space<hbm>> -> memref<1x10240xf32, #tpu.memory_space<hbm>>
      %dma_start3A_18 = tpu.memref_squeeze %dma_start3A_17 : memref<1x10240xf32, #tpu.memory_space<hbm>> -> memref<10240xf32, #tpu.memory_space<hbm>>
      %dma_start3A_19 = arith.constant 0 : i32
      %dma_start3A_20 = tpu.memref_slice %arg5[%add3A, %dma_start3A_19] : memref<32x10240xf32, #tpu.memory_space<hbm>> -> memref<1x10240xf32, #tpu.memory_space<hbm>>
      %dma_start3A_21 = tpu.memref_squeeze %dma_start3A_20 : memref<1x10240xf32, #tpu.memory_space<hbm>> -> memref<10240xf32, #tpu.memory_space<hbm>>
      tpu.enqueue_dma source(%arg7 : memref<10240xf32, #tpu.memory_space<vmem>>) target(%dma_start3A_21 : memref<10240xf32, #tpu.memory_space<hbm>>) target_semaphore(%run_scoped3A : memref<!tpu.dma_semaphore, #tpu.memory_space<semaphore_mem>>)
      %dma_wait3A = arith.constant 0 : i32
      %dma_wait3A_22 = tpu.memref_slice %arg5[%add3A, %dma_wait3A] : memref<32x10240xf32, #tpu.memory_space<hbm>> -> memref<1x10240xf32, #tpu.memory_space<hbm>>
      %dma_wait3A_23 = tpu.memref_squeeze %dma_wait3A_22 : memref<1x10240xf32, #tpu.memory_space<hbm>> -> memref<10240xf32, #tpu.memory_space<hbm>>
      %dma_wait3A_24 = arith.constant 0 : i32
      %dma_wait3A_25 = tpu.memref_slice %arg5[%add3A, %dma_wait3A_24] : memref<32x10240xf32, #tpu.memory_space<hbm>> -> memref<1x10240xf32, #tpu.memory_space<hbm>>
      %dma_wait3A_26 = tpu.memref_squeeze %dma_wait3A_25 : memref<1x10240xf32, #tpu.memory_space<hbm>> -> memref<10240xf32, #tpu.memory_space<hbm>>
      tpu.wait_dma2 semaphore(%run_scoped3A : memref<!tpu.dma_semaphore, #tpu.memory_space<semaphore_mem>>) src(%arg7 : memref<10240xf32, #tpu.memory_space<vmem>>) dst(%dma_wait3A_26 : memref<10240xf32, #tpu.memory_space<hbm>>)
      tpu.yield
    }) : () -> ()
    return
  }
}

#map = affine_map<(d0, d1) -> (0, 0, 0, 0)>
#map1 = affine_map<(d0, d1) -> (0, 0, 0)>
#map2 = affine_map<(d0, d1) -> (0, 0)>
module attributes {stable_mosaic.version = 14 : i64} {
  func.func @swide(%arg0: i32, %arg1: i32, %arg2: memref<4x16x80x128xi32, #tpu.memory_space<hbm>>, %arg3: memref<16x80x128xi32, #tpu.memory_space<hbm>>, %arg4: memref<40960x128xf32, #tpu.memory_space<hbm>>, %arg5: memref<40960x128xf32, #tpu.memory_space<hbm>>, %arg6: memref<80x128xi32, #tpu.memory_space<vmem>>, %arg7: memref<128xi32, #tpu.memory_space<vmem>>, %arg8: memref<128xi32, #tpu.memory_space<vmem>>, %arg9: memref<128xi32, #tpu.memory_space<vmem>>, %arg10: memref<128xi32, #tpu.memory_space<vmem>>, %arg11: memref<128x128xf32, #tpu.memory_space<vmem>>, %arg12: memref<128x128xf32, #tpu.memory_space<vmem>>, %arg13: memref<10240x128xf32, #tpu.memory_space<vmem_shared>>, %arg14: memref<!tpu.dma_semaphore, #tpu.memory_space<semaphore_mem>>, %arg15: memref<!tpu.dma_semaphore, #tpu.memory_space<semaphore_mem>>, %arg16: memref<!tpu.dma_semaphore, #tpu.memory_space<semaphore_mem>>, %arg17: memref<!tpu.dma_semaphore, #tpu.memory_space<semaphore_mem>>, %arg18: memref<!tpu.dma_semaphore, #tpu.memory_space<semaphore_mem>>, %arg19: memref<!tpu.dma_semaphore, #tpu.memory_space<semaphore_mem>>, %arg20: memref<!tpu.dma_semaphore, #tpu.memory_space<semaphore_mem>>, %arg21: memref<!tpu.dma_semaphore, #tpu.memory_space<semaphore_mem>>) attributes {dimension_semantics = [#tpu.dimension_semantics<core_parallel>, #tpu.dimension_semantics<subcore_parallel>], iteration_bounds = array<i64: 2, 16>, scalar_prefetch = 0 : i64, scratch_operands = 16 : i64, tpu.core_type = #tpu.core_type<sc_vector_subcore>, window_params = [{transform_indices = #map}, {transform_indices = #map1}, {transform_indices = #map2}, {transform_indices = #map2}]} {
    "tpu.region"() ({
      %run_scoped3A = tpu.sem_alloc : memref<!tpu.dma_semaphore, #tpu.memory_space<semaphore_mem>>
      %dma_start3A_152 = arith.constant 0 : i32
      %dma_start3A_153 = arith.constant 0 : i32
      %dma_start3A_154 = tpu.memref_slice %arg3[%arg1, %dma_start3A_152, %dma_start3A_153] : memref<16x80x128xi32, #tpu.memory_space<hbm>> -> memref<1x80x128xi32, #tpu.memory_space<hbm>>
      %dma_start3A_155 = tpu.memref_squeeze %dma_start3A_154 : memref<1x80x128xi32, #tpu.memory_space<hbm>> -> memref<80x128xi32, #tpu.memory_space<hbm>>
      %dma_start3A_156 = arith.constant 0 : i32
      %dma_start3A_157 = arith.constant 0 : i32
      %dma_start3A_158 = tpu.memref_slice %arg3[%arg1, %dma_start3A_156, %dma_start3A_157] : memref<16x80x128xi32, #tpu.memory_space<hbm>> -> memref<1x80x128xi32, #tpu.memory_space<hbm>>
      %dma_start3A_159 = tpu.memref_squeeze %dma_start3A_158 : memref<1x80x128xi32, #tpu.memory_space<hbm>> -> memref<80x128xi32, #tpu.memory_space<hbm>>
      tpu.enqueue_dma source(%dma_start3A_159 : memref<80x128xi32, #tpu.memory_space<hbm>>) target(%arg6 : memref<80x128xi32, #tpu.memory_space<vmem>>) target_semaphore(%run_scoped3A : memref<!tpu.dma_semaphore, #tpu.memory_space<semaphore_mem>>)
      %dma_wait3A_160 = arith.constant 0 : i32
      %dma_wait3A_161 = arith.constant 0 : i32
      %dma_wait3A_162 = tpu.memref_slice %arg3[%arg1, %dma_wait3A_160, %dma_wait3A_161] : memref<16x80x128xi32, #tpu.memory_space<hbm>> -> memref<1x80x128xi32, #tpu.memory_space<hbm>>
      %dma_wait3A_163 = tpu.memref_squeeze %dma_wait3A_162 : memref<1x80x128xi32, #tpu.memory_space<hbm>> -> memref<80x128xi32, #tpu.memory_space<hbm>>
      %dma_wait3A_164 = arith.constant 0 : i32
      %dma_wait3A_165 = arith.constant 0 : i32
      %dma_wait3A_166 = tpu.memref_slice %arg3[%arg1, %dma_wait3A_164, %dma_wait3A_165] : memref<16x80x128xi32, #tpu.memory_space<hbm>> -> memref<1x80x128xi32, #tpu.memory_space<hbm>>
      %dma_wait3A_167 = tpu.memref_squeeze %dma_wait3A_166 : memref<1x80x128xi32, #tpu.memory_space<hbm>> -> memref<80x128xi32, #tpu.memory_space<hbm>>
      tpu.wait_dma2 semaphore(%run_scoped3A : memref<!tpu.dma_semaphore, #tpu.memory_space<semaphore_mem>>) src(%dma_wait3A_167 : memref<80x128xi32, #tpu.memory_space<hbm>>) dst(%arg6 : memref<80x128xi32, #tpu.memory_space<vmem>>)
      tpu.yield
    }) : () -> ()
    %broadcast_in_dim3A = arith.constant 0.000000e+00 : f32
    %broadcast_in_dim3A_0 = vector.broadcast %broadcast_in_dim3A : f32 to vector<16xf32>
    %mul3A = arith.constant 640 : i32
    %mul3A_1 = arith.muli %arg1, %mul3A : i32
    %mul3A_2 = arith.constant 2 : i32
    %mul3A_3 = arith.muli %arg0, %mul3A_2 : i32
    %add3A = arith.constant 0 : i32
    %add3A_4 = arith.addi %mul3A_3, %add3A : i32
    %scan3A = arith.constant 0 : i32
    %scan3A_5 = arith.constant 1024 : i32
    %scan3A_6 = arith.addi %scan3A, %scan3A_5 : i32
    %scan3A_7 = arith.constant 1 : i32
    scf.for %scan3A_152 = %scan3A to %scan3A_6 step %scan3A_7  : i32 {
      %jit3A = arith.constant 8 : i32
      %div3A = arith.divsi %scan3A_152, %jit3A : i32
      %sign3A = arith.constant 0 : i32
      %sign3A_153 = arith.cmpi sgt, %scan3A_152, %sign3A : i32
      %sign3A_154 = arith.extui %sign3A_153 : i1 to i32
      %sign3A_155 = arith.constant 0 : i32
      %sign3A_156 = arith.cmpi slt, %scan3A_152, %sign3A_155 : i32
      %sign3A_157 = arith.extui %sign3A_156 : i1 to i32
      %sign3A_158 = arith.subi %sign3A_154, %sign3A_157 : i32
      %sign3A_159 = arith.constant 0 : i32
      %sign3A_160 = arith.cmpi sgt, %jit3A, %sign3A_159 : i32
      %sign3A_161 = arith.extui %sign3A_160 : i1 to i32
      %sign3A_162 = arith.constant 0 : i32
      %sign3A_163 = arith.cmpi slt, %jit3A, %sign3A_162 : i32
      %sign3A_164 = arith.extui %sign3A_163 : i1 to i32
      %sign3A_165 = arith.subi %sign3A_161, %sign3A_164 : i32
      %ne3A = arith.cmpi ne, %sign3A_158, %sign3A_165 : i32
      %rem3A = arith.remsi %scan3A_152, %jit3A : i32
      %ne3A_166 = arith.constant 0 : i32
      %ne3A_167 = arith.cmpi ne, %rem3A, %ne3A_166 : i32
      %and3A = arith.andi %ne3A, %ne3A_167 : i1
      %sub3A = arith.constant 1 : i32
      %sub3A_168 = arith.subi %div3A, %sub3A : i32
      %select_n3A = arith.select %and3A, %sub3A_168, %div3A : i32
      %jit3A_169 = arith.constant 8 : i32
      %eq3A = arith.constant 0 : i32
      %eq3A_170 = arith.cmpi eq, %jit3A_169, %eq3A : i32
      %jit3A_171 = arith.constant 1 : i32
      %select_n3A_172 = arith.select %eq3A_170, %jit3A_171, %jit3A_169 : i32
      %rem3A_173 = arith.remsi %scan3A_152, %select_n3A_172 : i32
      %ne3A_174 = arith.constant 0 : i32
      %ne3A_175 = arith.cmpi ne, %rem3A_173, %ne3A_174 : i32
      %lt3A = arith.constant 0 : i32
      %lt3A_176 = arith.cmpi slt, %rem3A_173, %lt3A : i32
      %lt3A_177 = arith.constant 0 : i32
      %lt3A_178 = arith.cmpi slt, %select_n3A_172, %lt3A_177 : i32
      %ne3A_179 = arith.xori %lt3A_176, %lt3A_178 : i1
      %and3A_180 = arith.andi %ne3A_179, %ne3A_175 : i1
      %add3A_181 = arith.addi %rem3A_173, %select_n3A_172 : i32
      %select_n3A_182 = arith.select %and3A_180, %add3A_181, %rem3A_173 : i32
      %mul3A_183 = arith.constant 16 : i32
      %mul3A_184 = arith.muli %select_n3A_182, %mul3A_183 : i32
      %swap3A = arith.index_cast %select_n3A : i32 to index
      %swap3A_185 = arith.index_cast %mul3A_184 : i32 to index
      %swap3A_186 = tpu.vector_load %arg11[%swap3A, %swap3A_185] {strides = array<i32>} : memref<128x128xf32, #tpu.memory_space<vmem>>, vector<1x16xf32>,
      %swap3A_187 = vector.shape_cast %swap3A_186 : vector<1x16xf32> to vector<16xf32>
      %swap3A_188 = vector.shape_cast %broadcast_in_dim3A_0 : vector<16xf32> to vector<1x16xf32>
      tpu.vector_store %arg11[%swap3A, %swap3A_185], %swap3A_188 {strides = array<i32>} : memref<128x128xf32, #tpu.memory_space<vmem>>, vector<1x16xf32>,
    }
    %scan3A_8 = arith.constant 1024 : i32
    %add3A_9 = arith.constant 0 : i32
    %add3A_10 = arith.addi %mul3A_1, %add3A_9 : i32
    "tpu.region"() ({
      %run_scoped3A = tpu.sem_alloc : memref<!tpu.dma_semaphore, #tpu.memory_space<semaphore_mem>>
      %dma_start3A_152 = arith.constant 0 : i32
      %dma_start3A_153 = tpu.memref_slice %arg13[%add3A_10, %dma_start3A_152] : memref<10240x128xf32, #tpu.memory_space<vmem_shared>> -> memref<128x128xf32, #tpu.memory_space<vmem_shared>>
      %dma_start3A_154 = arith.constant 0 : i32
      %dma_start3A_155 = tpu.memref_slice %arg13[%add3A_10, %dma_start3A_154] : memref<10240x128xf32, #tpu.memory_space<vmem_shared>> -> memref<128x128xf32, #tpu.memory_space<vmem_shared>>
      tpu.enqueue_dma source(%arg11 : memref<128x128xf32, #tpu.memory_space<vmem>>) target(%dma_start3A_155 : memref<128x128xf32, #tpu.memory_space<vmem_shared>>) target_semaphore(%run_scoped3A : memref<!tpu.dma_semaphore, #tpu.memory_space<semaphore_mem>>)
      %dma_wait3A_156 = arith.constant 0 : i32
      %dma_wait3A_157 = tpu.memref_slice %arg13[%add3A_10, %dma_wait3A_156] : memref<10240x128xf32, #tpu.memory_space<vmem_shared>> -> memref<128x128xf32, #tpu.memory_space<vmem_shared>>
      %dma_wait3A_158 = arith.constant 0 : i32
      %dma_wait3A_159 = tpu.memref_slice %arg13[%add3A_10, %dma_wait3A_158] : memref<10240x128xf32, #tpu.memory_space<vmem_shared>> -> memref<128x128xf32, #tpu.memory_space<vmem_shared>>
      tpu.wait_dma2 semaphore(%run_scoped3A : memref<!tpu.dma_semaphore, #tpu.memory_space<semaphore_mem>>) src(%arg11 : memref<128x128xf32, #tpu.memory_space<vmem>>) dst(%dma_wait3A_159 : memref<128x128xf32, #tpu.memory_space<vmem_shared>>)
      tpu.yield
    }) : () -> ()
    %add3A_11 = arith.constant 128 : i32
    %add3A_12 = arith.addi %mul3A_1, %add3A_11 : i32
    "tpu.region"() ({
      %run_scoped3A = tpu.sem_alloc : memref<!tpu.dma_semaphore, #tpu.memory_space<semaphore_mem>>
      %dma_start3A_152 = arith.constant 0 : i32
      %dma_start3A_153 = tpu.memref_slice %arg13[%add3A_12, %dma_start3A_152] : memref<10240x128xf32, #tpu.memory_space<vmem_shared>> -> memref<128x128xf32, #tpu.memory_space<vmem_shared>>
      %dma_start3A_154 = arith.constant 0 : i32
      %dma_start3A_155 = tpu.memref_slice %arg13[%add3A_12, %dma_start3A_154] : memref<10240x128xf32, #tpu.memory_space<vmem_shared>> -> memref<128x128xf32, #tpu.memory_space<vmem_shared>>
      tpu.enqueue_dma source(%arg11 : memref<128x128xf32, #tpu.memory_space<vmem>>) target(%dma_start3A_155 : memref<128x128xf32, #tpu.memory_space<vmem_shared>>) target_semaphore(%run_scoped3A : memref<!tpu.dma_semaphore, #tpu.memory_space<semaphore_mem>>)
      %dma_wait3A_156 = arith.constant 0 : i32
      %dma_wait3A_157 = tpu.memref_slice %arg13[%add3A_12, %dma_wait3A_156] : memref<10240x128xf32, #tpu.memory_space<vmem_shared>> -> memref<128x128xf32, #tpu.memory_space<vmem_shared>>
      %dma_wait3A_158 = arith.constant 0 : i32
      %dma_wait3A_159 = tpu.memref_slice %arg13[%add3A_12, %dma_wait3A_158] : memref<10240x128xf32, #tpu.memory_space<vmem_shared>> -> memref<128x128xf32, #tpu.memory_space<vmem_shared>>
      tpu.wait_dma2 semaphore(%run_scoped3A : memref<!tpu.dma_semaphore, #tpu.memory_space<semaphore_mem>>) src(%arg11 : memref<128x128xf32, #tpu.memory_space<vmem>>) dst(%dma_wait3A_159 : memref<128x128xf32, #tpu.memory_space<vmem_shared>>)
      tpu.yield
    }) : () -> ()
    %add3A_13 = arith.constant 256 : i32
    %add3A_14 = arith.addi %mul3A_1, %add3A_13 : i32
    "tpu.region"() ({
      %run_scoped3A = tpu.sem_alloc : memref<!tpu.dma_semaphore, #tpu.memory_space<semaphore_mem>>
      %dma_start3A_152 = arith.constant 0 : i32
      %dma_start3A_153 = tpu.memref_slice %arg13[%add3A_14, %dma_start3A_152] : memref<10240x128xf32, #tpu.memory_space<vmem_shared>> -> memref<128x128xf32, #tpu.memory_space<vmem_shared>>
      %dma_start3A_154 = arith.constant 0 : i32
      %dma_start3A_155 = tpu.memref_slice %arg13[%add3A_14, %dma_start3A_154] : memref<10240x128xf32, #tpu.memory_space<vmem_shared>> -> memref<128x128xf32, #tpu.memory_space<vmem_shared>>
      tpu.enqueue_dma source(%arg11 : memref<128x128xf32, #tpu.memory_space<vmem>>) target(%dma_start3A_155 : memref<128x128xf32, #tpu.memory_space<vmem_shared>>) target_semaphore(%run_scoped3A : memref<!tpu.dma_semaphore, #tpu.memory_space<semaphore_mem>>)
      %dma_wait3A_156 = arith.constant 0 : i32
      %dma_wait3A_157 = tpu.memref_slice %arg13[%add3A_14, %dma_wait3A_156] : memref<10240x128xf32, #tpu.memory_space<vmem_shared>> -> memref<128x128xf32, #tpu.memory_space<vmem_shared>>
      %dma_wait3A_158 = arith.constant 0 : i32
      %dma_wait3A_159 = tpu.memref_slice %arg13[%add3A_14, %dma_wait3A_158] : memref<10240x128xf32, #tpu.memory_space<vmem_shared>> -> memref<128x128xf32, #tpu.memory_space<vmem_shared>>
      tpu.wait_dma2 semaphore(%run_scoped3A : memref<!tpu.dma_semaphore, #tpu.memory_space<semaphore_mem>>) src(%arg11 : memref<128x128xf32, #tpu.memory_space<vmem>>) dst(%dma_wait3A_159 : memref<128x128xf32, #tpu.memory_space<vmem_shared>>)
      tpu.yield
    }) : () -> ()
    %add3A_15 = arith.constant 384 : i32
    %add3A_16 = arith.addi %mul3A_1, %add3A_15 : i32
    "tpu.region"() ({
      %run_scoped3A = tpu.sem_alloc : memref<!tpu.dma_semaphore, #tpu.memory_space<semaphore_mem>>
      %dma_start3A_152 = arith.constant 0 : i32
      %dma_start3A_153 = tpu.memref_slice %arg13[%add3A_16, %dma_start3A_152] : memref<10240x128xf32, #tpu.memory_space<vmem_shared>> -> memref<128x128xf32, #tpu.memory_space<vmem_shared>>
      %dma_start3A_154 = arith.constant 0 : i32
      %dma_start3A_155 = tpu.memref_slice %arg13[%add3A_16, %dma_start3A_154] : memref<10240x128xf32, #tpu.memory_space<vmem_shared>> -> memref<128x128xf32, #tpu.memory_space<vmem_shared>>
      tpu.enqueue_dma source(%arg11 : memref<128x128xf32, #tpu.memory_space<vmem>>) target(%dma_start3A_155 : memref<128x128xf32, #tpu.memory_space<vmem_shared>>) target_semaphore(%run_scoped3A : memref<!tpu.dma_semaphore, #tpu.memory_space<semaphore_mem>>)
      %dma_wait3A_156 = arith.constant 0 : i32
      %dma_wait3A_157 = tpu.memref_slice %arg13[%add3A_16, %dma_wait3A_156] : memref<10240x128xf32, #tpu.memory_space<vmem_shared>> -> memref<128x128xf32, #tpu.memory_space<vmem_shared>>
      %dma_wait3A_158 = arith.constant 0 : i32
      %dma_wait3A_159 = tpu.memref_slice %arg13[%add3A_16, %dma_wait3A_158] : memref<10240x128xf32, #tpu.memory_space<vmem_shared>> -> memref<128x128xf32, #tpu.memory_space<vmem_shared>>
      tpu.wait_dma2 semaphore(%run_scoped3A : memref<!tpu.dma_semaphore, #tpu.memory_space<semaphore_mem>>) src(%arg11 : memref<128x128xf32, #tpu.memory_space<vmem>>) dst(%dma_wait3A_159 : memref<128x128xf32, #tpu.memory_space<vmem_shared>>)
      tpu.yield
    }) : () -> ()
    %add3A_17 = arith.constant 512 : i32
    %add3A_18 = arith.addi %mul3A_1, %add3A_17 : i32
    "tpu.region"() ({
      %run_scoped3A = tpu.sem_alloc : memref<!tpu.dma_semaphore, #tpu.memory_space<semaphore_mem>>
      %dma_start3A_152 = arith.constant 0 : i32
      %dma_start3A_153 = tpu.memref_slice %arg13[%add3A_18, %dma_start3A_152] : memref<10240x128xf32, #tpu.memory_space<vmem_shared>> -> memref<128x128xf32, #tpu.memory_space<vmem_shared>>
      %dma_start3A_154 = arith.constant 0 : i32
      %dma_start3A_155 = tpu.memref_slice %arg13[%add3A_18, %dma_start3A_154] : memref<10240x128xf32, #tpu.memory_space<vmem_shared>> -> memref<128x128xf32, #tpu.memory_space<vmem_shared>>
      tpu.enqueue_dma source(%arg11 : memref<128x128xf32, #tpu.memory_space<vmem>>) target(%dma_start3A_155 : memref<128x128xf32, #tpu.memory_space<vmem_shared>>) target_semaphore(%run_scoped3A : memref<!tpu.dma_semaphore, #tpu.memory_space<semaphore_mem>>)
      %dma_wait3A_156 = arith.constant 0 : i32
      %dma_wait3A_157 = tpu.memref_slice %arg13[%add3A_18, %dma_wait3A_156] : memref<10240x128xf32, #tpu.memory_space<vmem_shared>> -> memref<128x128xf32, #tpu.memory_space<vmem_shared>>
      %dma_wait3A_158 = arith.constant 0 : i32
      %dma_wait3A_159 = tpu.memref_slice %arg13[%add3A_18, %dma_wait3A_158] : memref<10240x128xf32, #tpu.memory_space<vmem_shared>> -> memref<128x128xf32, #tpu.memory_space<vmem_shared>>
      tpu.wait_dma2 semaphore(%run_scoped3A : memref<!tpu.dma_semaphore, #tpu.memory_space<semaphore_mem>>) src(%arg11 : memref<128x128xf32, #tpu.memory_space<vmem>>) dst(%dma_wait3A_159 : memref<128x128xf32, #tpu.memory_space<vmem_shared>>)
      tpu.yield
    }) : () -> ()
    %barrier3A = arith.constant 0 : index
    tpu.barrier barrier_id(%barrier3A)
    %dma_start3A = arith.constant 0 : i32
    %dma_start3A_19 = arith.constant 0 : i32
    %dma_start3A_20 = tpu.memref_slice %arg2[%add3A_4, %arg1, %dma_start3A, %dma_start3A_19] : memref<4x16x80x128xi32, #tpu.memory_space<hbm>> -> memref<1x1x1x128xi32, #tpu.memory_space<hbm>>
    %dma_start3A_21 = tpu.memref_squeeze %dma_start3A_20 : memref<1x1x1x128xi32, #tpu.memory_space<hbm>> -> memref<128xi32, #tpu.memory_space<hbm>>
    %dma_start3A_22 = arith.constant 0 : i32
    %dma_start3A_23 = tpu.memref_slice %arg2[%add3A_4, %arg1, %dma_start3A, %dma_start3A_22] : memref<4x16x80x128xi32, #tpu.memory_space<hbm>> -> memref<1x1x1x128xi32, #tpu.memory_space<hbm>>
    %dma_start3A_24 = tpu.memref_squeeze %dma_start3A_23 : memref<1x1x1x128xi32, #tpu.memory_space<hbm>> -> memref<128xi32, #tpu.memory_space<hbm>>
    tpu.enqueue_dma source(%dma_start3A_24 : memref<128xi32, #tpu.memory_space<hbm>>) target(%arg7 : memref<128xi32, #tpu.memory_space<vmem>>) target_semaphore(%arg14 : memref<!tpu.dma_semaphore, #tpu.memory_space<semaphore_mem>>)
    %dma_wait3A = arith.constant 0 : i32
    %dma_wait3A_25 = arith.constant 0 : i32
    %dma_wait3A_26 = tpu.memref_slice %arg2[%add3A_4, %arg1, %dma_wait3A, %dma_wait3A_25] : memref<4x16x80x128xi32, #tpu.memory_space<hbm>> -> memref<1x1x1x128xi32, #tpu.memory_space<hbm>>
    %dma_wait3A_27 = tpu.memref_squeeze %dma_wait3A_26 : memref<1x1x1x128xi32, #tpu.memory_space<hbm>> -> memref<128xi32, #tpu.memory_space<hbm>>
    %dma_wait3A_28 = arith.constant 0 : i32
    %dma_wait3A_29 = tpu.memref_slice %arg2[%add3A_4, %arg1, %dma_wait3A, %dma_wait3A_28] : memref<4x16x80x128xi32, #tpu.memory_space<hbm>> -> memref<1x1x1x128xi32, #tpu.memory_space<hbm>>
    %dma_wait3A_30 = tpu.memref_squeeze %dma_wait3A_29 : memref<1x1x1x128xi32, #tpu.memory_space<hbm>> -> memref<128xi32, #tpu.memory_space<hbm>>
    tpu.wait_dma2 semaphore(%arg14 : memref<!tpu.dma_semaphore, #tpu.memory_space<semaphore_mem>>) src(%dma_wait3A_30 : memref<128xi32, #tpu.memory_space<hbm>>) dst(%arg7 : memref<128xi32, #tpu.memory_space<vmem>>)
    %dma_start3A_31 = arith.constant 0 : i32
    %dma_start3A_32 = arith.constant 0 : i32
    %dma_start3A_33 = tpu.memref_slice %arg4[%dma_start3A_31, %dma_start3A_32] : memref<40960x128xf32, #tpu.memory_space<hbm>> -> memref<40960x128xf32, #tpu.memory_space<hbm>>
    tpu.enqueue_indirect_dma source(%dma_start3A_33 : memref<40960x128xf32, #tpu.memory_space<hbm>>) target(%arg11 : memref<128x128xf32, #tpu.memory_space<vmem>>) offsets(%arg7 : memref<128xi32, #tpu.memory_space<vmem>>) semaphore(%arg18 : memref<!tpu.dma_semaphore, #tpu.memory_space<semaphore_mem>>)
    %dma_start3A_34 = arith.constant 1 : i32
    %dma_start3A_35 = arith.constant 0 : i32
    %dma_start3A_36 = tpu.memref_slice %arg2[%add3A_4, %arg1, %dma_start3A_34, %dma_start3A_35] : memref<4x16x80x128xi32, #tpu.memory_space<hbm>> -> memref<1x1x1x128xi32, #tpu.memory_space<hbm>>
    %dma_start3A_37 = tpu.memref_squeeze %dma_start3A_36 : memref<1x1x1x128xi32, #tpu.memory_space<hbm>> -> memref<128xi32, #tpu.memory_space<hbm>>
    %dma_start3A_38 = arith.constant 0 : i32
    %dma_start3A_39 = tpu.memref_slice %arg2[%add3A_4, %arg1, %dma_start3A_34, %dma_start3A_38] : memref<4x16x80x128xi32, #tpu.memory_space<hbm>> -> memref<1x1x1x128xi32, #tpu.memory_space<hbm>>
    %dma_start3A_40 = tpu.memref_squeeze %dma_start3A_39 : memref<1x1x1x128xi32, #tpu.memory_space<hbm>> -> memref<128xi32, #tpu.memory_space<hbm>>
    tpu.enqueue_dma source(%dma_start3A_40 : memref<128xi32, #tpu.memory_space<hbm>>) target(%arg8 : memref<128xi32, #tpu.memory_space<vmem>>) target_semaphore(%arg15 : memref<!tpu.dma_semaphore, #tpu.memory_space<semaphore_mem>>)
    %scan3A_41 = arith.constant 0 : i32
    %scan3A_42 = arith.constant 40 : i32
    %scan3A_43 = arith.addi %scan3A_41, %scan3A_42 : i32
    %scan3A_44 = arith.constant 1 : i32
    scf.for %scan3A_152 = %scan3A_41 to %scan3A_43 step %scan3A_44  : i32 {
      %mul3A_153 = arith.constant 2 : i32
      %mul3A_154 = arith.muli %mul3A_153, %scan3A_152 : i32
      %add3A_155 = arith.constant 1 : i32
      %add3A_156 = arith.addi %mul3A_154, %add3A_155 : i32
      %dma_wait3A_157 = arith.constant 0 : i32
      %dma_wait3A_158 = tpu.memref_slice %arg2[%add3A_4, %arg1, %add3A_156, %dma_wait3A_157] : memref<4x16x80x128xi32, #tpu.memory_space<hbm>> -> memref<1x1x1x128xi32, #tpu.memory_space<hbm>>
      %dma_wait3A_159 = tpu.memref_squeeze %dma_wait3A_158 : memref<1x1x1x128xi32, #tpu.memory_space<hbm>> -> memref<128xi32, #tpu.memory_space<hbm>>
      %dma_wait3A_160 = arith.constant 0 : i32
      %dma_wait3A_161 = tpu.memref_slice %arg2[%add3A_4, %arg1, %add3A_156, %dma_wait3A_160] : memref<4x16x80x128xi32, #tpu.memory_space<hbm>> -> memref<1x1x1x128xi32, #tpu.memory_space<hbm>>
      %dma_wait3A_162 = tpu.memref_squeeze %dma_wait3A_161 : memref<1x1x1x128xi32, #tpu.memory_space<hbm>> -> memref<128xi32, #tpu.memory_space<hbm>>
      tpu.wait_dma2 semaphore(%arg15 : memref<!tpu.dma_semaphore, #tpu.memory_space<semaphore_mem>>) src(%dma_wait3A_162 : memref<128xi32, #tpu.memory_space<hbm>>) dst(%arg8 : memref<128xi32, #tpu.memory_space<vmem>>)
      %dma_start3A_163 = arith.constant 0 : i32
      %dma_start3A_164 = arith.constant 0 : i32
      %dma_start3A_165 = tpu.memref_slice %arg4[%dma_start3A_163, %dma_start3A_164] : memref<40960x128xf32, #tpu.memory_space<hbm>> -> memref<40960x128xf32, #tpu.memory_space<hbm>>
      tpu.enqueue_indirect_dma source(%dma_start3A_165 : memref<40960x128xf32, #tpu.memory_space<hbm>>) target(%arg12 : memref<128x128xf32, #tpu.memory_space<vmem>>) offsets(%arg8 : memref<128xi32, #tpu.memory_space<vmem>>) semaphore(%arg19 : memref<!tpu.dma_semaphore, #tpu.memory_space<semaphore_mem>>)
      %add3A_166 = arith.constant 2 : i32
      %add3A_167 = arith.addi %mul3A_154, %add3A_166 : i32
      %lt3A = arith.constant 80 : i32
      %lt3A_168 = arith.cmpi slt, %add3A_167, %lt3A : i32
      %convert_element_type3A = arith.extui %lt3A_168 : i1 to i32
      %cond3A = arith.constant 0 : i32
      %cond3A_169 = arith.cmpi ne, %convert_element_type3A, %cond3A : i32
      scf.if %cond3A_169 {
        %add3A_192 = arith.constant 2 : i32
        %add3A_193 = arith.addi %mul3A_154, %add3A_192 : i32
        %dma_start3A_194 = arith.constant 0 : i32
        %dma_start3A_195 = tpu.memref_slice %arg2[%add3A_4, %arg1, %add3A_193, %dma_start3A_194] : memref<4x16x80x128xi32, #tpu.memory_space<hbm>> -> memref<1x1x1x128xi32, #tpu.memory_space<hbm>>
        %dma_start3A_196 = tpu.memref_squeeze %dma_start3A_195 : memref<1x1x1x128xi32, #tpu.memory_space<hbm>> -> memref<128xi32, #tpu.memory_space<hbm>>
        %dma_start3A_197 = arith.constant 0 : i32
        %dma_start3A_198 = tpu.memref_slice %arg2[%add3A_4, %arg1, %add3A_193, %dma_start3A_197] : memref<4x16x80x128xi32, #tpu.memory_space<hbm>> -> memref<1x1x1x128xi32, #tpu.memory_space<hbm>>
        %dma_start3A_199 = tpu.memref_squeeze %dma_start3A_198 : memref<1x1x1x128xi32, #tpu.memory_space<hbm>> -> memref<128xi32, #tpu.memory_space<hbm>>
        tpu.enqueue_dma source(%dma_start3A_199 : memref<128xi32, #tpu.memory_space<hbm>>) target(%arg7 : memref<128xi32, #tpu.memory_space<vmem>>) target_semaphore(%arg14 : memref<!tpu.dma_semaphore, #tpu.memory_space<semaphore_mem>>)
      } else {
      }
      %dma_wait3A_170 = arith.constant 0 : i32
      %dma_wait3A_171 = arith.constant 0 : i32
      %dma_wait3A_172 = tpu.memref_slice %arg4[%dma_wait3A_170, %dma_wait3A_171] : memref<40960x128xf32, #tpu.memory_space<hbm>> -> memref<40960x128xf32, #tpu.memory_space<hbm>>
      tpu.wait_indirect_dma semaphore(%arg18 : memref<!tpu.dma_semaphore, #tpu.memory_space<semaphore_mem>>) src(%dma_wait3A_172 : memref<40960x128xf32, #tpu.memory_space<hbm>>) dst(%arg11 : memref<128x128xf32, #tpu.memory_space<vmem>>)
      "tpu.region"() ({
        %run_scoped3A = tpu.sem_alloc : memref<!tpu.dma_semaphore, #tpu.memory_space<semaphore_mem>>
        %dma_start3A_192 = arith.constant 0 : i32
        %dma_start3A_193 = tpu.memref_slice %arg6[%mul3A_154, %dma_start3A_192] : memref<80x128xi32, #tpu.memory_space<vmem>> -> memref<1x128xi32, #tpu.memory_space<vmem>>
        %dma_start3A_194 = tpu.memref_squeeze %dma_start3A_193 : memref<1x128xi32, #tpu.memory_space<vmem>> -> memref<128xi32, #tpu.memory_space<vmem>>
        %dma_start3A_195 = arith.constant 0 : i32
        %dma_start3A_196 = arith.constant 0 : i32
        %dma_start3A_197 = tpu.memref_slice %arg13[%dma_start3A_195, %dma_start3A_196] : memref<10240x128xf32, #tpu.memory_space<vmem_shared>> -> memref<10240x128xf32, #tpu.memory_space<vmem_shared>>
        tpu.enqueue_indirect_dma source(%arg11 : memref<128x128xf32, #tpu.memory_space<vmem>>) target(%dma_start3A_197 : memref<10240x128xf32, #tpu.memory_space<vmem_shared>>) offsets(%dma_start3A_194 : memref<128xi32, #tpu.memory_space<vmem>>) semaphore(%run_scoped3A : memref<!tpu.dma_semaphore, #tpu.memory_space<semaphore_mem>>) {add = true}
        %dma_wait3A_198 = arith.constant 0 : i32
        %dma_wait3A_199 = tpu.memref_slice %arg6[%mul3A_154, %dma_wait3A_198] : memref<80x128xi32, #tpu.memory_space<vmem>> -> memref<1x128xi32, #tpu.memory_space<vmem>>
        %dma_wait3A_200 = tpu.memref_squeeze %dma_wait3A_199 : memref<1x128xi32, #tpu.memory_space<vmem>> -> memref<128xi32, #tpu.memory_space<vmem>>
        %dma_wait3A_201 = arith.constant 0 : i32
        %dma_wait3A_202 = arith.constant 0 : i32
        %dma_wait3A_203 = tpu.memref_slice %arg13[%dma_wait3A_201, %dma_wait3A_202] : memref<10240x128xf32, #tpu.memory_space<vmem_shared>> -> memref<10240x128xf32, #tpu.memory_space<vmem_shared>>
        tpu.wait_indirect_dma semaphore(%run_scoped3A : memref<!tpu.dma_semaphore, #tpu.memory_space<semaphore_mem>>) src(%arg11 : memref<128x128xf32, #tpu.memory_space<vmem>>) dst(%dma_wait3A_203 : memref<10240x128xf32, #tpu.memory_space<vmem_shared>>)
        tpu.yield
      }) : () -> ()
      %add3A_173 = arith.constant 2 : i32
      %add3A_174 = arith.addi %mul3A_154, %add3A_173 : i32
      %lt3A_175 = arith.constant 80 : i32
      %lt3A_176 = arith.cmpi slt, %add3A_174, %lt3A_175 : i32
      %convert_element_type3A_177 = arith.extui %lt3A_176 : i1 to i32
      %cond3A_178 = arith.constant 0 : i32
      %cond3A_179 = arith.cmpi ne, %convert_element_type3A_177, %cond3A_178 : i32
      scf.if %cond3A_179 {
        %add3A_192 = arith.constant 2 : i32
        %add3A_193 = arith.addi %mul3A_154, %add3A_192 : i32
        %dma_wait3A_194 = arith.constant 0 : i32
        %dma_wait3A_195 = tpu.memref_slice %arg2[%add3A_4, %arg1, %add3A_193, %dma_wait3A_194] : memref<4x16x80x128xi32, #tpu.memory_space<hbm>> -> memref<1x1x1x128xi32, #tpu.memory_space<hbm>>
        %dma_wait3A_196 = tpu.memref_squeeze %dma_wait3A_195 : memref<1x1x1x128xi32, #tpu.memory_space<hbm>> -> memref<128xi32, #tpu.memory_space<hbm>>
        %dma_wait3A_197 = arith.constant 0 : i32
        %dma_wait3A_198 = tpu.memref_slice %arg2[%add3A_4, %arg1, %add3A_193, %dma_wait3A_197] : memref<4x16x80x128xi32, #tpu.memory_space<hbm>> -> memref<1x1x1x128xi32, #tpu.memory_space<hbm>>
        %dma_wait3A_199 = tpu.memref_squeeze %dma_wait3A_198 : memref<1x1x1x128xi32, #tpu.memory_space<hbm>> -> memref<128xi32, #tpu.memory_space<hbm>>
        tpu.wait_dma2 semaphore(%arg14 : memref<!tpu.dma_semaphore, #tpu.memory_space<semaphore_mem>>) src(%dma_wait3A_199 : memref<128xi32, #tpu.memory_space<hbm>>) dst(%arg7 : memref<128xi32, #tpu.memory_space<vmem>>)
        %dma_start3A_200 = arith.constant 0 : i32
        %dma_start3A_201 = arith.constant 0 : i32
        %dma_start3A_202 = tpu.memref_slice %arg4[%dma_start3A_200, %dma_start3A_201] : memref<40960x128xf32, #tpu.memory_space<hbm>> -> memref<40960x128xf32, #tpu.memory_space<hbm>>
        tpu.enqueue_indirect_dma source(%dma_start3A_202 : memref<40960x128xf32, #tpu.memory_space<hbm>>) target(%arg11 : memref<128x128xf32, #tpu.memory_space<vmem>>) offsets(%arg7 : memref<128xi32, #tpu.memory_space<vmem>>) semaphore(%arg18 : memref<!tpu.dma_semaphore, #tpu.memory_space<semaphore_mem>>)
      } else {
      }
      %add3A_180 = arith.constant 3 : i32
      %add3A_181 = arith.addi %mul3A_154, %add3A_180 : i32
      %lt3A_182 = arith.constant 80 : i32
      %lt3A_183 = arith.cmpi slt, %add3A_181, %lt3A_182 : i32
      %convert_element_type3A_184 = arith.extui %lt3A_183 : i1 to i32
      %cond3A_185 = arith.constant 0 : i32
      %cond3A_186 = arith.cmpi ne, %convert_element_type3A_184, %cond3A_185 : i32
      scf.if %cond3A_186 {
        %add3A_192 = arith.constant 3 : i32
        %add3A_193 = arith.addi %mul3A_154, %add3A_192 : i32
        %dma_start3A_194 = arith.constant 0 : i32
        %dma_start3A_195 = tpu.memref_slice %arg2[%add3A_4, %arg1, %add3A_193, %dma_start3A_194] : memref<4x16x80x128xi32, #tpu.memory_space<hbm>> -> memref<1x1x1x128xi32, #tpu.memory_space<hbm>>
        %dma_start3A_196 = tpu.memref_squeeze %dma_start3A_195 : memref<1x1x1x128xi32, #tpu.memory_space<hbm>> -> memref<128xi32, #tpu.memory_space<hbm>>
        %dma_start3A_197 = arith.constant 0 : i32
        %dma_start3A_198 = tpu.memref_slice %arg2[%add3A_4, %arg1, %add3A_193, %dma_start3A_197] : memref<4x16x80x128xi32, #tpu.memory_space<hbm>> -> memref<1x1x1x128xi32, #tpu.memory_space<hbm>>
        %dma_start3A_199 = tpu.memref_squeeze %dma_start3A_198 : memref<1x1x1x128xi32, #tpu.memory_space<hbm>> -> memref<128xi32, #tpu.memory_space<hbm>>
        tpu.enqueue_dma source(%dma_start3A_199 : memref<128xi32, #tpu.memory_space<hbm>>) target(%arg8 : memref<128xi32, #tpu.memory_space<vmem>>) target_semaphore(%arg15 : memref<!tpu.dma_semaphore, #tpu.memory_space<semaphore_mem>>)
      } else {
      }
      %dma_wait3A_187 = arith.constant 0 : i32
      %dma_wait3A_188 = arith.constant 0 : i32
      %dma_wait3A_189 = tpu.memref_slice %arg4[%dma_wait3A_187, %dma_wait3A_188] : memref<40960x128xf32, #tpu.memory_space<hbm>> -> memref<40960x128xf32, #tpu.memory_space<hbm>>
      tpu.wait_indirect_dma semaphore(%arg19 : memref<!tpu.dma_semaphore, #tpu.memory_space<semaphore_mem>>) src(%dma_wait3A_189 : memref<40960x128xf32, #tpu.memory_space<hbm>>) dst(%arg12 : memref<128x128xf32, #tpu.memory_space<vmem>>)
      %add3A_190 = arith.constant 1 : i32
      %add3A_191 = arith.addi %mul3A_154, %add3A_190 : i32
      "tpu.region"() ({
        %run_scoped3A = tpu.sem_alloc : memref<!tpu.dma_semaphore, #tpu.memory_space<semaphore_mem>>
        %dma_start3A_192 = arith.constant 0 : i32
        %dma_start3A_193 = tpu.memref_slice %arg6[%add3A_191, %dma_start3A_192] : memref<80x128xi32, #tpu.memory_space<vmem>> -> memref<1x128xi32, #tpu.memory_space<vmem>>
        %dma_start3A_194 = tpu.memref_squeeze %dma_start3A_193 : memref<1x128xi32, #tpu.memory_space<vmem>> -> memref<128xi32, #tpu.memory_space<vmem>>
        %dma_start3A_195 = arith.constant 0 : i32
        %dma_start3A_196 = arith.constant 0 : i32
        %dma_start3A_197 = tpu.memref_slice %arg13[%dma_start3A_195, %dma_start3A_196] : memref<10240x128xf32, #tpu.memory_space<vmem_shared>> -> memref<10240x128xf32, #tpu.memory_space<vmem_shared>>
        tpu.enqueue_indirect_dma source(%arg12 : memref<128x128xf32, #tpu.memory_space<vmem>>) target(%dma_start3A_197 : memref<10240x128xf32, #tpu.memory_space<vmem_shared>>) offsets(%dma_start3A_194 : memref<128xi32, #tpu.memory_space<vmem>>) semaphore(%run_scoped3A : memref<!tpu.dma_semaphore, #tpu.memory_space<semaphore_mem>>) {add = true}
        %dma_wait3A_198 = arith.constant 0 : i32
        %dma_wait3A_199 = tpu.memref_slice %arg6[%add3A_191, %dma_wait3A_198] : memref<80x128xi32, #tpu.memory_space<vmem>> -> memref<1x128xi32, #tpu.memory_space<vmem>>
        %dma_wait3A_200 = tpu.memref_squeeze %dma_wait3A_199 : memref<1x128xi32, #tpu.memory_space<vmem>> -> memref<128xi32, #tpu.memory_space<vmem>>
        %dma_wait3A_201 = arith.constant 0 : i32
        %dma_wait3A_202 = arith.constant 0 : i32
        %dma_wait3A_203 = tpu.memref_slice %arg13[%dma_wait3A_201, %dma_wait3A_202] : memref<10240x128xf32, #tpu.memory_space<vmem_shared>> -> memref<10240x128xf32, #tpu.memory_space<vmem_shared>>
        tpu.wait_indirect_dma semaphore(%run_scoped3A : memref<!tpu.dma_semaphore, #tpu.memory_space<semaphore_mem>>) src(%arg12 : memref<128x128xf32, #tpu.memory_space<vmem>>) dst(%dma_wait3A_203 : memref<10240x128xf32, #tpu.memory_space<vmem_shared>>)
        tpu.yield
      }) : () -> ()
    }
    %scan3A_45 = arith.constant 40 : i32
    %barrier3A_46 = arith.constant 0 : index
    tpu.barrier barrier_id(%barrier3A_46)
    %mul3A_47 = arith.constant 10240 : i32
    %mul3A_48 = arith.muli %add3A_4, %mul3A_47 : i32
    %add3A_49 = arith.constant 0 : i32
    %add3A_50 = arith.addi %mul3A_1, %add3A_49 : i32
    %add3A_51 = arith.addi %mul3A_48, %mul3A_1 : i32
    %add3A_52 = arith.constant 0 : i32
    %add3A_53 = arith.addi %add3A_51, %add3A_52 : i32
    "tpu.region"() ({
      %run_scoped3A = tpu.sem_alloc : memref<!tpu.dma_semaphore, #tpu.memory_space<semaphore_mem>>
      %dma_start3A_152 = arith.constant 0 : i32
      %dma_start3A_153 = tpu.memref_slice %arg5[%add3A_53, %dma_start3A_152] : memref<40960x128xf32, #tpu.memory_space<hbm>> -> memref<128x128xf32, #tpu.memory_space<hbm>>
      %dma_start3A_154 = arith.constant 0 : i32
      %dma_start3A_155 = tpu.memref_slice %arg13[%add3A_50, %dma_start3A_154] : memref<10240x128xf32, #tpu.memory_space<vmem_shared>> -> memref<128x128xf32, #tpu.memory_space<vmem_shared>>
      tpu.enqueue_dma source(%dma_start3A_155 : memref<128x128xf32, #tpu.memory_space<vmem_shared>>) target(%dma_start3A_153 : memref<128x128xf32, #tpu.memory_space<hbm>>) target_semaphore(%run_scoped3A : memref<!tpu.dma_semaphore, #tpu.memory_space<semaphore_mem>>)
      %dma_wait3A_156 = arith.constant 0 : i32
      %dma_wait3A_157 = tpu.memref_slice %arg5[%add3A_53, %dma_wait3A_156] : memref<40960x128xf32, #tpu.memory_space<hbm>> -> memref<128x128xf32, #tpu.memory_space<hbm>>
      %dma_wait3A_158 = arith.constant 0 : i32
      %dma_wait3A_159 = tpu.memref_slice %arg13[%add3A_50, %dma_wait3A_158] : memref<10240x128xf32, #tpu.memory_space<vmem_shared>> -> memref<128x128xf32, #tpu.memory_space<vmem_shared>>
      tpu.wait_dma2 semaphore(%run_scoped3A : memref<!tpu.dma_semaphore, #tpu.memory_space<semaphore_mem>>) src(%dma_wait3A_159 : memref<128x128xf32, #tpu.memory_space<vmem_shared>>) dst(%dma_wait3A_157 : memref<128x128xf32, #tpu.memory_space<hbm>>)
      tpu.yield
    }) : () -> ()
    %add3A_54 = arith.constant 128 : i32
    %add3A_55 = arith.addi %mul3A_1, %add3A_54 : i32
    %add3A_56 = arith.addi %mul3A_48, %mul3A_1 : i32
    %add3A_57 = arith.constant 128 : i32
    %add3A_58 = arith.addi %add3A_56, %add3A_57 : i32
    "tpu.region"() ({
      %run_scoped3A = tpu.sem_alloc : memref<!tpu.dma_semaphore, #tpu.memory_space<semaphore_mem>>
      %dma_start3A_152 = arith.constant 0 : i32
      %dma_start3A_153 = tpu.memref_slice %arg5[%add3A_58, %dma_start3A_152] : memref<40960x128xf32, #tpu.memory_space<hbm>> -> memref<128x128xf32, #tpu.memory_space<hbm>>
      %dma_start3A_154 = arith.constant 0 : i32
      %dma_start3A_155 = tpu.memref_slice %arg13[%add3A_55, %dma_start3A_154] : memref<10240x128xf32, #tpu.memory_space<vmem_shared>> -> memref<128x128xf32, #tpu.memory_space<vmem_shared>>
      tpu.enqueue_dma source(%dma_start3A_155 : memref<128x128xf32, #tpu.memory_space<vmem_shared>>) target(%dma_start3A_153 : memref<128x128xf32, #tpu.memory_space<hbm>>) target_semaphore(%run_scoped3A : memref<!tpu.dma_semaphore, #tpu.memory_space<semaphore_mem>>)
      %dma_wait3A_156 = arith.constant 0 : i32
      %dma_wait3A_157 = tpu.memref_slice %arg5[%add3A_58, %dma_wait3A_156] : memref<40960x128xf32, #tpu.memory_space<hbm>> -> memref<128x128xf32, #tpu.memory_space<hbm>>
      %dma_wait3A_158 = arith.constant 0 : i32
      %dma_wait3A_159 = tpu.memref_slice %arg13[%add3A_55, %dma_wait3A_158] : memref<10240x128xf32, #tpu.memory_space<vmem_shared>> -> memref<128x128xf32, #tpu.memory_space<vmem_shared>>
      tpu.wait_dma2 semaphore(%run_scoped3A : memref<!tpu.dma_semaphore, #tpu.memory_space<semaphore_mem>>) src(%dma_wait3A_159 : memref<128x128xf32, #tpu.memory_space<vmem_shared>>) dst(%dma_wait3A_157 : memref<128x128xf32, #tpu.memory_space<hbm>>)
      tpu.yield
    }) : () -> ()
    %add3A_59 = arith.constant 256 : i32
    %add3A_60 = arith.addi %mul3A_1, %add3A_59 : i32
    %add3A_61 = arith.addi %mul3A_48, %mul3A_1 : i32
    %add3A_62 = arith.constant 256 : i32
    %add3A_63 = arith.addi %add3A_61, %add3A_62 : i32
    "tpu.region"() ({
      %run_scoped3A = tpu.sem_alloc : memref<!tpu.dma_semaphore, #tpu.memory_space<semaphore_mem>>
      %dma_start3A_152 = arith.constant 0 : i32
      %dma_start3A_153 = tpu.memref_slice %arg5[%add3A_63, %dma_start3A_152] : memref<40960x128xf32, #tpu.memory_space<hbm>> -> memref<128x128xf32, #tpu.memory_space<hbm>>
      %dma_start3A_154 = arith.constant 0 : i32
      %dma_start3A_155 = tpu.memref_slice %arg13[%add3A_60, %dma_start3A_154] : memref<10240x128xf32, #tpu.memory_space<vmem_shared>> -> memref<128x128xf32, #tpu.memory_space<vmem_shared>>
      tpu.enqueue_dma source(%dma_start3A_155 : memref<128x128xf32, #tpu.memory_space<vmem_shared>>) target(%dma_start3A_153 : memref<128x128xf32, #tpu.memory_space<hbm>>) target_semaphore(%run_scoped3A : memref<!tpu.dma_semaphore, #tpu.memory_space<semaphore_mem>>)
      %dma_wait3A_156 = arith.constant 0 : i32
      %dma_wait3A_157 = tpu.memref_slice %arg5[%add3A_63, %dma_wait3A_156] : memref<40960x128xf32, #tpu.memory_space<hbm>> -> memref<128x128xf32, #tpu.memory_space<hbm>>
      %dma_wait3A_158 = arith.constant 0 : i32
      %dma_wait3A_159 = tpu.memref_slice %arg13[%add3A_60, %dma_wait3A_158] : memref<10240x128xf32, #tpu.memory_space<vmem_shared>> -> memref<128x128xf32, #tpu.memory_space<vmem_shared>>
      tpu.wait_dma2 semaphore(%run_scoped3A : memref<!tpu.dma_semaphore, #tpu.memory_space<semaphore_mem>>) src(%dma_wait3A_159 : memref<128x128xf32, #tpu.memory_space<vmem_shared>>) dst(%dma_wait3A_157 : memref<128x128xf32, #tpu.memory_space<hbm>>)
      tpu.yield
    }) : () -> ()
    %add3A_64 = arith.constant 384 : i32
    %add3A_65 = arith.addi %mul3A_1, %add3A_64 : i32
    %add3A_66 = arith.addi %mul3A_48, %mul3A_1 : i32
    %add3A_67 = arith.constant 384 : i32
    %add3A_68 = arith.addi %add3A_66, %add3A_67 : i32
    "tpu.region"() ({
      %run_scoped3A = tpu.sem_alloc : memref<!tpu.dma_semaphore, #tpu.memory_space<semaphore_mem>>
      %dma_start3A_152 = arith.constant 0 : i32
      %dma_start3A_153 = tpu.memref_slice %arg5[%add3A_68, %dma_start3A_152] : memref<40960x128xf32, #tpu.memory_space<hbm>> -> memref<128x128xf32, #tpu.memory_space<hbm>>
      %dma_start3A_154 = arith.constant 0 : i32
      %dma_start3A_155 = tpu.memref_slice %arg13[%add3A_65, %dma_start3A_154] : memref<10240x128xf32, #tpu.memory_space<vmem_shared>> -> memref<128x128xf32, #tpu.memory_space<vmem_shared>>
      tpu.enqueue_dma source(%dma_start3A_155 : memref<128x128xf32, #tpu.memory_space<vmem_shared>>) target(%dma_start3A_153 : memref<128x128xf32, #tpu.memory_space<hbm>>) target_semaphore(%run_scoped3A : memref<!tpu.dma_semaphore, #tpu.memory_space<semaphore_mem>>)
      %dma_wait3A_156 = arith.constant 0 : i32
      %dma_wait3A_157 = tpu.memref_slice %arg5[%add3A_68, %dma_wait3A_156] : memref<40960x128xf32, #tpu.memory_space<hbm>> -> memref<128x128xf32, #tpu.memory_space<hbm>>
      %dma_wait3A_158 = arith.constant 0 : i32
      %dma_wait3A_159 = tpu.memref_slice %arg13[%add3A_65, %dma_wait3A_158] : memref<10240x128xf32, #tpu.memory_space<vmem_shared>> -> memref<128x128xf32, #tpu.memory_space<vmem_shared>>
      tpu.wait_dma2 semaphore(%run_scoped3A : memref<!tpu.dma_semaphore, #tpu.memory_space<semaphore_mem>>) src(%dma_wait3A_159 : memref<128x128xf32, #tpu.memory_space<vmem_shared>>) dst(%dma_wait3A_157 : memref<128x128xf32, #tpu.memory_space<hbm>>)
      tpu.yield
    }) : () -> ()
    %add3A_69 = arith.constant 512 : i32
    %add3A_70 = arith.addi %mul3A_1, %add3A_69 : i32
    %add3A_71 = arith.addi %mul3A_48, %mul3A_1 : i32
    %add3A_72 = arith.constant 512 : i32
    %add3A_73 = arith.addi %add3A_71, %add3A_72 : i32
    "tpu.region"() ({
      %run_scoped3A = tpu.sem_alloc : memref<!tpu.dma_semaphore, #tpu.memory_space<semaphore_mem>>
      %dma_start3A_152 = arith.constant 0 : i32
      %dma_start3A_153 = tpu.memref_slice %arg5[%add3A_73, %dma_start3A_152] : memref<40960x128xf32, #tpu.memory_space<hbm>> -> memref<128x128xf32, #tpu.memory_space<hbm>>
      %dma_start3A_154 = arith.constant 0 : i32
      %dma_start3A_155 = tpu.memref_slice %arg13[%add3A_70, %dma_start3A_154] : memref<10240x128xf32, #tpu.memory_space<vmem_shared>> -> memref<128x128xf32, #tpu.memory_space<vmem_shared>>
      tpu.enqueue_dma source(%dma_start3A_155 : memref<128x128xf32, #tpu.memory_space<vmem_shared>>) target(%dma_start3A_153 : memref<128x128xf32, #tpu.memory_space<hbm>>) target_semaphore(%run_scoped3A : memref<!tpu.dma_semaphore, #tpu.memory_space<semaphore_mem>>)
      %dma_wait3A_156 = arith.constant 0 : i32
      %dma_wait3A_157 = tpu.memref_slice %arg5[%add3A_73, %dma_wait3A_156] : memref<40960x128xf32, #tpu.memory_space<hbm>> -> memref<128x128xf32, #tpu.memory_space<hbm>>
      %dma_wait3A_158 = arith.constant 0 : i32
      %dma_wait3A_159 = tpu.memref_slice %arg13[%add3A_70, %dma_wait3A_158] : memref<10240x128xf32, #tpu.memory_space<vmem_shared>> -> memref<128x128xf32, #tpu.memory_space<vmem_shared>>
      tpu.wait_dma2 semaphore(%run_scoped3A : memref<!tpu.dma_semaphore, #tpu.memory_space<semaphore_mem>>) src(%dma_wait3A_159 : memref<128x128xf32, #tpu.memory_space<vmem_shared>>) dst(%dma_wait3A_157 : memref<128x128xf32, #tpu.memory_space<hbm>>)
      tpu.yield
    }) : () -> ()
    %barrier3A_74 = arith.constant 0 : index
    tpu.barrier barrier_id(%barrier3A_74)
    %mul3A_75 = arith.constant 2 : i32
    %mul3A_76 = arith.muli %arg0, %mul3A_75 : i32
    %add3A_77 = arith.constant 1 : i32
    %add3A_78 = arith.addi %mul3A_76, %add3A_77 : i32
    %scan3A_79 = arith.constant 0 : i32
    %scan3A_80 = arith.constant 1024 : i32
    %scan3A_81 = arith.addi %scan3A_79, %scan3A_80 : i32
    %scan3A_82 = arith.constant 1 : i32
    scf.for %scan3A_152 = %scan3A_79 to %scan3A_81 step %scan3A_82  : i32 {
      %jit3A = arith.constant 8 : i32
      %div3A = arith.divsi %scan3A_152, %jit3A : i32
      %sign3A = arith.constant 0 : i32
      %sign3A_153 = arith.cmpi sgt, %scan3A_152, %sign3A : i32
      %sign3A_154 = arith.extui %sign3A_153 : i1 to i32
      %sign3A_155 = arith.constant 0 : i32
      %sign3A_156 = arith.cmpi slt, %scan3A_152, %sign3A_155 : i32
      %sign3A_157 = arith.extui %sign3A_156 : i1 to i32
      %sign3A_158 = arith.subi %sign3A_154, %sign3A_157 : i32
      %sign3A_159 = arith.constant 0 : i32
      %sign3A_160 = arith.cmpi sgt, %jit3A, %sign3A_159 : i32
      %sign3A_161 = arith.extui %sign3A_160 : i1 to i32
      %sign3A_162 = arith.constant 0 : i32
      %sign3A_163 = arith.cmpi slt, %jit3A, %sign3A_162 : i32
      %sign3A_164 = arith.extui %sign3A_163 : i1 to i32
      %sign3A_165 = arith.subi %sign3A_161, %sign3A_164 : i32
      %ne3A = arith.cmpi ne, %sign3A_158, %sign3A_165 : i32
      %rem3A = arith.remsi %scan3A_152, %jit3A : i32
      %ne3A_166 = arith.constant 0 : i32
      %ne3A_167 = arith.cmpi ne, %rem3A, %ne3A_166 : i32
      %and3A = arith.andi %ne3A, %ne3A_167 : i1
      %sub3A = arith.constant 1 : i32
      %sub3A_168 = arith.subi %div3A, %sub3A : i32
      %select_n3A = arith.select %and3A, %sub3A_168, %div3A : i32
      %jit3A_169 = arith.constant 8 : i32
      %eq3A = arith.constant 0 : i32
      %eq3A_170 = arith.cmpi eq, %jit3A_169, %eq3A : i32
      %jit3A_171 = arith.constant 1 : i32
      %select_n3A_172 = arith.select %eq3A_170, %jit3A_171, %jit3A_169 : i32
      %rem3A_173 = arith.remsi %scan3A_152, %select_n3A_172 : i32
      %ne3A_174 = arith.constant 0 : i32
      %ne3A_175 = arith.cmpi ne, %rem3A_173, %ne3A_174 : i32
      %lt3A = arith.constant 0 : i32
      %lt3A_176 = arith.cmpi slt, %rem3A_173, %lt3A : i32
      %lt3A_177 = arith.constant 0 : i32
      %lt3A_178 = arith.cmpi slt, %select_n3A_172, %lt3A_177 : i32
      %ne3A_179 = arith.xori %lt3A_176, %lt3A_178 : i1
      %and3A_180 = arith.andi %ne3A_179, %ne3A_175 : i1
      %add3A_181 = arith.addi %rem3A_173, %select_n3A_172 : i32
      %select_n3A_182 = arith.select %and3A_180, %add3A_181, %rem3A_173 : i32
      %mul3A_183 = arith.constant 16 : i32
      %mul3A_184 = arith.muli %select_n3A_182, %mul3A_183 : i32
      %swap3A = arith.index_cast %select_n3A : i32 to index
      %swap3A_185 = arith.index_cast %mul3A_184 : i32 to index
      %swap3A_186 = tpu.vector_load %arg11[%swap3A, %swap3A_185] {strides = array<i32>} : memref<128x128xf32, #tpu.memory_space<vmem>>, vector<1x16xf32>,
      %swap3A_187 = vector.shape_cast %swap3A_186 : vector<1x16xf32> to vector<16xf32>
      %swap3A_188 = vector.shape_cast %broadcast_in_dim3A_0 : vector<16xf32> to vector<1x16xf32>
      tpu.vector_store %arg11[%swap3A, %swap3A_185], %swap3A_188 {strides = array<i32>} : memref<128x128xf32, #tpu.memory_space<vmem>>, vector<1x16xf32>,
    }
    %scan3A_83 = arith.constant 1024 : i32
    %add3A_84 = arith.constant 0 : i32
    %add3A_85 = arith.addi %mul3A_1, %add3A_84 : i32
    "tpu.region"() ({
      %run_scoped3A = tpu.sem_alloc : memref<!tpu.dma_semaphore, #tpu.memory_space<semaphore_mem>>
      %dma_start3A_152 = arith.constant 0 : i32
      %dma_start3A_153 = tpu.memref_slice %arg13[%add3A_85, %dma_start3A_152] : memref<10240x128xf32, #tpu.memory_space<vmem_shared>> -> memref<128x128xf32, #tpu.memory_space<vmem_shared>>
      %dma_start3A_154 = arith.constant 0 : i32
      %dma_start3A_155 = tpu.memref_slice %arg13[%add3A_85, %dma_start3A_154] : memref<10240x128xf32, #tpu.memory_space<vmem_shared>> -> memref<128x128xf32, #tpu.memory_space<vmem_shared>>
      tpu.enqueue_dma source(%arg11 : memref<128x128xf32, #tpu.memory_space<vmem>>) target(%dma_start3A_155 : memref<128x128xf32, #tpu.memory_space<vmem_shared>>) target_semaphore(%run_scoped3A : memref<!tpu.dma_semaphore, #tpu.memory_space<semaphore_mem>>)
      %dma_wait3A_156 = arith.constant 0 : i32
      %dma_wait3A_157 = tpu.memref_slice %arg13[%add3A_85, %dma_wait3A_156] : memref<10240x128xf32, #tpu.memory_space<vmem_shared>> -> memref<128x128xf32, #tpu.memory_space<vmem_shared>>
      %dma_wait3A_158 = arith.constant 0 : i32
      %dma_wait3A_159 = tpu.memref_slice %arg13[%add3A_85, %dma_wait3A_158] : memref<10240x128xf32, #tpu.memory_space<vmem_shared>> -> memref<128x128xf32, #tpu.memory_space<vmem_shared>>
      tpu.wait_dma2 semaphore(%run_scoped3A : memref<!tpu.dma_semaphore, #tpu.memory_space<semaphore_mem>>) src(%arg11 : memref<128x128xf32, #tpu.memory_space<vmem>>) dst(%dma_wait3A_159 : memref<128x128xf32, #tpu.memory_space<vmem_shared>>)
      tpu.yield
    }) : () -> ()
    %add3A_86 = arith.constant 128 : i32
    %add3A_87 = arith.addi %mul3A_1, %add3A_86 : i32
    "tpu.region"() ({
      %run_scoped3A = tpu.sem_alloc : memref<!tpu.dma_semaphore, #tpu.memory_space<semaphore_mem>>
      %dma_start3A_152 = arith.constant 0 : i32
      %dma_start3A_153 = tpu.memref_slice %arg13[%add3A_87, %dma_start3A_152] : memref<10240x128xf32, #tpu.memory_space<vmem_shared>> -> memref<128x128xf32, #tpu.memory_space<vmem_shared>>
      %dma_start3A_154 = arith.constant 0 : i32
      %dma_start3A_155 = tpu.memref_slice %arg13[%add3A_87, %dma_start3A_154] : memref<10240x128xf32, #tpu.memory_space<vmem_shared>> -> memref<128x128xf32, #tpu.memory_space<vmem_shared>>
      tpu.enqueue_dma source(%arg11 : memref<128x128xf32, #tpu.memory_space<vmem>>) target(%dma_start3A_155 : memref<128x128xf32, #tpu.memory_space<vmem_shared>>) target_semaphore(%run_scoped3A : memref<!tpu.dma_semaphore, #tpu.memory_space<semaphore_mem>>)
      %dma_wait3A_156 = arith.constant 0 : i32
      %dma_wait3A_157 = tpu.memref_slice %arg13[%add3A_87, %dma_wait3A_156] : memref<10240x128xf32, #tpu.memory_space<vmem_shared>> -> memref<128x128xf32, #tpu.memory_space<vmem_shared>>
      %dma_wait3A_158 = arith.constant 0 : i32
      %dma_wait3A_159 = tpu.memref_slice %arg13[%add3A_87, %dma_wait3A_158] : memref<10240x128xf32, #tpu.memory_space<vmem_shared>> -> memref<128x128xf32, #tpu.memory_space<vmem_shared>>
      tpu.wait_dma2 semaphore(%run_scoped3A : memref<!tpu.dma_semaphore, #tpu.memory_space<semaphore_mem>>) src(%arg11 : memref<128x128xf32, #tpu.memory_space<vmem>>) dst(%dma_wait3A_159 : memref<128x128xf32, #tpu.memory_space<vmem_shared>>)
      tpu.yield
    }) : () -> ()
    %add3A_88 = arith.constant 256 : i32
    %add3A_89 = arith.addi %mul3A_1, %add3A_88 : i32
    "tpu.region"() ({
      %run_scoped3A = tpu.sem_alloc : memref<!tpu.dma_semaphore, #tpu.memory_space<semaphore_mem>>
      %dma_start3A_152 = arith.constant 0 : i32
      %dma_start3A_153 = tpu.memref_slice %arg13[%add3A_89, %dma_start3A_152] : memref<10240x128xf32, #tpu.memory_space<vmem_shared>> -> memref<128x128xf32, #tpu.memory_space<vmem_shared>>
      %dma_start3A_154 = arith.constant 0 : i32
      %dma_start3A_155 = tpu.memref_slice %arg13[%add3A_89, %dma_start3A_154] : memref<10240x128xf32, #tpu.memory_space<vmem_shared>> -> memref<128x128xf32, #tpu.memory_space<vmem_shared>>
      tpu.enqueue_dma source(%arg11 : memref<128x128xf32, #tpu.memory_space<vmem>>) target(%dma_start3A_155 : memref<128x128xf32, #tpu.memory_space<vmem_shared>>) target_semaphore(%run_scoped3A : memref<!tpu.dma_semaphore, #tpu.memory_space<semaphore_mem>>)
      %dma_wait3A_156 = arith.constant 0 : i32
      %dma_wait3A_157 = tpu.memref_slice %arg13[%add3A_89, %dma_wait3A_156] : memref<10240x128xf32, #tpu.memory_space<vmem_shared>> -> memref<128x128xf32, #tpu.memory_space<vmem_shared>>
      %dma_wait3A_158 = arith.constant 0 : i32
      %dma_wait3A_159 = tpu.memref_slice %arg13[%add3A_89, %dma_wait3A_158] : memref<10240x128xf32, #tpu.memory_space<vmem_shared>> -> memref<128x128xf32, #tpu.memory_space<vmem_shared>>
      tpu.wait_dma2 semaphore(%run_scoped3A : memref<!tpu.dma_semaphore, #tpu.memory_space<semaphore_mem>>) src(%arg11 : memref<128x128xf32, #tpu.memory_space<vmem>>) dst(%dma_wait3A_159 : memref<128x128xf32, #tpu.memory_space<vmem_shared>>)
      tpu.yield
    }) : () -> ()
    %add3A_90 = arith.constant 384 : i32
    %add3A_91 = arith.addi %mul3A_1, %add3A_90 : i32
    "tpu.region"() ({
      %run_scoped3A = tpu.sem_alloc : memref<!tpu.dma_semaphore, #tpu.memory_space<semaphore_mem>>
      %dma_start3A_152 = arith.constant 0 : i32
      %dma_start3A_153 = tpu.memref_slice %arg13[%add3A_91, %dma_start3A_152] : memref<10240x128xf32, #tpu.memory_space<vmem_shared>> -> memref<128x128xf32, #tpu.memory_space<vmem_shared>>
      %dma_start3A_154 = arith.constant 0 : i32
      %dma_start3A_155 = tpu.memref_slice %arg13[%add3A_91, %dma_start3A_154] : memref<10240x128xf32, #tpu.memory_space<vmem_shared>> -> memref<128x128xf32, #tpu.memory_space<vmem_shared>>
      tpu.enqueue_dma source(%arg11 : memref<128x128xf32, #tpu.memory_space<vmem>>) target(%dma_start3A_155 : memref<128x128xf32, #tpu.memory_space<vmem_shared>>) target_semaphore(%run_scoped3A : memref<!tpu.dma_semaphore, #tpu.memory_space<semaphore_mem>>)
      %dma_wait3A_156 = arith.constant 0 : i32
      %dma_wait3A_157 = tpu.memref_slice %arg13[%add3A_91, %dma_wait3A_156] : memref<10240x128xf32, #tpu.memory_space<vmem_shared>> -> memref<128x128xf32, #tpu.memory_space<vmem_shared>>
      %dma_wait3A_158 = arith.constant 0 : i32
      %dma_wait3A_159 = tpu.memref_slice %arg13[%add3A_91, %dma_wait3A_158] : memref<10240x128xf32, #tpu.memory_space<vmem_shared>> -> memref<128x128xf32, #tpu.memory_space<vmem_shared>>
      tpu.wait_dma2 semaphore(%run_scoped3A : memref<!tpu.dma_semaphore, #tpu.memory_space<semaphore_mem>>) src(%arg11 : memref<128x128xf32, #tpu.memory_space<vmem>>) dst(%dma_wait3A_159 : memref<128x128xf32, #tpu.memory_space<vmem_shared>>)
      tpu.yield
    }) : () -> ()
    %add3A_92 = arith.constant 512 : i32
    %add3A_93 = arith.addi %mul3A_1, %add3A_92 : i32
    "tpu.region"() ({
      %run_scoped3A = tpu.sem_alloc : memref<!tpu.dma_semaphore, #tpu.memory_space<semaphore_mem>>
      %dma_start3A_152 = arith.constant 0 : i32
      %dma_start3A_153 = tpu.memref_slice %arg13[%add3A_93, %dma_start3A_152] : memref<10240x128xf32, #tpu.memory_space<vmem_shared>> -> memref<128x128xf32, #tpu.memory_space<vmem_shared>>
      %dma_start3A_154 = arith.constant 0 : i32
      %dma_start3A_155 = tpu.memref_slice %arg13[%add3A_93, %dma_start3A_154] : memref<10240x128xf32, #tpu.memory_space<vmem_shared>> -> memref<128x128xf32, #tpu.memory_space<vmem_shared>>
      tpu.enqueue_dma source(%arg11 : memref<128x128xf32, #tpu.memory_space<vmem>>) target(%dma_start3A_155 : memref<128x128xf32, #tpu.memory_space<vmem_shared>>) target_semaphore(%run_scoped3A : memref<!tpu.dma_semaphore, #tpu.memory_space<semaphore_mem>>)
      %dma_wait3A_156 = arith.constant 0 : i32
      %dma_wait3A_157 = tpu.memref_slice %arg13[%add3A_93, %dma_wait3A_156] : memref<10240x128xf32, #tpu.memory_space<vmem_shared>> -> memref<128x128xf32, #tpu.memory_space<vmem_shared>>
      %dma_wait3A_158 = arith.constant 0 : i32
      %dma_wait3A_159 = tpu.memref_slice %arg13[%add3A_93, %dma_wait3A_158] : memref<10240x128xf32, #tpu.memory_space<vmem_shared>> -> memref<128x128xf32, #tpu.memory_space<vmem_shared>>
      tpu.wait_dma2 semaphore(%run_scoped3A : memref<!tpu.dma_semaphore, #tpu.memory_space<semaphore_mem>>) src(%arg11 : memref<128x128xf32, #tpu.memory_space<vmem>>) dst(%dma_wait3A_159 : memref<128x128xf32, #tpu.memory_space<vmem_shared>>)
      tpu.yield
    }) : () -> ()
    %barrier3A_94 = arith.constant 0 : index
    tpu.barrier barrier_id(%barrier3A_94)
    %dma_start3A_95 = arith.constant 0 : i32
    %dma_start3A_96 = arith.constant 0 : i32
    %dma_start3A_97 = tpu.memref_slice %arg2[%add3A_78, %arg1, %dma_start3A_95, %dma_start3A_96] : memref<4x16x80x128xi32, #tpu.memory_space<hbm>> -> memref<1x1x1x128xi32, #tpu.memory_space<hbm>>
    %dma_start3A_98 = tpu.memref_squeeze %dma_start3A_97 : memref<1x1x1x128xi32, #tpu.memory_space<hbm>> -> memref<128xi32, #tpu.memory_space<hbm>>
    %dma_start3A_99 = arith.constant 0 : i32
    %dma_start3A_100 = tpu.memref_slice %arg2[%add3A_78, %arg1, %dma_start3A_95, %dma_start3A_99] : memref<4x16x80x128xi32, #tpu.memory_space<hbm>> -> memref<1x1x1x128xi32, #tpu.memory_space<hbm>>
    %dma_start3A_101 = tpu.memref_squeeze %dma_start3A_100 : memref<1x1x1x128xi32, #tpu.memory_space<hbm>> -> memref<128xi32, #tpu.memory_space<hbm>>
    tpu.enqueue_dma source(%dma_start3A_101 : memref<128xi32, #tpu.memory_space<hbm>>) target(%arg7 : memref<128xi32, #tpu.memory_space<vmem>>) target_semaphore(%arg14 : memref<!tpu.dma_semaphore, #tpu.memory_space<semaphore_mem>>)
    %dma_wait3A_102 = arith.constant 0 : i32
    %dma_wait3A_103 = arith.constant 0 : i32
    %dma_wait3A_104 = tpu.memref_slice %arg2[%add3A_78, %arg1, %dma_wait3A_102, %dma_wait3A_103] : memref<4x16x80x128xi32, #tpu.memory_space<hbm>> -> memref<1x1x1x128xi32, #tpu.memory_space<hbm>>
    %dma_wait3A_105 = tpu.memref_squeeze %dma_wait3A_104 : memref<1x1x1x128xi32, #tpu.memory_space<hbm>> -> memref<128xi32, #tpu.memory_space<hbm>>
    %dma_wait3A_106 = arith.constant 0 : i32
    %dma_wait3A_107 = tpu.memref_slice %arg2[%add3A_78, %arg1, %dma_wait3A_102, %dma_wait3A_106] : memref<4x16x80x128xi32, #tpu.memory_space<hbm>> -> memref<1x1x1x128xi32, #tpu.memory_space<hbm>>
    %dma_wait3A_108 = tpu.memref_squeeze %dma_wait3A_107 : memref<1x1x1x128xi32, #tpu.memory_space<hbm>> -> memref<128xi32, #tpu.memory_space<hbm>>
    tpu.wait_dma2 semaphore(%arg14 : memref<!tpu.dma_semaphore, #tpu.memory_space<semaphore_mem>>) src(%dma_wait3A_108 : memref<128xi32, #tpu.memory_space<hbm>>) dst(%arg7 : memref<128xi32, #tpu.memory_space<vmem>>)
    %dma_start3A_109 = arith.constant 0 : i32
    %dma_start3A_110 = arith.constant 0 : i32
    %dma_start3A_111 = tpu.memref_slice %arg4[%dma_start3A_109, %dma_start3A_110] : memref<40960x128xf32, #tpu.memory_space<hbm>> -> memref<40960x128xf32, #tpu.memory_space<hbm>>
    tpu.enqueue_indirect_dma source(%dma_start3A_111 : memref<40960x128xf32, #tpu.memory_space<hbm>>) target(%arg11 : memref<128x128xf32, #tpu.memory_space<vmem>>) offsets(%arg7 : memref<128xi32, #tpu.memory_space<vmem>>) semaphore(%arg18 : memref<!tpu.dma_semaphore, #tpu.memory_space<semaphore_mem>>)
    %dma_start3A_112 = arith.constant 1 : i32
    %dma_start3A_113 = arith.constant 0 : i32
    %dma_start3A_114 = tpu.memref_slice %arg2[%add3A_78, %arg1, %dma_start3A_112, %dma_start3A_113] : memref<4x16x80x128xi32, #tpu.memory_space<hbm>> -> memref<1x1x1x128xi32, #tpu.memory_space<hbm>>
    %dma_start3A_115 = tpu.memref_squeeze %dma_start3A_114 : memref<1x1x1x128xi32, #tpu.memory_space<hbm>> -> memref<128xi32, #tpu.memory_space<hbm>>
    %dma_start3A_116 = arith.constant 0 : i32
    %dma_start3A_117 = tpu.memref_slice %arg2[%add3A_78, %arg1, %dma_start3A_112, %dma_start3A_116] : memref<4x16x80x128xi32, #tpu.memory_space<hbm>> -> memref<1x1x1x128xi32, #tpu.memory_space<hbm>>
    %dma_start3A_118 = tpu.memref_squeeze %dma_start3A_117 : memref<1x1x1x128xi32, #tpu.memory_space<hbm>> -> memref<128xi32, #tpu.memory_space<hbm>>
    tpu.enqueue_dma source(%dma_start3A_118 : memref<128xi32, #tpu.memory_space<hbm>>) target(%arg8 : memref<128xi32, #tpu.memory_space<vmem>>) target_semaphore(%arg15 : memref<!tpu.dma_semaphore, #tpu.memory_space<semaphore_mem>>)
    %scan3A_119 = arith.constant 0 : i32
    %scan3A_120 = arith.constant 40 : i32
    %scan3A_121 = arith.addi %scan3A_119, %scan3A_120 : i32
    %scan3A_122 = arith.constant 1 : i32
    scf.for %scan3A_152 = %scan3A_119 to %scan3A_121 step %scan3A_122  : i32 {
      %mul3A_153 = arith.constant 2 : i32
      %mul3A_154 = arith.muli %mul3A_153, %scan3A_152 : i32
      %add3A_155 = arith.constant 1 : i32
      %add3A_156 = arith.addi %mul3A_154, %add3A_155 : i32
      %dma_wait3A_157 = arith.constant 0 : i32
      %dma_wait3A_158 = tpu.memref_slice %arg2[%add3A_78, %arg1, %add3A_156, %dma_wait3A_157] : memref<4x16x80x128xi32, #tpu.memory_space<hbm>> -> memref<1x1x1x128xi32, #tpu.memory_space<hbm>>
      %dma_wait3A_159 = tpu.memref_squeeze %dma_wait3A_158 : memref<1x1x1x128xi32, #tpu.memory_space<hbm>> -> memref<128xi32, #tpu.memory_space<hbm>>
      %dma_wait3A_160 = arith.constant 0 : i32
      %dma_wait3A_161 = tpu.memref_slice %arg2[%add3A_78, %arg1, %add3A_156, %dma_wait3A_160] : memref<4x16x80x128xi32, #tpu.memory_space<hbm>> -> memref<1x1x1x128xi32, #tpu.memory_space<hbm>>
      %dma_wait3A_162 = tpu.memref_squeeze %dma_wait3A_161 : memref<1x1x1x128xi32, #tpu.memory_space<hbm>> -> memref<128xi32, #tpu.memory_space<hbm>>
      tpu.wait_dma2 semaphore(%arg15 : memref<!tpu.dma_semaphore, #tpu.memory_space<semaphore_mem>>) src(%dma_wait3A_162 : memref<128xi32, #tpu.memory_space<hbm>>) dst(%arg8 : memref<128xi32, #tpu.memory_space<vmem>>)
      %dma_start3A_163 = arith.constant 0 : i32
      %dma_start3A_164 = arith.constant 0 : i32
      %dma_start3A_165 = tpu.memref_slice %arg4[%dma_start3A_163, %dma_start3A_164] : memref<40960x128xf32, #tpu.memory_space<hbm>> -> memref<40960x128xf32, #tpu.memory_space<hbm>>
      tpu.enqueue_indirect_dma source(%dma_start3A_165 : memref<40960x128xf32, #tpu.memory_space<hbm>>) target(%arg12 : memref<128x128xf32, #tpu.memory_space<vmem>>) offsets(%arg8 : memref<128xi32, #tpu.memory_space<vmem>>) semaphore(%arg19 : memref<!tpu.dma_semaphore, #tpu.memory_space<semaphore_mem>>)
      %add3A_166 = arith.constant 2 : i32
      %add3A_167 = arith.addi %mul3A_154, %add3A_166 : i32
      %lt3A = arith.constant 80 : i32
      %lt3A_168 = arith.cmpi slt, %add3A_167, %lt3A : i32
      %convert_element_type3A = arith.extui %lt3A_168 : i1 to i32
      %cond3A = arith.constant 0 : i32
      %cond3A_169 = arith.cmpi ne, %convert_element_type3A, %cond3A : i32
      scf.if %cond3A_169 {
        %add3A_192 = arith.constant 2 : i32
        %add3A_193 = arith.addi %mul3A_154, %add3A_192 : i32
        %dma_start3A_194 = arith.constant 0 : i32
        %dma_start3A_195 = tpu.memref_slice %arg2[%add3A_78, %arg1, %add3A_193, %dma_start3A_194] : memref<4x16x80x128xi32, #tpu.memory_space<hbm>> -> memref<1x1x1x128xi32, #tpu.memory_space<hbm>>
        %dma_start3A_196 = tpu.memref_squeeze %dma_start3A_195 : memref<1x1x1x128xi32, #tpu.memory_space<hbm>> -> memref<128xi32, #tpu.memory_space<hbm>>
        %dma_start3A_197 = arith.constant 0 : i32
        %dma_start3A_198 = tpu.memref_slice %arg2[%add3A_78, %arg1, %add3A_193, %dma_start3A_197] : memref<4x16x80x128xi32, #tpu.memory_space<hbm>> -> memref<1x1x1x128xi32, #tpu.memory_space<hbm>>
        %dma_start3A_199 = tpu.memref_squeeze %dma_start3A_198 : memref<1x1x1x128xi32, #tpu.memory_space<hbm>> -> memref<128xi32, #tpu.memory_space<hbm>>
        tpu.enqueue_dma source(%dma_start3A_199 : memref<128xi32, #tpu.memory_space<hbm>>) target(%arg7 : memref<128xi32, #tpu.memory_space<vmem>>) target_semaphore(%arg14 : memref<!tpu.dma_semaphore, #tpu.memory_space<semaphore_mem>>)
      } else {
      }
      %dma_wait3A_170 = arith.constant 0 : i32
      %dma_wait3A_171 = arith.constant 0 : i32
      %dma_wait3A_172 = tpu.memref_slice %arg4[%dma_wait3A_170, %dma_wait3A_171] : memref<40960x128xf32, #tpu.memory_space<hbm>> -> memref<40960x128xf32, #tpu.memory_space<hbm>>
      tpu.wait_indirect_dma semaphore(%arg18 : memref<!tpu.dma_semaphore, #tpu.memory_space<semaphore_mem>>) src(%dma_wait3A_172 : memref<40960x128xf32, #tpu.memory_space<hbm>>) dst(%arg11 : memref<128x128xf32, #tpu.memory_space<vmem>>)
      "tpu.region"() ({
        %run_scoped3A = tpu.sem_alloc : memref<!tpu.dma_semaphore, #tpu.memory_space<semaphore_mem>>
        %dma_start3A_192 = arith.constant 0 : i32
        %dma_start3A_193 = tpu.memref_slice %arg6[%mul3A_154, %dma_start3A_192] : memref<80x128xi32, #tpu.memory_space<vmem>> -> memref<1x128xi32, #tpu.memory_space<vmem>>
        %dma_start3A_194 = tpu.memref_squeeze %dma_start3A_193 : memref<1x128xi32, #tpu.memory_space<vmem>> -> memref<128xi32, #tpu.memory_space<vmem>>
        %dma_start3A_195 = arith.constant 0 : i32
        %dma_start3A_196 = arith.constant 0 : i32
        %dma_start3A_197 = tpu.memref_slice %arg13[%dma_start3A_195, %dma_start3A_196] : memref<10240x128xf32, #tpu.memory_space<vmem_shared>> -> memref<10240x128xf32, #tpu.memory_space<vmem_shared>>
        tpu.enqueue_indirect_dma source(%arg11 : memref<128x128xf32, #tpu.memory_space<vmem>>) target(%dma_start3A_197 : memref<10240x128xf32, #tpu.memory_space<vmem_shared>>) offsets(%dma_start3A_194 : memref<128xi32, #tpu.memory_space<vmem>>) semaphore(%run_scoped3A : memref<!tpu.dma_semaphore, #tpu.memory_space<semaphore_mem>>) {add = true}
        %dma_wait3A_198 = arith.constant 0 : i32
        %dma_wait3A_199 = tpu.memref_slice %arg6[%mul3A_154, %dma_wait3A_198] : memref<80x128xi32, #tpu.memory_space<vmem>> -> memref<1x128xi32, #tpu.memory_space<vmem>>
        %dma_wait3A_200 = tpu.memref_squeeze %dma_wait3A_199 : memref<1x128xi32, #tpu.memory_space<vmem>> -> memref<128xi32, #tpu.memory_space<vmem>>
        %dma_wait3A_201 = arith.constant 0 : i32
        %dma_wait3A_202 = arith.constant 0 : i32
        %dma_wait3A_203 = tpu.memref_slice %arg13[%dma_wait3A_201, %dma_wait3A_202] : memref<10240x128xf32, #tpu.memory_space<vmem_shared>> -> memref<10240x128xf32, #tpu.memory_space<vmem_shared>>
        tpu.wait_indirect_dma semaphore(%run_scoped3A : memref<!tpu.dma_semaphore, #tpu.memory_space<semaphore_mem>>) src(%arg11 : memref<128x128xf32, #tpu.memory_space<vmem>>) dst(%dma_wait3A_203 : memref<10240x128xf32, #tpu.memory_space<vmem_shared>>)
        tpu.yield
      }) : () -> ()
      %add3A_173 = arith.constant 2 : i32
      %add3A_174 = arith.addi %mul3A_154, %add3A_173 : i32
      %lt3A_175 = arith.constant 80 : i32
      %lt3A_176 = arith.cmpi slt, %add3A_174, %lt3A_175 : i32
      %convert_element_type3A_177 = arith.extui %lt3A_176 : i1 to i32
      %cond3A_178 = arith.constant 0 : i32
      %cond3A_179 = arith.cmpi ne, %convert_element_type3A_177, %cond3A_178 : i32
      scf.if %cond3A_179 {
        %add3A_192 = arith.constant 2 : i32
        %add3A_193 = arith.addi %mul3A_154, %add3A_192 : i32
        %dma_wait3A_194 = arith.constant 0 : i32
        %dma_wait3A_195 = tpu.memref_slice %arg2[%add3A_78, %arg1, %add3A_193, %dma_wait3A_194] : memref<4x16x80x128xi32, #tpu.memory_space<hbm>> -> memref<1x1x1x128xi32, #tpu.memory_space<hbm>>
        %dma_wait3A_196 = tpu.memref_squeeze %dma_wait3A_195 : memref<1x1x1x128xi32, #tpu.memory_space<hbm>> -> memref<128xi32, #tpu.memory_space<hbm>>
        %dma_wait3A_197 = arith.constant 0 : i32
        %dma_wait3A_198 = tpu.memref_slice %arg2[%add3A_78, %arg1, %add3A_193, %dma_wait3A_197] : memref<4x16x80x128xi32, #tpu.memory_space<hbm>> -> memref<1x1x1x128xi32, #tpu.memory_space<hbm>>
        %dma_wait3A_199 = tpu.memref_squeeze %dma_wait3A_198 : memref<1x1x1x128xi32, #tpu.memory_space<hbm>> -> memref<128xi32, #tpu.memory_space<hbm>>
        tpu.wait_dma2 semaphore(%arg14 : memref<!tpu.dma_semaphore, #tpu.memory_space<semaphore_mem>>) src(%dma_wait3A_199 : memref<128xi32, #tpu.memory_space<hbm>>) dst(%arg7 : memref<128xi32, #tpu.memory_space<vmem>>)
        %dma_start3A_200 = arith.constant 0 : i32
        %dma_start3A_201 = arith.constant 0 : i32
        %dma_start3A_202 = tpu.memref_slice %arg4[%dma_start3A_200, %dma_start3A_201] : memref<40960x128xf32, #tpu.memory_space<hbm>> -> memref<40960x128xf32, #tpu.memory_space<hbm>>
        tpu.enqueue_indirect_dma source(%dma_start3A_202 : memref<40960x128xf32, #tpu.memory_space<hbm>>) target(%arg11 : memref<128x128xf32, #tpu.memory_space<vmem>>) offsets(%arg7 : memref<128xi32, #tpu.memory_space<vmem>>) semaphore(%arg18 : memref<!tpu.dma_semaphore, #tpu.memory_space<semaphore_mem>>)
      } else {
      }
      %add3A_180 = arith.constant 3 : i32
      %add3A_181 = arith.addi %mul3A_154, %add3A_180 : i32
      %lt3A_182 = arith.constant 80 : i32
      %lt3A_183 = arith.cmpi slt, %add3A_181, %lt3A_182 : i32
      %convert_element_type3A_184 = arith.extui %lt3A_183 : i1 to i32
      %cond3A_185 = arith.constant 0 : i32
      %cond3A_186 = arith.cmpi ne, %convert_element_type3A_184, %cond3A_185 : i32
      scf.if %cond3A_186 {
        %add3A_192 = arith.constant 3 : i32
        %add3A_193 = arith.addi %mul3A_154, %add3A_192 : i32
        %dma_start3A_194 = arith.constant 0 : i32
        %dma_start3A_195 = tpu.memref_slice %arg2[%add3A_78, %arg1, %add3A_193, %dma_start3A_194] : memref<4x16x80x128xi32, #tpu.memory_space<hbm>> -> memref<1x1x1x128xi32, #tpu.memory_space<hbm>>
        %dma_start3A_196 = tpu.memref_squeeze %dma_start3A_195 : memref<1x1x1x128xi32, #tpu.memory_space<hbm>> -> memref<128xi32, #tpu.memory_space<hbm>>
        %dma_start3A_197 = arith.constant 0 : i32
        %dma_start3A_198 = tpu.memref_slice %arg2[%add3A_78, %arg1, %add3A_193, %dma_start3A_197] : memref<4x16x80x128xi32, #tpu.memory_space<hbm>> -> memref<1x1x1x128xi32, #tpu.memory_space<hbm>>
        %dma_start3A_199 = tpu.memref_squeeze %dma_start3A_198 : memref<1x1x1x128xi32, #tpu.memory_space<hbm>> -> memref<128xi32, #tpu.memory_space<hbm>>
        tpu.enqueue_dma source(%dma_start3A_199 : memref<128xi32, #tpu.memory_space<hbm>>) target(%arg8 : memref<128xi32, #tpu.memory_space<vmem>>) target_semaphore(%arg15 : memref<!tpu.dma_semaphore, #tpu.memory_space<semaphore_mem>>)
      } else {
      }
      %dma_wait3A_187 = arith.constant 0 : i32
      %dma_wait3A_188 = arith.constant 0 : i32
      %dma_wait3A_189 = tpu.memref_slice %arg4[%dma_wait3A_187, %dma_wait3A_188] : memref<40960x128xf32, #tpu.memory_space<hbm>> -> memref<40960x128xf32, #tpu.memory_space<hbm>>
      tpu.wait_indirect_dma semaphore(%arg19 : memref<!tpu.dma_semaphore, #tpu.memory_space<semaphore_mem>>) src(%dma_wait3A_189 : memref<40960x128xf32, #tpu.memory_space<hbm>>) dst(%arg12 : memref<128x128xf32, #tpu.memory_space<vmem>>)
      %add3A_190 = arith.constant 1 : i32
      %add3A_191 = arith.addi %mul3A_154, %add3A_190 : i32
      "tpu.region"() ({
        %run_scoped3A = tpu.sem_alloc : memref<!tpu.dma_semaphore, #tpu.memory_space<semaphore_mem>>
        %dma_start3A_192 = arith.constant 0 : i32
        %dma_start3A_193 = tpu.memref_slice %arg6[%add3A_191, %dma_start3A_192] : memref<80x128xi32, #tpu.memory_space<vmem>> -> memref<1x128xi32, #tpu.memory_space<vmem>>
        %dma_start3A_194 = tpu.memref_squeeze %dma_start3A_193 : memref<1x128xi32, #tpu.memory_space<vmem>> -> memref<128xi32, #tpu.memory_space<vmem>>
        %dma_start3A_195 = arith.constant 0 : i32
        %dma_start3A_196 = arith.constant 0 : i32
        %dma_start3A_197 = tpu.memref_slice %arg13[%dma_start3A_195, %dma_start3A_196] : memref<10240x128xf32, #tpu.memory_space<vmem_shared>> -> memref<10240x128xf32, #tpu.memory_space<vmem_shared>>
        tpu.enqueue_indirect_dma source(%arg12 : memref<128x128xf32, #tpu.memory_space<vmem>>) target(%dma_start3A_197 : memref<10240x128xf32, #tpu.memory_space<vmem_shared>>) offsets(%dma_start3A_194 : memref<128xi32, #tpu.memory_space<vmem>>) semaphore(%run_scoped3A : memref<!tpu.dma_semaphore, #tpu.memory_space<semaphore_mem>>) {add = true}
        %dma_wait3A_198 = arith.constant 0 : i32
        %dma_wait3A_199 = tpu.memref_slice %arg6[%add3A_191, %dma_wait3A_198] : memref<80x128xi32, #tpu.memory_space<vmem>> -> memref<1x128xi32, #tpu.memory_space<vmem>>
        %dma_wait3A_200 = tpu.memref_squeeze %dma_wait3A_199 : memref<1x128xi32, #tpu.memory_space<vmem>> -> memref<128xi32, #tpu.memory_space<vmem>>
        %dma_wait3A_201 = arith.constant 0 : i32
        %dma_wait3A_202 = arith.constant 0 : i32
        %dma_wait3A_203 = tpu.memref_slice %arg13[%dma_wait3A_201, %dma_wait3A_202] : memref<10240x128xf32, #tpu.memory_space<vmem_shared>> -> memref<10240x128xf32, #tpu.memory_space<vmem_shared>>
        tpu.wait_indirect_dma semaphore(%run_scoped3A : memref<!tpu.dma_semaphore, #tpu.memory_space<semaphore_mem>>) src(%arg12 : memref<128x128xf32, #tpu.memory_space<vmem>>) dst(%dma_wait3A_203 : memref<10240x128xf32, #tpu.memory_space<vmem_shared>>)
        tpu.yield
      }) : () -> ()
    }
    %scan3A_123 = arith.constant 40 : i32
    %barrier3A_124 = arith.constant 0 : index
    tpu.barrier barrier_id(%barrier3A_124)
    %mul3A_125 = arith.constant 10240 : i32
    %mul3A_126 = arith.muli %add3A_78, %mul3A_125 : i32
    %add3A_127 = arith.constant 0 : i32
    %add3A_128 = arith.addi %mul3A_1, %add3A_127 : i32
    %add3A_129 = arith.addi %mul3A_126, %mul3A_1 : i32
    %add3A_130 = arith.constant 0 : i32
    %add3A_131 = arith.addi %add3A_129, %add3A_130 : i32
    "tpu.region"() ({
      %run_scoped3A = tpu.sem_alloc : memref<!tpu.dma_semaphore, #tpu.memory_space<semaphore_mem>>
      %dma_start3A_152 = arith.constant 0 : i32
      %dma_start3A_153 = tpu.memref_slice %arg5[%add3A_131, %dma_start3A_152] : memref<40960x128xf32, #tpu.memory_space<hbm>> -> memref<128x128xf32, #tpu.memory_space<hbm>>
      %dma_start3A_154 = arith.constant 0 : i32
      %dma_start3A_155 = tpu.memref_slice %arg13[%add3A_128, %dma_start3A_154] : memref<10240x128xf32, #tpu.memory_space<vmem_shared>> -> memref<128x128xf32, #tpu.memory_space<vmem_shared>>
      tpu.enqueue_dma source(%dma_start3A_155 : memref<128x128xf32, #tpu.memory_space<vmem_shared>>) target(%dma_start3A_153 : memref<128x128xf32, #tpu.memory_space<hbm>>) target_semaphore(%run_scoped3A : memref<!tpu.dma_semaphore, #tpu.memory_space<semaphore_mem>>)
      %dma_wait3A_156 = arith.constant 0 : i32
      %dma_wait3A_157 = tpu.memref_slice %arg5[%add3A_131, %dma_wait3A_156] : memref<40960x128xf32, #tpu.memory_space<hbm>> -> memref<128x128xf32, #tpu.memory_space<hbm>>
      %dma_wait3A_158 = arith.constant 0 : i32
      %dma_wait3A_159 = tpu.memref_slice %arg13[%add3A_128, %dma_wait3A_158] : memref<10240x128xf32, #tpu.memory_space<vmem_shared>> -> memref<128x128xf32, #tpu.memory_space<vmem_shared>>
      tpu.wait_dma2 semaphore(%run_scoped3A : memref<!tpu.dma_semaphore, #tpu.memory_space<semaphore_mem>>) src(%dma_wait3A_159 : memref<128x128xf32, #tpu.memory_space<vmem_shared>>) dst(%dma_wait3A_157 : memref<128x128xf32, #tpu.memory_space<hbm>>)
      tpu.yield
    }) : () -> ()
    %add3A_132 = arith.constant 128 : i32
    %add3A_133 = arith.addi %mul3A_1, %add3A_132 : i32
    %add3A_134 = arith.addi %mul3A_126, %mul3A_1 : i32
    %add3A_135 = arith.constant 128 : i32
    %add3A_136 = arith.addi %add3A_134, %add3A_135 : i32
    "tpu.region"() ({
      %run_scoped3A = tpu.sem_alloc : memref<!tpu.dma_semaphore, #tpu.memory_space<semaphore_mem>>
      %dma_start3A_152 = arith.constant 0 : i32
      %dma_start3A_153 = tpu.memref_slice %arg5[%add3A_136, %dma_start3A_152] : memref<40960x128xf32, #tpu.memory_space<hbm>> -> memref<128x128xf32, #tpu.memory_space<hbm>>
      %dma_start3A_154 = arith.constant 0 : i32
      %dma_start3A_155 = tpu.memref_slice %arg13[%add3A_133, %dma_start3A_154] : memref<10240x128xf32, #tpu.memory_space<vmem_shared>> -> memref<128x128xf32, #tpu.memory_space<vmem_shared>>
      tpu.enqueue_dma source(%dma_start3A_155 : memref<128x128xf32, #tpu.memory_space<vmem_shared>>) target(%dma_start3A_153 : memref<128x128xf32, #tpu.memory_space<hbm>>) target_semaphore(%run_scoped3A : memref<!tpu.dma_semaphore, #tpu.memory_space<semaphore_mem>>)
      %dma_wait3A_156 = arith.constant 0 : i32
      %dma_wait3A_157 = tpu.memref_slice %arg5[%add3A_136, %dma_wait3A_156] : memref<40960x128xf32, #tpu.memory_space<hbm>> -> memref<128x128xf32, #tpu.memory_space<hbm>>
      %dma_wait3A_158 = arith.constant 0 : i32
      %dma_wait3A_159 = tpu.memref_slice %arg13[%add3A_133, %dma_wait3A_158] : memref<10240x128xf32, #tpu.memory_space<vmem_shared>> -> memref<128x128xf32, #tpu.memory_space<vmem_shared>>
      tpu.wait_dma2 semaphore(%run_scoped3A : memref<!tpu.dma_semaphore, #tpu.memory_space<semaphore_mem>>) src(%dma_wait3A_159 : memref<128x128xf32, #tpu.memory_space<vmem_shared>>) dst(%dma_wait3A_157 : memref<128x128xf32, #tpu.memory_space<hbm>>)
      tpu.yield
    }) : () -> ()
    %add3A_137 = arith.constant 256 : i32
    %add3A_138 = arith.addi %mul3A_1, %add3A_137 : i32
    %add3A_139 = arith.addi %mul3A_126, %mul3A_1 : i32
    %add3A_140 = arith.constant 256 : i32
    %add3A_141 = arith.addi %add3A_139, %add3A_140 : i32
    "tpu.region"() ({
      %run_scoped3A = tpu.sem_alloc : memref<!tpu.dma_semaphore, #tpu.memory_space<semaphore_mem>>
      %dma_start3A_152 = arith.constant 0 : i32
      %dma_start3A_153 = tpu.memref_slice %arg5[%add3A_141, %dma_start3A_152] : memref<40960x128xf32, #tpu.memory_space<hbm>> -> memref<128x128xf32, #tpu.memory_space<hbm>>
      %dma_start3A_154 = arith.constant 0 : i32
      %dma_start3A_155 = tpu.memref_slice %arg13[%add3A_138, %dma_start3A_154] : memref<10240x128xf32, #tpu.memory_space<vmem_shared>> -> memref<128x128xf32, #tpu.memory_space<vmem_shared>>
      tpu.enqueue_dma source(%dma_start3A_155 : memref<128x128xf32, #tpu.memory_space<vmem_shared>>) target(%dma_start3A_153 : memref<128x128xf32, #tpu.memory_space<hbm>>) target_semaphore(%run_scoped3A : memref<!tpu.dma_semaphore, #tpu.memory_space<semaphore_mem>>)
      %dma_wait3A_156 = arith.constant 0 : i32
      %dma_wait3A_157 = tpu.memref_slice %arg5[%add3A_141, %dma_wait3A_156] : memref<40960x128xf32, #tpu.memory_space<hbm>> -> memref<128x128xf32, #tpu.memory_space<hbm>>
      %dma_wait3A_158 = arith.constant 0 : i32
      %dma_wait3A_159 = tpu.memref_slice %arg13[%add3A_138, %dma_wait3A_158] : memref<10240x128xf32, #tpu.memory_space<vmem_shared>> -> memref<128x128xf32, #tpu.memory_space<vmem_shared>>
      tpu.wait_dma2 semaphore(%run_scoped3A : memref<!tpu.dma_semaphore, #tpu.memory_space<semaphore_mem>>) src(%dma_wait3A_159 : memref<128x128xf32, #tpu.memory_space<vmem_shared>>) dst(%dma_wait3A_157 : memref<128x128xf32, #tpu.memory_space<hbm>>)
      tpu.yield
    }) : () -> ()
    %add3A_142 = arith.constant 384 : i32
    %add3A_143 = arith.addi %mul3A_1, %add3A_142 : i32
    %add3A_144 = arith.addi %mul3A_126, %mul3A_1 : i32
    %add3A_145 = arith.constant 384 : i32
    %add3A_146 = arith.addi %add3A_144, %add3A_145 : i32
    "tpu.region"() ({
      %run_scoped3A = tpu.sem_alloc : memref<!tpu.dma_semaphore, #tpu.memory_space<semaphore_mem>>
      %dma_start3A_152 = arith.constant 0 : i32
      %dma_start3A_153 = tpu.memref_slice %arg5[%add3A_146, %dma_start3A_152] : memref<40960x128xf32, #tpu.memory_space<hbm>> -> memref<128x128xf32, #tpu.memory_space<hbm>>
      %dma_start3A_154 = arith.constant 0 : i32
      %dma_start3A_155 = tpu.memref_slice %arg13[%add3A_143, %dma_start3A_154] : memref<10240x128xf32, #tpu.memory_space<vmem_shared>> -> memref<128x128xf32, #tpu.memory_space<vmem_shared>>
      tpu.enqueue_dma source(%dma_start3A_155 : memref<128x128xf32, #tpu.memory_space<vmem_shared>>) target(%dma_start3A_153 : memref<128x128xf32, #tpu.memory_space<hbm>>) target_semaphore(%run_scoped3A : memref<!tpu.dma_semaphore, #tpu.memory_space<semaphore_mem>>)
      %dma_wait3A_156 = arith.constant 0 : i32
      %dma_wait3A_157 = tpu.memref_slice %arg5[%add3A_146, %dma_wait3A_156] : memref<40960x128xf32, #tpu.memory_space<hbm>> -> memref<128x128xf32, #tpu.memory_space<hbm>>
      %dma_wait3A_158 = arith.constant 0 : i32
      %dma_wait3A_159 = tpu.memref_slice %arg13[%add3A_143, %dma_wait3A_158] : memref<10240x128xf32, #tpu.memory_space<vmem_shared>> -> memref<128x128xf32, #tpu.memory_space<vmem_shared>>
      tpu.wait_dma2 semaphore(%run_scoped3A : memref<!tpu.dma_semaphore, #tpu.memory_space<semaphore_mem>>) src(%dma_wait3A_159 : memref<128x128xf32, #tpu.memory_space<vmem_shared>>) dst(%dma_wait3A_157 : memref<128x128xf32, #tpu.memory_space<hbm>>)
      tpu.yield
    }) : () -> ()
    %add3A_147 = arith.constant 512 : i32
    %add3A_148 = arith.addi %mul3A_1, %add3A_147 : i32
    %add3A_149 = arith.addi %mul3A_126, %mul3A_1 : i32
    %add3A_150 = arith.constant 512 : i32
    %add3A_151 = arith.addi %add3A_149, %add3A_150 : i32
    "tpu.region"() ({
      %run_scoped3A = tpu.sem_alloc : memref<!tpu.dma_semaphore, #tpu.memory_space<semaphore_mem>>
      %dma_start3A_152 = arith.constant 0 : i32
      %dma_start3A_153 = tpu.memref_slice %arg5[%add3A_151, %dma_start3A_152] : memref<40960x128xf32, #tpu.memory_space<hbm>> -> memref<128x128xf32, #tpu.memory_space<hbm>>
      %dma_start3A_154 = arith.constant 0 : i32
      %dma_start3A_155 = tpu.memref_slice %arg13[%add3A_148, %dma_start3A_154] : memref<10240x128xf32, #tpu.memory_space<vmem_shared>> -> memref<128x128xf32, #tpu.memory_space<vmem_shared>>
      tpu.enqueue_dma source(%dma_start3A_155 : memref<128x128xf32, #tpu.memory_space<vmem_shared>>) target(%dma_start3A_153 : memref<128x128xf32, #tpu.memory_space<hbm>>) target_semaphore(%run_scoped3A : memref<!tpu.dma_semaphore, #tpu.memory_space<semaphore_mem>>)
      %dma_wait3A_156 = arith.constant 0 : i32
      %dma_wait3A_157 = tpu.memref_slice %arg5[%add3A_151, %dma_wait3A_156] : memref<40960x128xf32, #tpu.memory_space<hbm>> -> memref<128x128xf32, #tpu.memory_space<hbm>>
      %dma_wait3A_158 = arith.constant 0 : i32
      %dma_wait3A_159 = tpu.memref_slice %arg13[%add3A_148, %dma_wait3A_158] : memref<10240x128xf32, #tpu.memory_space<vmem_shared>> -> memref<128x128xf32, #tpu.memory_space<vmem_shared>>
      tpu.wait_dma2 semaphore(%run_scoped3A : memref<!tpu.dma_semaphore, #tpu.memory_space<semaphore_mem>>) src(%dma_wait3A_159 : memref<128x128xf32, #tpu.memory_space<vmem_shared>>) dst(%dma_wait3A_157 : memref<128x128xf32, #tpu.memory_space<hbm>>)
      tpu.yield
    }) : () -> ()
    return
  }
}

#map = affine_map<(d0, d1) -> (0)>
#map1 = affine_map<(d0, d1) -> (0, 0)>
module attributes {stable_mosaic.version = 14 : i64} {
  func.func @snarrow(%arg0: i32, %arg1: i32, %arg2: memref<20480xf32, #tpu.memory_space<hbm>>, %arg3: memref<163840xi32, #tpu.memory_space<hbm>>, %arg4: memref<163840xi32, #tpu.memory_space<hbm>>, %arg5: memref<32x20480xf32, #tpu.memory_space<hbm>>, %arg6: memref<20480xf32, #tpu.memory_space<vmem>>, %arg7: memref<20480xf32, #tpu.memory_space<vmem>>, %arg8: memref<5120xi32, #tpu.memory_space<vmem>>, %arg9: memref<5120xi32, #tpu.memory_space<vmem>>) attributes {dimension_semantics = [#tpu.dimension_semantics<core_parallel>, #tpu.dimension_semantics<subcore_parallel>], iteration_bounds = array<i64: 2, 16>, scalar_prefetch = 0 : i64, scratch_operands = 4 : i64, tpu.core_type = #tpu.core_type<sc_vector_subcore>, window_params = [{transform_indices = #map}, {transform_indices = #map}, {transform_indices = #map}, {transform_indices = #map1}]} {
    %mul3A = arith.constant 16 : i32
    %mul3A_0 = arith.muli %arg0, %mul3A : i32
    %add3A = arith.addi %mul3A_0, %arg1 : i32
    %broadcast_in_dim3A = arith.constant 0.000000e+00 : f32
    %broadcast_in_dim3A_1 = vector.broadcast %broadcast_in_dim3A : f32 to vector<16xf32>
    %scan3A = arith.constant 0 : i32
    %scan3A_2 = arith.constant 1280 : i32
    %scan3A_3 = arith.addi %scan3A, %scan3A_2 : i32
    %scan3A_4 = arith.constant 1 : i32
    scf.for %scan3A_15 = %scan3A to %scan3A_3 step %scan3A_4  : i32 {
      %mul3A_16 = arith.constant 16 : i32
      %mul3A_17 = arith.muli %scan3A_15, %mul3A_16 : i32
      %swap3A = arith.index_cast %mul3A_17 : i32 to index
      %swap3A_18 = tpu.vector_load %arg7[%swap3A] {strides = array<i32>} : memref<20480xf32, #tpu.memory_space<vmem>>, vector<16xf32>,
      tpu.vector_store %arg7[%swap3A], %broadcast_in_dim3A_1 {strides = array<i32>} : memref<20480xf32, #tpu.memory_space<vmem>>, vector<16xf32>,
    }
    %scan3A_5 = arith.constant 1280 : i32
    "tpu.region"() ({
      %run_scoped3A = tpu.sem_alloc : memref<!tpu.dma_semaphore, #tpu.memory_space<semaphore_mem>>
      tpu.enqueue_dma source(%arg2 : memref<20480xf32, #tpu.memory_space<hbm>>) target(%arg6 : memref<20480xf32, #tpu.memory_space<vmem>>) target_semaphore(%run_scoped3A : memref<!tpu.dma_semaphore, #tpu.memory_space<semaphore_mem>>)
      tpu.wait_dma2 semaphore(%run_scoped3A : memref<!tpu.dma_semaphore, #tpu.memory_space<semaphore_mem>>) src(%arg2 : memref<20480xf32, #tpu.memory_space<hbm>>) dst(%arg6 : memref<20480xf32, #tpu.memory_space<vmem>>)
      tpu.yield
    }) : () -> ()
    %mul3A_6 = arith.constant 5120 : i32
    %mul3A_7 = arith.muli %add3A, %mul3A_6 : i32
    "tpu.region"() ({
      %run_scoped3A = tpu.sem_alloc : memref<!tpu.dma_semaphore, #tpu.memory_space<semaphore_mem>>
      %dma_start3A = tpu.memref_slice %arg3[%mul3A_7] : memref<163840xi32, #tpu.memory_space<hbm>> -> memref<5120xi32, #tpu.memory_space<hbm>>
      %dma_start3A_15 = tpu.memref_slice %arg3[%mul3A_7] : memref<163840xi32, #tpu.memory_space<hbm>> -> memref<5120xi32, #tpu.memory_space<hbm>>
      tpu.enqueue_dma source(%dma_start3A_15 : memref<5120xi32, #tpu.memory_space<hbm>>) target(%arg8 : memref<5120xi32, #tpu.memory_space<vmem>>) target_semaphore(%run_scoped3A : memref<!tpu.dma_semaphore, #tpu.memory_space<semaphore_mem>>)
      %dma_wait3A = tpu.memref_slice %arg3[%mul3A_7] : memref<163840xi32, #tpu.memory_space<hbm>> -> memref<5120xi32, #tpu.memory_space<hbm>>
      %dma_wait3A_16 = tpu.memref_slice %arg3[%mul3A_7] : memref<163840xi32, #tpu.memory_space<hbm>> -> memref<5120xi32, #tpu.memory_space<hbm>>
      tpu.wait_dma2 semaphore(%run_scoped3A : memref<!tpu.dma_semaphore, #tpu.memory_space<semaphore_mem>>) src(%dma_wait3A_16 : memref<5120xi32, #tpu.memory_space<hbm>>) dst(%arg8 : memref<5120xi32, #tpu.memory_space<vmem>>)
      tpu.yield
    }) : () -> ()
    %mul3A_8 = arith.constant 5120 : i32
    %mul3A_9 = arith.muli %add3A, %mul3A_8 : i32
    "tpu.region"() ({
      %run_scoped3A = tpu.sem_alloc : memref<!tpu.dma_semaphore, #tpu.memory_space<semaphore_mem>>
      %dma_start3A = tpu.memref_slice %arg4[%mul3A_9] : memref<163840xi32, #tpu.memory_space<hbm>> -> memref<5120xi32, #tpu.memory_space<hbm>>
      %dma_start3A_15 = tpu.memref_slice %arg4[%mul3A_9] : memref<163840xi32, #tpu.memory_space<hbm>> -> memref<5120xi32, #tpu.memory_space<hbm>>
      tpu.enqueue_dma source(%dma_start3A_15 : memref<5120xi32, #tpu.memory_space<hbm>>) target(%arg9 : memref<5120xi32, #tpu.memory_space<vmem>>) target_semaphore(%run_scoped3A : memref<!tpu.dma_semaphore, #tpu.memory_space<semaphore_mem>>)
      %dma_wait3A = tpu.memref_slice %arg4[%mul3A_9] : memref<163840xi32, #tpu.memory_space<hbm>> -> memref<5120xi32, #tpu.memory_space<hbm>>
      %dma_wait3A_16 = tpu.memref_slice %arg4[%mul3A_9] : memref<163840xi32, #tpu.memory_space<hbm>> -> memref<5120xi32, #tpu.memory_space<hbm>>
      tpu.wait_dma2 semaphore(%run_scoped3A : memref<!tpu.dma_semaphore, #tpu.memory_space<semaphore_mem>>) src(%dma_wait3A_16 : memref<5120xi32, #tpu.memory_space<hbm>>) dst(%arg9 : memref<5120xi32, #tpu.memory_space<vmem>>)
      tpu.yield
    }) : () -> ()
    %scan3A_10 = arith.constant 0 : i32
    %scan3A_11 = arith.constant 320 : i32
    %scan3A_12 = arith.addi %scan3A_10, %scan3A_11 : i32
    %scan3A_13 = arith.constant 1 : i32
    scf.for %scan3A_15 = %scan3A_10 to %scan3A_12 step %scan3A_13  : i32 {
      %mul3A_16 = arith.constant 16 : i32
      %mul3A_17 = arith.muli %scan3A_15, %mul3A_16 : i32
      %get3A = arith.index_cast %mul3A_17 : i32 to index
      %get3A_18 = tpu.vector_load %arg8[%get3A] {strides = array<i32>} : memref<5120xi32, #tpu.memory_space<vmem>>, vector<16xi32>,
      %mul3A_19 = arith.constant 16 : i32
      %mul3A_20 = arith.muli %scan3A_15, %mul3A_19 : i32
      %get3A_21 = arith.index_cast %mul3A_20 : i32 to index
      %get3A_22 = tpu.vector_load %arg9[%get3A_21] {strides = array<i32>} : memref<5120xi32, #tpu.memory_space<vmem>>, vector<16xi32>,
      %add3A_23 = arith.addi %get3A_18, %get3A_18 : vector<16xi32>
      %add3A_24 = arith.addi %get3A_22, %get3A_22 : vector<16xi32>
      %gather3A = tpu.vector_load_idx %arg6[%add3A_23] : memref<20480xf32, #tpu.memory_space<vmem>>[vector<16xi32>], vector<16xf32>,
      tpu.vector_store_idx %arg7[%add3A_24], %gather3A {add = true} : memref<20480xf32, #tpu.memory_space<vmem>>[vector<16xi32>], vector<16xf32>,
      %add3A_25 = arith.constant 1 : i32
      %add3A_26 = vector.broadcast %add3A_25 : i32 to vector<16xi32>
      %add3A_27 = arith.addi %add3A_23, %add3A_26 : vector<16xi32>
      %gather3A_28 = tpu.vector_load_idx %arg6[%add3A_27] : memref<20480xf32, #tpu.memory_space<vmem>>[vector<16xi32>], vector<16xf32>,
      %add3A_29 = arith.constant 1 : i32
      %add3A_30 = vector.broadcast %add3A_29 : i32 to vector<16xi32>
      %add3A_31 = arith.addi %add3A_24, %add3A_30 : vector<16xi32>
      tpu.vector_store_idx %arg7[%add3A_31], %gather3A_28 {add = true} : memref<20480xf32, #tpu.memory_space<vmem>>[vector<16xi32>], vector<16xf32>,
    }
    %scan3A_14 = arith.constant 320 : i32
    "tpu.region"() ({
      %run_scoped3A = tpu.sem_alloc : memref<!tpu.dma_semaphore, #tpu.memory_space<semaphore_mem>>
      %dma_start3A = arith.constant 0 : i32
      %dma_start3A_15 = tpu.memref_slice %arg5[%add3A, %dma_start3A] : memref<32x20480xf32, #tpu.memory_space<hbm>> -> memref<1x20480xf32, #tpu.memory_space<hbm>>
      %dma_start3A_16 = tpu.memref_squeeze %dma_start3A_15 : memref<1x20480xf32, #tpu.memory_space<hbm>> -> memref<20480xf32, #tpu.memory_space<hbm>>
      %dma_start3A_17 = arith.constant 0 : i32
      %dma_start3A_18 = tpu.memref_slice %arg5[%add3A, %dma_start3A_17] : memref<32x20480xf32, #tpu.memory_space<hbm>> -> memref<1x20480xf32, #tpu.memory_space<hbm>>
      %dma_start3A_19 = tpu.memref_squeeze %dma_start3A_18 : memref<1x20480xf32, #tpu.memory_space<hbm>> -> memref<20480xf32, #tpu.memory_space<hbm>>
      tpu.enqueue_dma source(%arg7 : memref<20480xf32, #tpu.memory_space<vmem>>) target(%dma_start3A_19 : memref<20480xf32, #tpu.memory_space<hbm>>) target_semaphore(%run_scoped3A : memref<!tpu.dma_semaphore, #tpu.memory_space<semaphore_mem>>)
      %dma_wait3A = arith.constant 0 : i32
      %dma_wait3A_20 = tpu.memref_slice %arg5[%add3A, %dma_wait3A] : memref<32x20480xf32, #tpu.memory_space<hbm>> -> memref<1x20480xf32, #tpu.memory_space<hbm>>
      %dma_wait3A_21 = tpu.memref_squeeze %dma_wait3A_20 : memref<1x20480xf32, #tpu.memory_space<hbm>> -> memref<20480xf32, #tpu.memory_space<hbm>>
      %dma_wait3A_22 = arith.constant 0 : i32
      %dma_wait3A_23 = tpu.memref_slice %arg5[%add3A, %dma_wait3A_22] : memref<32x20480xf32, #tpu.memory_space<hbm>> -> memref<1x20480xf32, #tpu.memory_space<hbm>>
      %dma_wait3A_24 = tpu.memref_squeeze %dma_wait3A_23 : memref<1x20480xf32, #tpu.memory_space<hbm>> -> memref<20480xf32, #tpu.memory_space<hbm>>
      tpu.wait_dma2 semaphore(%run_scoped3A : memref<!tpu.dma_semaphore, #tpu.memory_space<semaphore_mem>>) src(%arg7 : memref<20480xf32, #tpu.memory_space<vmem>>) dst(%dma_wait3A_24 : memref<20480xf32, #tpu.memory_space<hbm>>)
      tpu.yield
    }) : () -> ()
    return
  }
}

module attributes {stable_mosaic.version = 14 : i64} {
  func.func @_stage_a_body(%arg0: i32, %arg1: memref<512x256xf32, #tpu.memory_space<vmem>>, %arg2: memref<32x512xf32, #tpu.memory_space<vmem>>, %arg3: memref<32x512xf32, #tpu.memory_space<vmem>>, %arg4: memref<2x512x128xf32, #tpu.memory_space<vmem>>, %arg5: memref<512x1xf32, #tpu.memory_space<vmem>>, %arg6: memref<512x1xf32, #tpu.memory_space<vmem>>) attributes {dimension_semantics = [#tpu.dimension_semantics<arbitrary>], iteration_bounds = array<i64: 20>, scalar_prefetch = 0 : i64, scratch_operands = 0 : i64, tpu.core_type = #tpu.core_type<tc>, window_params = [{transform_indices = @transform_0, window_bounds = array<i64: 512, 256>}, {transform_indices = @transform_1, window_bounds = array<i64: 32, 512>}, {transform_indices = @transform_2, window_bounds = array<i64: 32, 512>}, {transform_indices = @transform_3, window_bounds = array<i64: 2, 512, 128>}, {transform_indices = @transform_4, window_bounds = array<i64: 512, 1>}, {transform_indices = @transform_5, window_bounds = array<i64: 512, 1>}]} {
    %mul3A = arith.constant 512 : i32
    %mul3A_0 = arith.muli %arg0, %mul3A : i32
    %iota3A = tpu.iota {dimensions = array<i32: 0>} : vector<512x1xi32>
    %add3A = vector.broadcast %mul3A_0 : i32 to vector<512x1xi32>
    %add3A_1 = arith.addi %add3A, %iota3A : vector<512x1xi32>
    %lt3A = arith.constant 10000 : i32
    %lt3A_2 = vector.broadcast %lt3A : i32 to vector<512x1xi32>
    %lt3A_3 = arith.cmpi slt, %add3A_1, %lt3A_2 : vector<512x1xi32>
    %convert_element_type3A = arith.extui %lt3A_3 : vector<512x1xi1> to vector<512x1xi32>
    %convert_element_type3A_4 = arith.sitofp %convert_element_type3A : vector<512x1xi32> to vector<512x1xf32>
    %get3A = arith.constant 0 : index
    %get3A_5 = arith.constant 0 : index
    %get3A_6 = vector.load %arg2[%get3A, %get3A_5] : memref<32x512xf32, #tpu.memory_space<vmem>>, vector<32x512xf32>
    %reduce_sum3A = arith.constant dense<0.000000e+00> : vector<512xf32>
    %reduce_sum3A_7 = vector.multi_reduction <add>, %get3A_6, %reduce_sum3A [0] : vector<32x512xf32> to vector<512xf32>
    %max3A = arith.constant 1.000000e+00 : f32
    %max3A_8 = vector.broadcast %max3A : f32 to vector<512xf32>
    %max3A_9 = arith.maximumf %reduce_sum3A_7, %max3A_8 : vector<512xf32>
    %rsqrt3A = math.rsqrt %max3A_9 : vector<512xf32>
    %broadcast_in_dim3A = vector.shape_cast %rsqrt3A : vector<512xf32> to vector<512x1xf32>
    %mul3A_10 = arith.mulf %broadcast_in_dim3A, %convert_element_type3A_4 : vector<512x1xf32>
    %get3A_11 = arith.constant 0 : index
    %get3A_12 = arith.constant 0 : index
    %get3A_13 = vector.load %arg3[%get3A_11, %get3A_12] : memref<32x512xf32, #tpu.memory_space<vmem>>, vector<32x512xf32>
    %reduce_sum3A_14 = arith.constant dense<0.000000e+00> : vector<512xf32>
    %reduce_sum3A_15 = vector.multi_reduction <add>, %get3A_13, %reduce_sum3A_14 [0] : vector<32x512xf32> to vector<512xf32>
    %max3A_16 = arith.constant 1.000000e+00 : f32
    %max3A_17 = vector.broadcast %max3A_16 : f32 to vector<512xf32>
    %max3A_18 = arith.maximumf %reduce_sum3A_15, %max3A_17 : vector<512xf32>
    %rsqrt3A_19 = math.rsqrt %max3A_18 : vector<512xf32>
    %broadcast_in_dim3A_20 = vector.shape_cast %rsqrt3A_19 : vector<512xf32> to vector<512x1xf32>
    %mul3A_21 = arith.mulf %broadcast_in_dim3A_20, %convert_element_type3A_4 : vector<512x1xf32>
    %get3A_22 = arith.constant 0 : index
    %get3A_23 = arith.constant 0 : index
    %get3A_24 = vector.load %arg1[%get3A_22, %get3A_23] : memref<512x256xf32, #tpu.memory_space<vmem>>, vector<512x256xf32>
    %mul3A_25 = vector.broadcast %mul3A_10 : vector<512x1xf32> to vector<512x256xf32>
    %mul3A_26 = arith.mulf %get3A_24, %mul3A_25 : vector<512x256xf32>
    %slice3A = vector.extract_strided_slice %mul3A_26 {offsets = [0, 0], sizes = [512, 128], strides = [1, 1]} : vector<512x256xf32> to vector<512x128xf32>
    %swap3A = arith.constant 0 : index
    %swap3A_27 = arith.constant 0 : index
    %swap3A_28 = arith.constant 0 : index
    %swap3A_29 = vector.load %arg4[%swap3A, %swap3A_27, %swap3A_28] : memref<2x512x128xf32, #tpu.memory_space<vmem>>, vector<1x512x128xf32>
    %swap3A_30 = vector.shape_cast %swap3A_29 : vector<1x512x128xf32> to vector<512x128xf32>
    %swap3A_31 = vector.shape_cast %slice3A : vector<512x128xf32> to vector<1x512x128xf32>
    tpu.vector_store %arg4[%swap3A, %swap3A_27, %swap3A_28], %swap3A_31 {strides = array<i32>} : memref<2x512x128xf32, #tpu.memory_space<vmem>>, vector<1x512x128xf32>,
    %slice3A_32 = vector.extract_strided_slice %mul3A_26 {offsets = [0, 128], sizes = [512, 128], strides = [1, 1]} : vector<512x256xf32> to vector<512x128xf32>
    %swap3A_33 = arith.constant 1 : index
    %swap3A_34 = arith.constant 0 : index
    %swap3A_35 = arith.constant 0 : index
    %swap3A_36 = vector.load %arg4[%swap3A_33, %swap3A_34, %swap3A_35] : memref<2x512x128xf32, #tpu.memory_space<vmem>>, vector<1x512x128xf32>
    %swap3A_37 = vector.shape_cast %swap3A_36 : vector<1x512x128xf32> to vector<512x128xf32>
    %swap3A_38 = vector.shape_cast %slice3A_32 : vector<512x128xf32> to vector<1x512x128xf32>
    tpu.vector_store %arg4[%swap3A_33, %swap3A_34, %swap3A_35], %swap3A_38 {strides = array<i32>} : memref<2x512x128xf32, #tpu.memory_space<vmem>>, vector<1x512x128xf32>,
    %swap3A_39 = arith.constant 0 : index
    %swap3A_40 = arith.constant 0 : index
    %swap3A_41 = vector.load %arg5[%swap3A_39, %swap3A_40] : memref<512x1xf32, #tpu.memory_space<vmem>>, vector<512x1xf32>
    tpu.vector_store %arg5[%swap3A_39, %swap3A_40], %mul3A_10 {strides = array<i32>} : memref<512x1xf32, #tpu.memory_space<vmem>>, vector<512x1xf32>,
    %swap3A_42 = arith.constant 0 : index
    %swap3A_43 = arith.constant 0 : index
    %swap3A_44 = vector.load %arg6[%swap3A_42, %swap3A_43] : memref<512x1xf32, #tpu.memory_space<vmem>>, vector<512x1xf32>
    tpu.vector_store %arg6[%swap3A_42, %swap3A_43], %mul3A_21 {strides = array<i32>} : memref<512x1xf32, #tpu.memory_space<vmem>>, vector<512x1xf32>,
    return
  }
  func.func @transform_0(%arg0: i32) -> (i32, i32) {
    %c0_i32 = arith.constant 0 : i32
    %c0_i32_0 = arith.constant 0 : i32
    return %arg0, %c0_i32 : i32, i32
  }
  func.func @transform_1(%arg0: i32) -> (i32, i32) {
    %c0_i32 = arith.constant 0 : i32
    %c0_i32_0 = arith.constant 0 : i32
    return %c0_i32, %arg0 : i32, i32
  }
  func.func @transform_2(%arg0: i32) -> (i32, i32) {
    %c0_i32 = arith.constant 0 : i32
    %c0_i32_0 = arith.constant 0 : i32
    return %c0_i32, %arg0 : i32, i32
  }
  func.func @transform_3(%arg0: i32) -> (i32, i32, i32) {
    %c0_i32 = arith.constant 0 : i32
    %c0_i32_0 = arith.constant 0 : i32
    %c0_i32_1 = arith.constant 0 : i32
    return %c0_i32, %arg0, %c0_i32_0 : i32, i32, i32
  }
  func.func @transform_4(%arg0: i32) -> (i32, i32) {
    %c0_i32 = arith.constant 0 : i32
    %c0_i32_0 = arith.constant 0 : i32
    return %arg0, %c0_i32 : i32, i32
  }
  func.func @transform_5(%arg0: i32) -> (i32, i32) {
    %c0_i32 = arith.constant 0 : i32
    %c0_i32_0 = arith.constant 0 : i32
    return %arg0, %c0_i32 : i32, i32
  }
}

module attributes {stable_mosaic.version = 14 : i64} {
  func.func @_stage_b_body(%arg0: i32, %arg1: memref<2x512x128xf32, #tpu.memory_space<vmem>>, %arg2: memref<512x1xf32, #tpu.memory_space<vmem>>, %arg3: memref<512x1xf32, #tpu.memory_space<vmem>>, %arg4: memref<256x512xf32, #tpu.memory_space<vmem>>, %arg5: memref<1x512xf32, #tpu.memory_space<vmem>>, %arg6: memref<4x512x128xf32, #tpu.memory_space<vmem>>) attributes {dimension_semantics = [#tpu.dimension_semantics<arbitrary>], iteration_bounds = array<i64: 20>, scalar_prefetch = 0 : i64, scratch_operands = 0 : i64, tpu.core_type = #tpu.core_type<tc>, window_params = [{transform_indices = @transform_0, window_bounds = array<i64: 2, 512, 128>}, {transform_indices = @transform_1, window_bounds = array<i64: 512, 1>}, {transform_indices = @transform_2, window_bounds = array<i64: 512, 1>}, {pipeline_mode = #tpu.pipeline_mode<synchronous>, transform_indices = @transform_3, window_bounds = array<i64: 256, 512>}, {pipeline_mode = #tpu.pipeline_mode<synchronous>, transform_indices = @transform_4, window_bounds = array<i64: 1, 512>}, {transform_indices = @transform_5, window_bounds = array<i64: 4, 512, 128>}]} {
    %get3A = arith.constant 0 : index
    %get3A_0 = arith.constant 0 : index
    %get3A_1 = arith.constant 0 : index
    %get3A_2 = vector.load %arg1[%get3A, %get3A_0, %get3A_1] : memref<2x512x128xf32, #tpu.memory_space<vmem>>, vector<1x512x128xf32>
    %get3A_3 = vector.shape_cast %get3A_2 : vector<1x512x128xf32> to vector<512x128xf32>
    %get3A_4 = arith.constant 1 : index
    %get3A_5 = arith.constant 0 : index
    %get3A_6 = arith.constant 0 : index
    %get3A_7 = vector.load %arg1[%get3A_4, %get3A_5, %get3A_6] : memref<2x512x128xf32, #tpu.memory_space<vmem>>, vector<1x512x128xf32>
    %get3A_8 = vector.shape_cast %get3A_7 : vector<1x512x128xf32> to vector<512x128xf32>
    %concatenate3A = tpu.concatenate %get3A_3, %get3A_8 in 1 : vector<512x128xf32>, vector<512x128xf32> -> vector<512x256xf32>
    %get3A_9 = arith.constant 0 : index
    %get3A_10 = arith.constant 0 : index
    %get3A_11 = vector.load %arg2[%get3A_9, %get3A_10] : memref<512x1xf32, #tpu.memory_space<vmem>>, vector<512x1xf32>
    %mul3A = vector.broadcast %get3A_11 : vector<512x1xf32> to vector<512x256xf32>
    %mul3A_12 = arith.mulf %concatenate3A, %mul3A : vector<512x256xf32>
    %get3A_13 = arith.constant 0 : index
    %get3A_14 = arith.constant 0 : index
    %get3A_15 = vector.load %arg4[%get3A_13, %get3A_14] : memref<256x512xf32, #tpu.memory_space<vmem>>, vector<256x512xf32>
    %dot_general3A = arith.constant dense<0.000000e+00> : vector<512x512xf32>
    %dot_general3A_16 = tpu.matmul %mul3A_12, %get3A_15, %dot_general3A {dimension_numbers = #tpu.dot_dimension_numbers<[1], [0], [0], [1], [0, 0, 1, 1], [], []>, transpose_lhs_hint = false} : vector<512x256xf32>, vector<256x512xf32>, vector<512x512xf32> -> vector<512x512xf32>
    %get3A_17 = arith.constant 0 : index
    %get3A_18 = arith.constant 0 : index
    %get3A_19 = vector.load %arg5[%get3A_17, %get3A_18] : memref<1x512xf32, #tpu.memory_space<vmem>>, vector<1x512xf32>
    %add3A = vector.broadcast %get3A_19 : vector<1x512xf32> to vector<512x512xf32>
    %add3A_20 = arith.addf %dot_general3A_16, %add3A : vector<512x512xf32>
    %max3A = arith.constant 0.000000e+00 : f32
    %max3A_21 = vector.broadcast %max3A : f32 to vector<512x512xf32>
    %max3A_22 = arith.maximumf %add3A_20, %max3A_21 : vector<512x512xf32>
    %get3A_23 = arith.constant 0 : index
    %get3A_24 = arith.constant 0 : index
    %get3A_25 = vector.load %arg3[%get3A_23, %get3A_24] : memref<512x1xf32, #tpu.memory_space<vmem>>, vector<512x1xf32>
    %mul3A_26 = vector.broadcast %get3A_25 : vector<512x1xf32> to vector<512x512xf32>
    %mul3A_27 = arith.mulf %max3A_22, %mul3A_26 : vector<512x512xf32>
    %slice3A = vector.extract_strided_slice %mul3A_27 {offsets = [0, 0], sizes = [512, 128], strides = [1, 1]} : vector<512x512xf32> to vector<512x128xf32>
    %swap3A = arith.constant 0 : index
    %swap3A_28 = arith.constant 0 : index
    %swap3A_29 = arith.constant 0 : index
    %swap3A_30 = vector.load %arg6[%swap3A, %swap3A_28, %swap3A_29] : memref<4x512x128xf32, #tpu.memory_space<vmem>>, vector<1x512x128xf32>
    %swap3A_31 = vector.shape_cast %swap3A_30 : vector<1x512x128xf32> to vector<512x128xf32>
    %swap3A_32 = vector.shape_cast %slice3A : vector<512x128xf32> to vector<1x512x128xf32>
    tpu.vector_store %arg6[%swap3A, %swap3A_28, %swap3A_29], %swap3A_32 {strides = array<i32>} : memref<4x512x128xf32, #tpu.memory_space<vmem>>, vector<1x512x128xf32>,
    %slice3A_33 = vector.extract_strided_slice %mul3A_27 {offsets = [0, 128], sizes = [512, 128], strides = [1, 1]} : vector<512x512xf32> to vector<512x128xf32>
    %swap3A_34 = arith.constant 1 : index
    %swap3A_35 = arith.constant 0 : index
    %swap3A_36 = arith.constant 0 : index
    %swap3A_37 = vector.load %arg6[%swap3A_34, %swap3A_35, %swap3A_36] : memref<4x512x128xf32, #tpu.memory_space<vmem>>, vector<1x512x128xf32>
    %swap3A_38 = vector.shape_cast %swap3A_37 : vector<1x512x128xf32> to vector<512x128xf32>
    %swap3A_39 = vector.shape_cast %slice3A_33 : vector<512x128xf32> to vector<1x512x128xf32>
    tpu.vector_store %arg6[%swap3A_34, %swap3A_35, %swap3A_36], %swap3A_39 {strides = array<i32>} : memref<4x512x128xf32, #tpu.memory_space<vmem>>, vector<1x512x128xf32>,
    %slice3A_40 = vector.extract_strided_slice %mul3A_27 {offsets = [0, 256], sizes = [512, 128], strides = [1, 1]} : vector<512x512xf32> to vector<512x128xf32>
    %swap3A_41 = arith.constant 2 : index
    %swap3A_42 = arith.constant 0 : index
    %swap3A_43 = arith.constant 0 : index
    %swap3A_44 = vector.load %arg6[%swap3A_41, %swap3A_42, %swap3A_43] : memref<4x512x128xf32, #tpu.memory_space<vmem>>, vector<1x512x128xf32>
    %swap3A_45 = vector.shape_cast %swap3A_44 : vector<1x512x128xf32> to vector<512x128xf32>
    %swap3A_46 = vector.shape_cast %slice3A_40 : vector<512x128xf32> to vector<1x512x128xf32>
    tpu.vector_store %arg6[%swap3A_41, %swap3A_42, %swap3A_43], %swap3A_46 {strides = array<i32>} : memref<4x512x128xf32, #tpu.memory_space<vmem>>, vector<1x512x128xf32>,
    %slice3A_47 = vector.extract_strided_slice %mul3A_27 {offsets = [0, 384], sizes = [512, 128], strides = [1, 1]} : vector<512x512xf32> to vector<512x128xf32>
    %swap3A_48 = arith.constant 3 : index
    %swap3A_49 = arith.constant 0 : index
    %swap3A_50 = arith.constant 0 : index
    %swap3A_51 = vector.load %arg6[%swap3A_48, %swap3A_49, %swap3A_50] : memref<4x512x128xf32, #tpu.memory_space<vmem>>, vector<1x512x128xf32>
    %swap3A_52 = vector.shape_cast %swap3A_51 : vector<1x512x128xf32> to vector<512x128xf32>
    %swap3A_53 = vector.shape_cast %slice3A_47 : vector<512x128xf32> to vector<1x512x128xf32>
    tpu.vector_store %arg6[%swap3A_48, %swap3A_49, %swap3A_50], %swap3A_53 {strides = array<i32>} : memref<4x512x128xf32, #tpu.memory_space<vmem>>, vector<1x512x128xf32>,
    return
  }
  func.func @transform_0(%arg0: i32) -> (i32, i32, i32) {
    %c0_i32 = arith.constant 0 : i32
    %c0_i32_0 = arith.constant 0 : i32
    %c0_i32_1 = arith.constant 0 : i32
    return %c0_i32, %arg0, %c0_i32_0 : i32, i32, i32
  }
  func.func @transform_1(%arg0: i32) -> (i32, i32) {
    %c0_i32 = arith.constant 0 : i32
    %c0_i32_0 = arith.constant 0 : i32
    return %arg0, %c0_i32 : i32, i32
  }
  func.func @transform_2(%arg0: i32) -> (i32, i32) {
    %c0_i32 = arith.constant 0 : i32
    %c0_i32_0 = arith.constant 0 : i32
    return %arg0, %c0_i32 : i32, i32
  }
  func.func @transform_3(%arg0: i32) -> (i32, i32) {
    %c0_i32 = arith.constant 0 : i32
    %c0_i32_0 = arith.constant 0 : i32
    %c0_i32_1 = arith.constant 0 : i32
    return %c0_i32, %c0_i32_0 : i32, i32
  }
  func.func @transform_4(%arg0: i32) -> (i32, i32) {
    %c0_i32 = arith.constant 0 : i32
    %c0_i32_0 = arith.constant 0 : i32
    %c0_i32_1 = arith.constant 0 : i32
    return %c0_i32, %c0_i32_0 : i32, i32
  }
  func.func @transform_5(%arg0: i32) -> (i32, i32, i32) {
    %c0_i32 = arith.constant 0 : i32
    %c0_i32_0 = arith.constant 0 : i32
    %c0_i32_1 = arith.constant 0 : i32
    return %c0_i32, %arg0, %c0_i32_0 : i32, i32, i32
  }
}

module attributes {stable_mosaic.version = 14 : i64} {
  func.func @_stage_c_body(%arg0: i32, %arg1: memref<4x512x128xf32, #tpu.memory_space<vmem>>, %arg2: memref<512x1xf32, #tpu.memory_space<vmem>>, %arg3: memref<512x1xf32, #tpu.memory_space<vmem>>, %arg4: memref<512x512xf32, #tpu.memory_space<vmem>>, %arg5: memref<1x512xf32, #tpu.memory_space<vmem>>, %arg6: memref<512x2xf32, #tpu.memory_space<vmem>>, %arg7: memref<512x2xf32, #tpu.memory_space<vmem>>) attributes {dimension_semantics = [#tpu.dimension_semantics<arbitrary>], iteration_bounds = array<i64: 20>, scalar_prefetch = 0 : i64, scratch_operands = 0 : i64, tpu.core_type = #tpu.core_type<tc>, window_params = [{transform_indices = @transform_0, window_bounds = array<i64: 4, 512, 128>}, {transform_indices = @transform_1, window_bounds = array<i64: 512, 1>}, {transform_indices = @transform_2, window_bounds = array<i64: 512, 1>}, {pipeline_mode = #tpu.pipeline_mode<synchronous>, transform_indices = @transform_3, window_bounds = array<i64: 512, 512>}, {pipeline_mode = #tpu.pipeline_mode<synchronous>, transform_indices = @transform_4, window_bounds = array<i64: 1, 512>}, {pipeline_mode = #tpu.pipeline_mode<synchronous>, transform_indices = @transform_5, window_bounds = array<i64: 512, 2>}, {transform_indices = @transform_6, window_bounds = array<i64: 512, 2>}]} {
    %get3A = arith.constant 0 : index
    %get3A_0 = arith.constant 0 : index
    %get3A_1 = arith.constant 0 : index
    %get3A_2 = vector.load %arg1[%get3A, %get3A_0, %get3A_1] : memref<4x512x128xf32, #tpu.memory_space<vmem>>, vector<1x512x128xf32>
    %get3A_3 = vector.shape_cast %get3A_2 : vector<1x512x128xf32> to vector<512x128xf32>
    %get3A_4 = arith.constant 1 : index
    %get3A_5 = arith.constant 0 : index
    %get3A_6 = arith.constant 0 : index
    %get3A_7 = vector.load %arg1[%get3A_4, %get3A_5, %get3A_6] : memref<4x512x128xf32, #tpu.memory_space<vmem>>, vector<1x512x128xf32>
    %get3A_8 = vector.shape_cast %get3A_7 : vector<1x512x128xf32> to vector<512x128xf32>
    %get3A_9 = arith.constant 2 : index
    %get3A_10 = arith.constant 0 : index
    %get3A_11 = arith.constant 0 : index
    %get3A_12 = vector.load %arg1[%get3A_9, %get3A_10, %get3A_11] : memref<4x512x128xf32, #tpu.memory_space<vmem>>, vector<1x512x128xf32>
    %get3A_13 = vector.shape_cast %get3A_12 : vector<1x512x128xf32> to vector<512x128xf32>
    %get3A_14 = arith.constant 3 : index
    %get3A_15 = arith.constant 0 : index
    %get3A_16 = arith.constant 0 : index
    %get3A_17 = vector.load %arg1[%get3A_14, %get3A_15, %get3A_16] : memref<4x512x128xf32, #tpu.memory_space<vmem>>, vector<1x512x128xf32>
    %get3A_18 = vector.shape_cast %get3A_17 : vector<1x512x128xf32> to vector<512x128xf32>
    %concatenate3A = tpu.concatenate %get3A_3, %get3A_8, %get3A_13, %get3A_18 in 1 : vector<512x128xf32>, vector<512x128xf32>, vector<512x128xf32>, vector<512x128xf32> -> vector<512x512xf32>
    %get3A_19 = arith.constant 0 : index
    %get3A_20 = arith.constant 0 : index
    %get3A_21 = vector.load %arg2[%get3A_19, %get3A_20] : memref<512x1xf32, #tpu.memory_space<vmem>>, vector<512x1xf32>
    %mul3A = vector.broadcast %get3A_21 : vector<512x1xf32> to vector<512x512xf32>
    %mul3A_22 = arith.mulf %concatenate3A, %mul3A : vector<512x512xf32>
    %get3A_23 = arith.constant 0 : index
    %get3A_24 = arith.constant 0 : index
    %get3A_25 = vector.load %arg4[%get3A_23, %get3A_24] : memref<512x512xf32, #tpu.memory_space<vmem>>, vector<512x512xf32>
    %dot_general3A = arith.constant dense<0.000000e+00> : vector<512x512xf32>
    %dot_general3A_26 = tpu.matmul %mul3A_22, %get3A_25, %dot_general3A {dimension_numbers = #tpu.dot_dimension_numbers<[1], [0], [0], [1], [0, 0, 1, 1], [], []>, transpose_lhs_hint = false} : vector<512x512xf32>, vector<512x512xf32>, vector<512x512xf32> -> vector<512x512xf32>
    %get3A_27 = arith.constant 0 : index
    %get3A_28 = arith.constant 0 : index
    %get3A_29 = vector.load %arg5[%get3A_27, %get3A_28] : memref<1x512xf32, #tpu.memory_space<vmem>>, vector<1x512xf32>
    %add3A = vector.broadcast %get3A_29 : vector<1x512xf32> to vector<512x512xf32>
    %add3A_30 = arith.addf %dot_general3A_26, %add3A : vector<512x512xf32>
    %max3A = arith.constant 0.000000e+00 : f32
    %max3A_31 = vector.broadcast %max3A : f32 to vector<512x512xf32>
    %max3A_32 = arith.maximumf %add3A_30, %max3A_31 : vector<512x512xf32>
    %get3A_33 = arith.constant 0 : index
    %get3A_34 = arith.constant 0 : index
    %get3A_35 = vector.load %arg6[%get3A_33, %get3A_34] : memref<512x2xf32, #tpu.memory_space<vmem>>, vector<512x2xf32>
    %dot_general3A_36 = arith.constant dense<0.000000e+00> : vector<512x2xf32>
    %dot_general3A_37 = tpu.matmul %max3A_32, %get3A_35, %dot_general3A_36 {dimension_numbers = #tpu.dot_dimension_numbers<[1], [0], [0], [1], [0, 0, 1, 1], [], []>, transpose_lhs_hint = false} : vector<512x512xf32>, vector<512x2xf32>, vector<512x2xf32> -> vector<512x2xf32>
    %get3A_38 = arith.constant 0 : index
    %get3A_39 = arith.constant 0 : index
    %get3A_40 = vector.load %arg3[%get3A_38, %get3A_39] : memref<512x1xf32, #tpu.memory_space<vmem>>, vector<512x1xf32>
    %mul3A_41 = vector.broadcast %get3A_40 : vector<512x1xf32> to vector<512x2xf32>
    %mul3A_42 = arith.mulf %dot_general3A_37, %mul3A_41 : vector<512x2xf32>
    %swap3A = arith.constant 0 : index
    %swap3A_43 = arith.constant 0 : index
    %swap3A_44 = vector.load %arg7[%swap3A, %swap3A_43] : memref<512x2xf32, #tpu.memory_space<vmem>>, vector<512x2xf32>
    tpu.vector_store %arg7[%swap3A, %swap3A_43], %mul3A_42 {strides = array<i32>} : memref<512x2xf32, #tpu.memory_space<vmem>>, vector<512x2xf32>,
    return
  }
  func.func @transform_0(%arg0: i32) -> (i32, i32, i32) {
    %c0_i32 = arith.constant 0 : i32
    %c0_i32_0 = arith.constant 0 : i32
    %c0_i32_1 = arith.constant 0 : i32
    return %c0_i32, %arg0, %c0_i32_0 : i32, i32, i32
  }
  func.func @transform_1(%arg0: i32) -> (i32, i32) {
    %c0_i32 = arith.constant 0 : i32
    %c0_i32_0 = arith.constant 0 : i32
    return %arg0, %c0_i32 : i32, i32
  }
  func.func @transform_2(%arg0: i32) -> (i32, i32) {
    %c0_i32 = arith.constant 0 : i32
    %c0_i32_0 = arith.constant 0 : i32
    return %arg0, %c0_i32 : i32, i32
  }
  func.func @transform_3(%arg0: i32) -> (i32, i32) {
    %c0_i32 = arith.constant 0 : i32
    %c0_i32_0 = arith.constant 0 : i32
    %c0_i32_1 = arith.constant 0 : i32
    return %c0_i32, %c0_i32_0 : i32, i32
  }
  func.func @transform_4(%arg0: i32) -> (i32, i32) {
    %c0_i32 = arith.constant 0 : i32
    %c0_i32_0 = arith.constant 0 : i32
    %c0_i32_1 = arith.constant 0 : i32
    return %c0_i32, %c0_i32_0 : i32, i32
  }
  func.func @transform_5(%arg0: i32) -> (i32, i32) {
    %c0_i32 = arith.constant 0 : i32
    %c0_i32_0 = arith.constant 0 : i32
    %c0_i32_1 = arith.constant 0 : i32
    return %c0_i32, %c0_i32_0 : i32, i32
  }
  func.func @transform_6(%arg0: i32) -> (i32, i32) {
    %c0_i32 = arith.constant 0 : i32
    %c0_i32_0 = arith.constant 0 : i32
    return %arg0, %c0_i32 : i32, i32
  }
}

module attributes {stable_mosaic.version = 14 : i64} {
  func.func @_stage_d_body(%arg0: i32, %arg1: memref<32x512x2xf32, #tpu.memory_space<vmem>>, %arg2: memref<512x1xf32, #tpu.memory_space<vmem>>, %arg3: memref<1x2xf32, #tpu.memory_space<vmem>>, %arg4: memref<512x2xf32, #tpu.memory_space<vmem>>) attributes {dimension_semantics = [#tpu.dimension_semantics<arbitrary>], iteration_bounds = array<i64: 20>, scalar_prefetch = 0 : i64, scratch_operands = 0 : i64, tpu.core_type = #tpu.core_type<tc>, window_params = [{transform_indices = @transform_0, window_bounds = array<i64: 32, 512, 2>}, {transform_indices = @transform_1, window_bounds = array<i64: 512, 1>}, {pipeline_mode = #tpu.pipeline_mode<synchronous>, transform_indices = @transform_2, window_bounds = array<i64: 1, 2>}, {transform_indices = @transform_3, window_bounds = array<i64: 512, 2>}]} {
    %get3A = arith.constant 0 : index
    %get3A_0 = arith.constant 0 : index
    %get3A_1 = arith.constant 0 : index
    %get3A_2 = vector.load %arg1[%get3A, %get3A_0, %get3A_1] : memref<32x512x2xf32, #tpu.memory_space<vmem>>, vector<32x512x2xf32>
    %reduce_sum3A = arith.constant dense<0.000000e+00> : vector<512x2xf32>
    %reduce_sum3A_3 = vector.multi_reduction <add>, %get3A_2, %reduce_sum3A [0] : vector<32x512x2xf32> to vector<512x2xf32>
    %get3A_4 = arith.constant 0 : index
    %get3A_5 = arith.constant 0 : index
    %get3A_6 = vector.load %arg2[%get3A_4, %get3A_5] : memref<512x1xf32, #tpu.memory_space<vmem>>, vector<512x1xf32>
    %mul3A = vector.broadcast %get3A_6 : vector<512x1xf32> to vector<512x2xf32>
    %mul3A_7 = arith.mulf %reduce_sum3A_3, %mul3A : vector<512x2xf32>
    %get3A_8 = arith.constant 0 : index
    %get3A_9 = arith.constant 0 : index
    %get3A_10 = vector.load %arg3[%get3A_8, %get3A_9] : memref<1x2xf32, #tpu.memory_space<vmem>>, vector<1x2xf32>
    %add3A = vector.broadcast %get3A_10 : vector<1x2xf32> to vector<512x2xf32>
    %add3A_11 = arith.addf %mul3A_7, %add3A : vector<512x2xf32>
    %swap3A = arith.constant 0 : index
    %swap3A_12 = arith.constant 0 : index
    %swap3A_13 = vector.load %arg4[%swap3A, %swap3A_12] : memref<512x2xf32, #tpu.memory_space<vmem>>, vector<512x2xf32>
    tpu.vector_store %arg4[%swap3A, %swap3A_12], %add3A_11 {strides = array<i32>} : memref<512x2xf32, #tpu.memory_space<vmem>>, vector<512x2xf32>,
    return
  }
  func.func @transform_0(%arg0: i32) -> (i32, i32, i32) {
    %c0_i32 = arith.constant 0 : i32
    %c0_i32_0 = arith.constant 0 : i32
    %c0_i32_1 = arith.constant 0 : i32
    return %c0_i32, %arg0, %c0_i32_0 : i32, i32, i32
  }
  func.func @transform_1(%arg0: i32) -> (i32, i32) {
    %c0_i32 = arith.constant 0 : i32
    %c0_i32_0 = arith.constant 0 : i32
    return %arg0, %c0_i32 : i32, i32
  }
  func.func @transform_2(%arg0: i32) -> (i32, i32) {
    %c0_i32 = arith.constant 0 : i32
    %c0_i32_0 = arith.constant 0 : i32
    %c0_i32_1 = arith.constant 0 : i32
    return %c0_i32, %c0_i32_0 : i32, i32
  }
  func.func @transform_3(%arg0: i32) -> (i32, i32) {
    %c0_i32 = arith.constant 0 : i32
    %c0_i32_0 = arith.constant 0 : i32
    return %arg0, %c0_i32 : i32, i32
  }
}

</mosaic_0001>

<sc_bundles>
// kernel: kernel.10.cloned.1.call-start
scs
__scs_entry_jumppad:
0x0: {  	(pc) =	sbr.rel $0x88, $3  }
0x1: {  	(tag) =	ssettag $0x0;
	lr =	simm.s32 $0x1  }
0x2: {  	[smem:$0x3F99] =	sst lr;
	_ =	strace $0xD0000000  }
0x3: {  	_ = 	snop  }
0x4: {  	_ = 	snop  }
0x5: {  	_ = 	snop  }
0x6: {  	_ = 	snop  }
0x7: {  	_ = 	snop  }
__scs_overlays_trampoline_lowered:
0x8: {  	[smem:$0x3FA8] =	sst s0  }
0x9: {  	[smem:$0x3FA9] =	sst s1  }
0xa: {  	[smem:$0x3FAA] =	sst s2  }
0xb: {  	[smem:$0x3FAB] =	sst s3  }
0xc: {  	[smem:$0x3FAC] =	sst s4  }
0xd: {  	[smem:$0x3FAD] =	sst s5  }
0xe: {  	[smem:$0x3FAE] =	sst s6  }
0xf: {  	[smem:$0x3FAF] =	sst s7  }
0x10: {  	[smem:$0x3FB0] =	sst s8  }
0x11: {  	[smem:$0x3FB1] =	sst s9;
	s0 =	simm.s32 @!p0 $0x0  }
0x12: {  	s1 =	sld [smem:$0x3F97];
	s0 =	simm.s32 @p0 $0x1  }
0x13: {  	[smem:$0x3FB2] =	sst s0;
	s0 =	simm.s32 @!p1 $0x0  }
0x14: {  	s2 =	sld [smem:$0x3F96];
	s0 =	simm.s32 @p1 $0x1  }
0x15: {  	[smem:$0x3FB3] =	sst s0;
	s0 =	simm.s32 @!p2 $0x0  }
0x16: {  	s3 =	sld [smem:$0x3FDB];
	s0 =	simm.s32 @p2 $0x1  }
0x17: {  	s4 =	simm.s32 $0x1BF5;
	[smem:$0x3FB5] =	sst s0  }
0x18: {  	s0 =	sld [smem:$0x3F98];
	_ =	swait.ge [sflag:s4], $0x0  }
0x19: {  	s7 =	sld [smem:$0x3F99]  }
0x1a: {  	s8 =	sadd.s32 $0xFFFFE003, lr  }
0x1b: {  	s9 =	sadd.s32 $0xFFFFFEF7, lr;
	s5 =	simm.s32 $0xFFFFFFFF;
	p2 =	slt.u32 s8, $0xFFFFF086  }
0x1c: {  	p1 =	slt.u32 s9, $0xF7A;
	s5 =	simm.s32 @!p2 $0x0  }
0x1d: {  	s5 =	simm.s32 @p1 $0x1;
	p0 =	seq.s32 s7, s2  }
0x1e: {  	s7 =	smul.u32 @!p0 $0xF7A, s2;
	p2 =	seq.s32 @!p0 s5, $0x0  }
0x1f: {  	s9 =	smul.u32 $0xF7A, s1;
	s8 =	simm.s32 @!p0 $0x1BF5;
	p2 =	por !p2, p0  }
0x20: {  	[sflag:s8] =	ssyncset.s32 @!p0 $0xFFFFF086;
	s6 =	sadd.s32 @!p0 s3, s7;
	s7 =	simm.s32 @!p0 $0x108  }
0x21: {  	s3 =	sadd.s32 s3, s9;
	s6 =	sadd.s32 @!p0 $0x88, s6;
	s7 =	simm.s32 @p2 $0x1082  }
0x22: {  	[simem:s7], [sflag:s8] =	dma.local @!p0 [hbm:s6], $0xF7A  }
0x23: {  	s9 =	sor.u32 $0xD0000000, s2;
	s6 =	simm.s32 $0x108;
	_ =	swait.ge @!p0 [sflag:s8], $0x0  }
0x24: {  	s3 =	sadd.s32 $0x88, s3;
	s6 =	simm.s32 @!p1 $0x1082;
	[sflag:s4] =	ssyncset.s32 $0xFFFFF086  }
0x25: {  	[simem:s6], [sflag:s4] =	dma.local [hbm:s3], $0xF7A  }
0x26: {  	[smem:$0x3F99] =	sst s1;
	(tag) =	ssettag s2;
	_ =	strace s9  }
0x27: {  	s1 =	sld [smem:$0x3FA9]  }
0x28: {  	s2 =	sld [smem:$0x3FAA]  }
0x29: {  	s4 =	sld [smem:$0x3FAC]  }
0x2a: {  	p0 =	seq.s32 s5, $0x0;
	s5 =	sld [smem:$0x3FAD]  }
0x2b: {  	s6 =	sld [smem:$0x3FAE]  }
0x2c: {  	s7 =	sld [smem:$0x3FAF]  }
0x2d: {  	s3 =	simm.s32 $0x108;
	s8 =	sld [smem:$0x3FB0]  }
0x2e: {  	s3 =	simm.s32 @!p0 $0x1082;
	s9 =	sld [smem:$0x3FB1]  }
0x2f: {  	lr =	sadd.s32 s0, s3;
	s0 =	sld [smem:$0x3FA8]  }
0x30: {  	s3 =	sld [smem:$0x3FAB]  }
0x31: {  	[smem:$0x3FB4] =	sst s10  }
0x32: {  	s10 =	sld [smem:$0x3FB2];
	_ =	sdelay $0x3  }
0x33: {  	p0 =	seq.s32 s10, $0x1;
	s10 =	sld [smem:$0x3FB4];
	_ =	sdelay $0x3  }
0x34: {  	[smem:$0x3FB4] =	sst s10  }
0x35: {  	s10 =	sld [smem:$0x3FB3];
	_ =	sdelay $0x3  }
0x36: {  	p1 =	seq.s32 s10, $0x1;
	s10 =	sld [smem:$0x3FB4];
	_ =	sdelay $0x3  }
0x37: {  	[smem:$0x3FB4] =	sst s10  }
0x38: {  	s10 =	sld [smem:$0x3FB5]  }
0x39: {  	_ = 	snop;
	(pc) =	sbr.ind lr, $3  }
0x3a: {  	_ = 	snop  }
0x3b: {  	_ = 	snop  }
0x3c: {  	p2 =	seq.s32 s10, $0x1;
	s10 =	sld [smem:$0x3FB4]  }
0x3d: {  	_ =	shalt  }
0x3e: {  	_ =	shalt  }
0x3f: {  	_ =	shalt  }
0x40: {  	_ =	shalt  }
0x41: {  	_ =	shalt  }
0x42: {  	_ =	shalt  }
0x43: {  	_ =	shalt  }
0x44: {  	_ =	shalt  }
0x45: {  	_ =	shalt  }
0x46: {  	_ =	shalt  }
0x47: {  	_ =	shalt  }
0x48: {  	_ =	shalt  }
0x49: {  	_ =	shalt  }
0x4a: {  	_ =	shalt  }
0x4b: {  	_ =	shalt  }
0x4c: {  	_ =	shalt  }
0x4d: {  	_ =	shalt  }
0x4e: {  	_ =	shalt  }
0x4f: {  	_ =	shalt  }
0x50: {  	_ =	shalt  }
0x51: {  	_ =	shalt  }
0x52: {  	_ =	shalt  }
0x53: {  	_ =	shalt  }
0x54: {  	_ =	shalt  }
0x55: {  	_ =	shalt  }
0x56: {  	_ =	shalt  }
0x57: {  	_ =	shalt  }
0x58: {  	_ =	shalt  }
0x59: {  	_ =	shalt  }
0x5a: {  	_ =	shalt  }
0x5b: {  	_ =	shalt  }
0x5c: {  	_ =	shalt  }
0x5d: {  	_ =	shalt  }
0x5e: {  	_ =	shalt  }
0x5f: {  	_ =	shalt  }
0x60: {  	_ =	shalt  }
0x61: {  	_ =	shalt  }
0x62: {  	_ =	shalt  }
0x63: {  	_ =	shalt  }
0x64: {  	_ =	shalt  }
0x65: {  	_ =	shalt  }
0x66: {  	_ =	shalt  }
0x67: {  	_ =	shalt  }
0x68: {  	_ =	shalt  }
0x69: {  	_ =	shalt  }
0x6a: {  	_ =	shalt  }
0x6b: {  	_ =	shalt  }
0x6c: {  	_ =	shalt  }
0x6d: {  	_ =	shalt  }
0x6e: {  	_ =	shalt  }
0x6f: {  	_ =	shalt  }
0x70: {  	_ =	shalt  }
0x71: {  	_ =	shalt  }
0x72: {  	_ =	shalt  }
0x73: {  	_ =	shalt  }
0x74: {  	_ =	shalt  }
0x75: {  	_ =	shalt  }
0x76: {  	_ =	shalt  }
0x77: {  	_ =	shalt  }
0x78: {  	_ =	shalt  }
0x79: {  	_ =	shalt  }
0x7a: {  	_ =	shalt  }
0x7b: {  	_ =	shalt  }
0x7c: {  	_ =	shalt  }
0x7d: {  	_ =	shalt  }
0x7e: {  	_ =	shalt  }
0x7f: {  	_ =	shalt  }
0x80: {  	_ =	shalt  }
0x81: {  	_ =	shalt  }
0x82: {  	_ =	shalt  }
0x83: {  	_ =	shalt  }
0x84: {  	_ =	shalt  }
0x85: {  	_ =	shalt  }
0x86: {  	_ =	shalt  }
0x87: {  	_ =	shalt  }
.Lfunc_end0:
.L_simem_size_0:
called_computation_lowered:
.L_overlay_start_0:
0x88: {  	s2 =	sld [smem:$0x3FD9]  }
0x89: {  	s3 =	sld [smem:$0x3FFE];
	_ =	sdelay $0x1  }
0x8a: {  	s1 =	srdreg.scid  }
0x8b: {  	s0 =	sand.u32 $0x1, s1  }
0x8c: {  	s16 =	sshll.u32 s0, $0xA;
	s2 =	sadd.s32 s3, s2  }
0x8d: {  	s2 =	sadd.s32 s2, s16  }
0x8e: {  	[smem:$0x3FC0] =	sst s2  }
0x8f: {  	_ = 	snop  }
0x90: {  	(tm) =	ssettm $0x1  }
0x91: {  	s17 =	sld [smem:$0x3FFB];
	_ =	sdelay $0x3  }
0x92: {  	_ =	strace s17  }
0x93: {  	s2 =	sld [smem:$0x3FFC];
	_ =	sdelay $0x3  }
0x94: {  	_ =	strace s2  }
0x95: {  	s2 =	sld [smem:$0x3FFD];
	_ =	sdelay $0x3  }
0x96: {  	_ =	strace s2  }
0x97: {  	_ =	strace $0x8FFFFFFF  }
0x98: {  	s18 =	sld [smem:$0x3FDB];
	_ =	sdelay $0x1  }
0x99: {  	s19 =	simm.s32 $_scs_section_size  }
0x9a: {  	s4 =	simm.s32 $_size__tile_overlayer_lowered;
	s5 =	simm.s32 $_tile_overlayer_lowered  }
0x9b: {  	s22 =	simm.s32 $0x1BFF;
	s21 =	sshll.u32 s5, $0x1;
	s2 =	sadd.s32 s19, s18  }
0x9c: {  	s6 =	simm.s32 $0x0;
	s20 =	sshll.u32 s4, $0x1;
	s4 =	sadd.s32 s21, s2  }
0x9d: {  	[timem:s6], [sflag:s22] =	dma.local [hbm:s4], s20  }
0x9e: {  	_ =	swait.ge [sflag:s22], s20  }
0x9f: {  	s3 =	ssub.s32 $0x0, s20;
	[sflag:s22] =	ssyncset.done $0x0  }
0xa0: {  	[sflag:s22] =	ssyncadd.s32 s3;
	_ =	sdelay $0x1  }
0xa1: {  	s23 =	simm.s32 $0x1B8B  }
0xa2: {  	_ =	swait.ge [sflag:s23], $0x1  }
0xa3: {  	[sflag:s23] =	ssyncset.done $0x0  }
0xa4: {  	s25 =	simm.s32 $0x1B8E;
	s24 =	sld [smem:$0x3FFE];
	[sflag:s23] =	ssyncadd.s32 $0xFFFFFFFF  }
0xa5: {  	s26 =	simm.s32 $execute0_lowered;
	[smem:$0x3FD2] =	sst s25  }
0xa6: {  	s4 =	sshll.u32 s26, $0x1;
	_ =	strace $0x80000046;
	[dreg:$0x1] =	wrdreg $0xFFFFFFFF  }
0xa7: {  	s28 =	simm.s32 $_size_execute0_lowered;
	s2 =	sadd.s32 s2, s4;
	[dreg:$0x0] =	wrdreg $0x0  }
0xa8: {  	s4 =	sshll.u32 s28, $0x1;
	[dreg:$0x2] =	wrdreg s2  }
0xa9: {  	[dreg:$0x3] =	wrdreg s4  }
0xaa: {  	[dreg:$0x4] =	wrdreg $0xC0  }
0xab: {  	_ =	task [dreg:s6], $0x5FFFF  }
0xac: {  	[dreg:$0x1] =	wrdreg $0xFFFFFFFF  }
0xad: {  	[dreg:$0x0] =	wrdreg $0x60  }
0xae: {  	[dreg:$0x2] =	wrdreg s24  }
0xaf: {  	[dreg:$0x3] =	wrdreg $0x9  }
0xb0: {  	_ =	task.clear_ibuf [dreg:s6], $0x4FFFF;
	_ =	strace $0x90000046  }
0xb1: {  	s29 =	simm.s32 $0x9;
	_ =	strace $0x80000048  }
0xb2: {  	_ =	swait.ge [sflag:s29], $0x1  }
0xb3: {  	[sflag:s29] =	ssyncadd.s32 $0xFFFFFFFF  }
0xb4: {  	_ =	strace $0x90000048  }
0xb5: {  	_ =	sfence  }
0xb6: {  	s30 =	sld [smem:$0x0];
	_ =	sdelay $0x2  }
0xb7: {  	s31 =	sshll.u32 s1, $0xD;
	s1 =	sshrl.u32 s1, $0x2  }
0xb8: {  	s3 =	sand.u32 $0x4000, s31;
	s1 =	sadd.s32 s1, s30  }
0xb9: {  	s0 =	sor.u32 s3, s0;
	s1 =	sshll.u32 s1, $0x11  }
0xba: {  	s0 =	sor.u32 s1, s0  }
0xbb: {  	s0 =	sadd.s32 $0x8F2B, s0  }
0xbc: {  	[sflag:s0] =	ssyncadd.remote.s32 $0x1  }
0xbd: {  	_ =	sfence.sel $0xFFFF  }
0xbe: {  	[dreg:$0x0] =	wrdreg $0xFFFFFFFF;
	(pc) =	sbr.abs _section_cstart, $3  }
0xbf: {  	[dreg:$0x1] =	wrdreg $0xFFFFFFFF  }
0xc0: {  	_ =	task.clear_ibuf [dreg:s6], $0x2FFFF;
	_ =	strace $0x9FFFFFFF  }
0xc1: {  	(tm) =	ssettm $0x7FFFFFFF  }
tec
execute0_lowered:
.L_overlay_start_1:
0x0: {  	(tag) =	ssettag $0x1  }
0x1: {  	s0 =	srdreg.scid  }
0x2: {  	s4 =	rddreg [dreg:$0x0];
	s2 =	simm.s32 $0x0;
	s8 =	simm.s32 $0x5000  }
0x3: {  	s9 =	simm.s32 $0x1;
	s10 =	simm.s32 $0x6400;
	s3 =	sand.u32 $0x1, s0  }
0x4: {  	s11 =	simm.s32 $0x2800;
	s0 =	stileid.u32;
	s1 =	sshll.u32 s3, $0x4  }
0x5: {  	s12 =	simm.s32 $0x80;
	s13 =	simm.s32 $0x400;
	s5 =	sor.u32 s0, s1  }
0x6: {  	s14 =	simm.s32 $0x0;
	[smem:$0x7FF] =	sst s2;
	s6 =	sshrl.u32 s5, $0x3  }
0x7: {  	s7 =	sshll.u32 s0, $0x7;
	s3 =	ssub.s32 $0x2, s3;
	s6 =	smul.u32 $0x14000, s6  }
0x8: {  	s1 =	rddreg [dreg:$0x1];
	s7 =	sand.u32 $0x380, s7;
	s5 =	smul.u32 $0x280, s5  }
0x9: {  	_ =	strace $0x80000047;
	s31 =	sshrl.u32 s3, $0x1;
	s6 =	sor.u32 s7, s6  }
0xa: {  	s5 =	sadd.s32 s5, s4;
	s7 =	ssub.s32 s3, s31;
	s6 =	sshrl.u32 s6, $0x3  }
0xb: {  	s3 =	sadd.s32 $0x7200, s5;
	s7 =	smax.u32 s7, $0x1;
	s6 =	sadd.s32 s6, s4  }
0xc: {  	v0 =	vimm.f32 $0.0e+00;
	v1 =	vimm.f32 $1.000000000e+00;
	s4 =	sadd.s32 $0x2200, s5;
	s5 =	sadd.s32 $0xC200, s6;
	s6 =	sadd.s32 $0x16200, s6  }
.LBB2_1:
0xd: {  	s15 =	simm.s32 $0x40;
	s16 =	simm.s32 $0x0  }
.LBB2_2:
0xe: {  	p0 =	sne.s32 s15, $0x9FC0;
	[tilespmem:s16+$0x0] =	vst v0;
	s17 =	smov.u32 s15;
	s15 =	sadd.s32 $0x40, s15  }
.Ltmp0:
0xf: {  	[tilespmem:s16+$0x2800] =	vst v0;
	(pc) =	sbr.rel @p0 .LBB2_2-.Ltmp0, $2  }
0x10: {  	_ =	sdelay $0x2  }
0x11: {  	s16 =	sshra.s32 s17, $0x2  }
0x12: {  	[tilespmem:s16+$0x0] =	vst v0  }
0x13: {  	[tilespmem:s16+$0x2800] =	vst v0;
	s15 =	simm.s32 $0x0  }
0x14: {  	[tilespmem:s8], [sflag:$0x1] =	stream.linear.gather [hbm4b:s3+s15], $0x1400, $0x38;
	[tilespmem:$0x7800] =	vst v63  }
0x15: {  	_ =	swait.ge [sflag:s9], $0x1400  }
0x16: {  	[sflag:s9] =	ssyncset.done $0x0  }
0x17: {  	[sflag:s9] =	ssyncadd.s32 $0xFFFFEC00  }
0x18: {  	[tilespmem:s10], [sflag:$0x1] =	stream.linear.gather [hbm4b:s4+s15], $0x1400, $0x38;
	[tilespmem:$0x7800] =	vst v63  }
0x19: {  	_ =	swait.ge [sflag:s9], $0x1400  }
0x1a: {  	[sflag:s9] =	ssyncset.done $0x0  }
0x1b: {  	s16 =	simm.s32 $0x0;
	[sflag:s9] =	ssyncadd.s32 $0xFFFFEC00  }
0x1c: {  	s15 =	simm.s32 $0x40;
	v2 =	vld [tilespmem:s16+$0x5000]  }
.LBB2_4:
0x1d: {  	p0 =	sne.s32 s15, $0x4FC0;
	v3 =	vld [tilespmem:s16+$0x6400];
	_ =	sdelay $0x4  }
.Ltmp1:
0x1e: {  	(pc) =	sbr.rel @p0 .LBB2_4-.Ltmp1, $4  }
0x1f: {  	_ = 	snop  }
0x20: {  	[tilespmem:v2+s2+$0x0] =	vst.idx.add.f32.msk $0xffff, v1  }
0x21: {  	s16 =	sshra.s32 s15, $0x2;
	[tilespmem:v3+s11+$0x0] =	vst.idx.add.f32.msk $0xffff, v1  }
0x22: {  	s15 =	sadd.s32 $0x40, s15;
	v2 =	vld [tilespmem:s16+$0x5000]  }
0x23: {  	_ = 	snop  }
0x24: {  	v3 =	vld [tilespmem:s16+$0x6400];
	_ =	sdelay $0x6  }
0x25: {  	[tilespmem:v2+s2+$0x0] =	vst.idx.add.f32.msk $0xffff, v1  }
0x26: {  	[tilespmem:v3+s11+$0x0] =	vst.idx.add.f32.msk $0xffff, v1  }
0x27: {  	[hbm4b:s5+s12] =	stream.strided.scatter [tilespmem:s2], [sflag:$0x1], $0x2800, s13, s12, $0x38;
	[tilespmem:$0x7800] =	vst v63  }
0x28: {  	s14 =	sadd.s32 $0x1, s14;
	_ =	swait.ge [sflag:s9], $0x2800  }
0x29: {  	p0 =	sne.s32 s14, s7;
	[sflag:s9] =	ssyncset.done $0x0  }
.Ltmp2:
0x2a: {  	[sflag:s9] =	ssyncadd.s32 $0xFFFFD800;
	(pc) =	sbr.rel @p0 .LBB2_1-.Ltmp2, $4  }
0x2b: {  	[hbm4b:s6+s12] =	stream.strided.scatter [tilespmem:s11], [sflag:$0x1], $0x2800, s13, s12, $0x38;
	[tilespmem:$0x7800] =	vst v63  }
0x2c: {  	_ =	swait.ge [sflag:s9], $0x2800  }
0x2d: {  	[sflag:s9] =	ssyncset.done $0x0  }
0x2e: {  	[sflag:s9] =	ssyncadd.s32 $0xFFFFD800  }
0x2f: {  	_ =	sfence.sel $0x180000  }
0x30: {  	[bflag:$0x0] =	sbarrier.arrive $0xFFFF  }
0x31: {  	p0 =	sne.s32 s0, $0x0;
	_ =	strace $0x90000047  }
0x32: {  	s0 =	sadd.s32 @!p0 $0x100000, s1;
	[bflag:$0x2] =	sbarrier.arrive $0xFFFF  }
0x33: {  	[sflag:s0] =	ssyncadd.tile.s32 @!p0 $0x1;
	_ =	shalt  }
.Lfunc_end2:
_tile_overlayer_lowered:
.L_overlay_start_2:
0x34: {  	(tag) =	ssettag $0x2  }
0x35: {  	s0 =	rddreg [dreg:$0x0];
	s2 =	stileid.u32  }
0x36: {  	s1 =	rddreg [dreg:$0x1];
	p0 =	sne.s32 s2, $0x0  }
0x37: {  	s3 =	rddreg [dreg:$0x2];
	[bflag:$0x3] =	sbarrier.arrive $0xFFFF;
	s2 =	simm.s32 @!p0 $0x1C01  }
0x38: {  	[timem:s3], [sflag:s2] =	dma.local @!p0 [hbm:s0], s1  }
0x39: {  	s0 =	simm.s32 @!p0 $0x1  }
0x3a: {  	_ =	swait.ge @!p0 [sflag:s0], s1  }
0x3b: {  	s1 =	ssub.s32 @!p0 $0x0, s1;
	[sflag:s0] =	ssyncset.done @!p0 $0x0  }
0x3c: {  	[sflag:s0] =	ssyncadd.s32 @!p0 s1  }
0x3d: {  	[bflag:$0x3] =	sbarrier.arrive $0xFFFF  }
0x3e: {  	_ =	shalt  }

// kernel: kernel.13.cloned.1.call-start
scs
__scs_entry_jumppad:
0x0: {  	(pc) =	sbr.rel $0x88, $3  }
0x1: {  	(tag) =	ssettag $0x0;
	lr =	simm.s32 $0x1  }
0x2: {  	[smem:$0x3F99] =	sst lr;
	_ =	strace $0xD0000000  }
0x3: {  	_ = 	snop  }
0x4: {  	_ = 	snop  }
0x5: {  	_ = 	snop  }
0x6: {  	_ = 	snop  }
0x7: {  	_ = 	snop  }
__scs_overlays_trampoline_lowered:
0x8: {  	[smem:$0x3FA8] =	sst s0  }
0x9: {  	[smem:$0x3FA9] =	sst s1  }
0xa: {  	[smem:$0x3FAA] =	sst s2  }
0xb: {  	[smem:$0x3FAB] =	sst s3  }
0xc: {  	[smem:$0x3FAC] =	sst s4  }
0xd: {  	[smem:$0x3FAD] =	sst s5  }
0xe: {  	[smem:$0x3FAE] =	sst s6  }
0xf: {  	[smem:$0x3FAF] =	sst s7  }
0x10: {  	[smem:$0x3FB0] =	sst s8  }
0x11: {  	[smem:$0x3FB1] =	sst s9;
	s0 =	simm.s32 @!p0 $0x0  }
0x12: {  	s1 =	sld [smem:$0x3F97];
	s0 =	simm.s32 @p0 $0x1  }
0x13: {  	[smem:$0x3FB2] =	sst s0;
	s0 =	simm.s32 @!p1 $0x0  }
0x14: {  	s2 =	sld [smem:$0x3F96];
	s0 =	simm.s32 @p1 $0x1  }
0x15: {  	[smem:$0x3FB3] =	sst s0;
	s0 =	simm.s32 @!p2 $0x0  }
0x16: {  	s3 =	sld [smem:$0x3FDB];
	s0 =	simm.s32 @p2 $0x1  }
0x17: {  	s4 =	simm.s32 $0x1BF5;
	[smem:$0x3FB5] =	sst s0  }
0x18: {  	s0 =	sld [smem:$0x3F98];
	_ =	swait.ge [sflag:s4], $0x0  }
0x19: {  	s7 =	sld [smem:$0x3F99]  }
0x1a: {  	s8 =	sadd.s32 $0xFFFFE003, lr  }
0x1b: {  	s9 =	sadd.s32 $0xFFFFFEF7, lr;
	s5 =	simm.s32 $0xFFFFFFFF;
	p2 =	slt.u32 s8, $0xFFFFF086  }
0x1c: {  	p1 =	slt.u32 s9, $0xF7A;
	s5 =	simm.s32 @!p2 $0x0  }
0x1d: {  	s5 =	simm.s32 @p1 $0x1;
	p0 =	seq.s32 s7, s2  }
0x1e: {  	s7 =	smul.u32 @!p0 $0xF7A, s2;
	p2 =	seq.s32 @!p0 s5, $0x0  }
0x1f: {  	s9 =	smul.u32 $0xF7A, s1;
	s8 =	simm.s32 @!p0 $0x1BF5;
	p2 =	por !p2, p0  }
0x20: {  	[sflag:s8] =	ssyncset.s32 @!p0 $0xFFFFF086;
	s6 =	sadd.s32 @!p0 s3, s7;
	s7 =	simm.s32 @!p0 $0x108  }
0x21: {  	s3 =	sadd.s32 s3, s9;
	s6 =	sadd.s32 @!p0 $0x88, s6;
	s7 =	simm.s32 @p2 $0x1082  }
0x22: {  	[simem:s7], [sflag:s8] =	dma.local @!p0 [hbm:s6], $0xF7A  }
0x23: {  	s9 =	sor.u32 $0xD0000000, s2;
	s6 =	simm.s32 $0x108;
	_ =	swait.ge @!p0 [sflag:s8], $0x0  }
0x24: {  	s3 =	sadd.s32 $0x88, s3;
	s6 =	simm.s32 @!p1 $0x1082;
	[sflag:s4] =	ssyncset.s32 $0xFFFFF086  }
0x25: {  	[simem:s6], [sflag:s4] =	dma.local [hbm:s3], $0xF7A  }
0x26: {  	[smem:$0x3F99] =	sst s1;
	(tag) =	ssettag s2;
	_ =	strace s9  }
0x27: {  	s1 =	sld [smem:$0x3FA9]  }
0x28: {  	s2 =	sld [smem:$0x3FAA]  }
0x29: {  	s4 =	sld [smem:$0x3FAC]  }
0x2a: {  	p0 =	seq.s32 s5, $0x0;
	s5 =	sld [smem:$0x3FAD]  }
0x2b: {  	s6 =	sld [smem:$0x3FAE]  }
0x2c: {  	s7 =	sld [smem:$0x3FAF]  }
0x2d: {  	s3 =	simm.s32 $0x108;
	s8 =	sld [smem:$0x3FB0]  }
0x2e: {  	s3 =	simm.s32 @!p0 $0x1082;
	s9 =	sld [smem:$0x3FB1]  }
0x2f: {  	lr =	sadd.s32 s0, s3;
	s0 =	sld [smem:$0x3FA8]  }
0x30: {  	s3 =	sld [smem:$0x3FAB]  }
0x31: {  	[smem:$0x3FB4] =	sst s10  }
0x32: {  	s10 =	sld [smem:$0x3FB2];
	_ =	sdelay $0x3  }
0x33: {  	p0 =	seq.s32 s10, $0x1;
	s10 =	sld [smem:$0x3FB4];
	_ =	sdelay $0x3  }
0x34: {  	[smem:$0x3FB4] =	sst s10  }
0x35: {  	s10 =	sld [smem:$0x3FB3];
	_ =	sdelay $0x3  }
0x36: {  	p1 =	seq.s32 s10, $0x1;
	s10 =	sld [smem:$0x3FB4];
	_ =	sdelay $0x3  }
0x37: {  	[smem:$0x3FB4] =	sst s10  }
0x38: {  	s10 =	sld [smem:$0x3FB5]  }
0x39: {  	_ = 	snop;
	(pc) =	sbr.ind lr, $3  }
0x3a: {  	_ = 	snop  }
0x3b: {  	_ = 	snop  }
0x3c: {  	p2 =	seq.s32 s10, $0x1;
	s10 =	sld [smem:$0x3FB4]  }
0x3d: {  	_ =	shalt  }
0x3e: {  	_ =	shalt  }
0x3f: {  	_ =	shalt  }
0x40: {  	_ =	shalt  }
0x41: {  	_ =	shalt  }
0x42: {  	_ =	shalt  }
0x43: {  	_ =	shalt  }
0x44: {  	_ =	shalt  }
0x45: {  	_ =	shalt  }
0x46: {  	_ =	shalt  }
0x47: {  	_ =	shalt  }
0x48: {  	_ =	shalt  }
0x49: {  	_ =	shalt  }
0x4a: {  	_ =	shalt  }
0x4b: {  	_ =	shalt  }
0x4c: {  	_ =	shalt  }
0x4d: {  	_ =	shalt  }
0x4e: {  	_ =	shalt  }
0x4f: {  	_ =	shalt  }
0x50: {  	_ =	shalt  }
0x51: {  	_ =	shalt  }
0x52: {  	_ =	shalt  }
0x53: {  	_ =	shalt  }
0x54: {  	_ =	shalt  }
0x55: {  	_ =	shalt  }
0x56: {  	_ =	shalt  }
0x57: {  	_ =	shalt  }
0x58: {  	_ =	shalt  }
0x59: {  	_ =	shalt  }
0x5a: {  	_ =	shalt  }
0x5b: {  	_ =	shalt  }
0x5c: {  	_ =	shalt  }
0x5d: {  	_ =	shalt  }
0x5e: {  	_ =	shalt  }
0x5f: {  	_ =	shalt  }
0x60: {  	_ =	shalt  }
0x61: {  	_ =	shalt  }
0x62: {  	_ =	shalt  }
0x63: {  	_ =	shalt  }
0x64: {  	_ =	shalt  }
0x65: {  	_ =	shalt  }
0x66: {  	_ =	shalt  }
0x67: {  	_ =	shalt  }
0x68: {  	_ =	shalt  }
0x69: {  	_ =	shalt  }
0x6a: {  	_ =	shalt  }
0x6b: {  	_ =	shalt  }
0x6c: {  	_ =	shalt  }
0x6d: {  	_ =	shalt  }
0x6e: {  	_ =	shalt  }
0x6f: {  	_ =	shalt  }
0x70: {  	_ =	shalt  }
0x71: {  	_ =	shalt  }
0x72: {  	_ =	shalt  }
0x73: {  	_ =	shalt  }
0x74: {  	_ =	shalt  }
0x75: {  	_ =	shalt  }
0x76: {  	_ =	shalt  }
0x77: {  	_ =	shalt  }
0x78: {  	_ =	shalt  }
0x79: {  	_ =	shalt  }
0x7a: {  	_ =	shalt  }
0x7b: {  	_ =	shalt  }
0x7c: {  	_ =	shalt  }
0x7d: {  	_ =	shalt  }
0x7e: {  	_ =	shalt  }
0x7f: {  	_ =	shalt  }
0x80: {  	_ =	shalt  }
0x81: {  	_ =	shalt  }
0x82: {  	_ =	shalt  }
0x83: {  	_ =	shalt  }
0x84: {  	_ =	shalt  }
0x85: {  	_ =	shalt  }
0x86: {  	_ =	shalt  }
0x87: {  	_ =	shalt  }
.Lfunc_end0:
.L_simem_size_0:
called_computation.1_lowered:
.L_overlay_start_0:
0x88: {  	s2 =	sld [smem:$0x3FD9]  }
0x89: {  	s3 =	sld [smem:$0x3FFE];
	_ =	sdelay $0x1  }
0x8a: {  	s1 =	srdreg.scid  }
0x8b: {  	s0 =	sand.u32 $0x1, s1  }
0x8c: {  	s16 =	sshll.u32 s0, $0xA;
	s2 =	sadd.s32 s3, s2  }
0x8d: {  	s2 =	sadd.s32 s2, s16  }
0x8e: {  	[smem:$0x3FC0] =	sst s2  }
0x8f: {  	_ = 	snop  }
0x90: {  	(tm) =	ssettm $0x1  }
0x91: {  	s17 =	sld [smem:$0x3FFB];
	_ =	sdelay $0x3  }
0x92: {  	_ =	strace s17  }
0x93: {  	s2 =	sld [smem:$0x3FFC];
	_ =	sdelay $0x3  }
0x94: {  	_ =	strace s2  }
0x95: {  	s2 =	sld [smem:$0x3FFD];
	_ =	sdelay $0x3  }
0x96: {  	_ =	strace s2  }
0x97: {  	_ =	strace $0x8FFFFFFF  }
0x98: {  	s18 =	sld [smem:$0x3FDB];
	_ =	sdelay $0x1  }
0x99: {  	s19 =	simm.s32 $_scs_section_size  }
0x9a: {  	s4 =	simm.s32 $_size__tile_overlayer_lowered;
	s5 =	simm.s32 $_tile_overlayer_lowered  }
0x9b: {  	s22 =	simm.s32 $0x1BFF;
	s21 =	sshll.u32 s5, $0x1;
	s2 =	sadd.s32 s19, s18  }
0x9c: {  	s6 =	simm.s32 $0x0;
	s20 =	sshll.u32 s4, $0x1;
	s4 =	sadd.s32 s21, s2  }
0x9d: {  	[timem:s6], [sflag:s22] =	dma.local [hbm:s4], s20  }
0x9e: {  	_ =	swait.ge [sflag:s22], s20  }
0x9f: {  	s3 =	ssub.s32 $0x0, s20;
	[sflag:s22] =	ssyncset.done $0x0  }
0xa0: {  	[sflag:s22] =	ssyncadd.s32 s3;
	_ =	sdelay $0x1  }
0xa1: {  	s23 =	simm.s32 $0x1B8B  }
0xa2: {  	_ =	swait.ge [sflag:s23], $0x1  }
0xa3: {  	[sflag:s23] =	ssyncset.done $0x0  }
0xa4: {  	s25 =	simm.s32 $0x1B8E;
	s24 =	sld [smem:$0x3FFE];
	[sflag:s23] =	ssyncadd.s32 $0xFFFFFFFF  }
0xa5: {  	s26 =	simm.s32 $execute0_lowered;
	[smem:$0x3FD2] =	sst s25  }
0xa6: {  	s4 =	sshll.u32 s26, $0x1;
	_ =	strace $0x80000049;
	[dreg:$0x1] =	wrdreg $0xFFFFFFFF  }
0xa7: {  	s28 =	simm.s32 $_size_execute0_lowered;
	s2 =	sadd.s32 s2, s4;
	[dreg:$0x0] =	wrdreg $0x0  }
0xa8: {  	s4 =	sshll.u32 s28, $0x1;
	[dreg:$0x2] =	wrdreg s2  }
0xa9: {  	[dreg:$0x3] =	wrdreg s4  }
0xaa: {  	[dreg:$0x4] =	wrdreg $0xC0  }
0xab: {  	_ =	task [dreg:s6], $0x5FFFF  }
0xac: {  	[dreg:$0x1] =	wrdreg $0xFFFFFFFF  }
0xad: {  	[dreg:$0x0] =	wrdreg $0x60  }
0xae: {  	[dreg:$0x2] =	wrdreg s24  }
0xaf: {  	[dreg:$0x3] =	wrdreg $0xA9000  }
0xb0: {  	[dreg:$0x4] =	wrdreg $0x9  }
0xb1: {  	_ =	task.clear_ibuf [dreg:s6], $0x5FFFF;
	_ =	strace $0x90000049  }
0xb2: {  	s29 =	simm.s32 $0x9;
	_ =	strace $0x8000004B  }
0xb3: {  	_ =	swait.ge [sflag:s29], $0x1  }
0xb4: {  	[sflag:s29] =	ssyncadd.s32 $0xFFFFFFFF  }
0xb5: {  	_ =	strace $0x9000004B  }
0xb6: {  	_ =	sfence  }
0xb7: {  	s30 =	sld [smem:$0x0];
	_ =	sdelay $0x2  }
0xb8: {  	s31 =	sshll.u32 s1, $0xD;
	s1 =	sshrl.u32 s1, $0x2  }
0xb9: {  	s3 =	sand.u32 $0x4000, s31;
	s1 =	sadd.s32 s1, s30  }
0xba: {  	s0 =	sor.u32 s3, s0;
	s1 =	sshll.u32 s1, $0x11  }
0xbb: {  	s0 =	sor.u32 s1, s0  }
0xbc: {  	s0 =	sadd.s32 $0x8F2B, s0  }
0xbd: {  	[sflag:s0] =	ssyncadd.remote.s32 $0x1  }
0xbe: {  	_ =	sfence.sel $0xFFFF  }
0xbf: {  	[dreg:$0x0] =	wrdreg $0xFFFFFFFF;
	(pc) =	sbr.abs _section_cstart, $3  }
0xc0: {  	[dreg:$0x1] =	wrdreg $0xFFFFFFFF  }
0xc1: {  	_ =	task.clear_ibuf [dreg:s6], $0x2FFFF;
	_ =	strace $0x9FFFFFFF  }
0xc2: {  	(tm) =	ssettm $0x7FFFFFFF  }
0xc3: {  	_ =	shalt  }
tec
execute0_lowered:
.L_overlay_start_1:
0x0: {  	(tag) =	ssettag $0x1  }
0x1: {  	s0 =	rddreg [dreg:$0x0]  }
0x2: {  	s2 =	rddreg [dreg:$0x1];
	s10 =	stileid.u32  }
0x3: {  	s4 =	srdreg.scid;
	s3 =	simm.s32 $0x0;
	s28 =	simm.s32 $0x80  }
0x4: {  	s29 =	simm.s32 $0x6900;
	s30 =	simm.s32 $0x3;
	s1 =	smul.u32 $0x2800, s10  }
0x5: {  	s31 =	simm.s32 $0x4;
	s6 =	sand.u32 $0x1, s4;
	s7 =	smul.u32 $0x280, s10  }
0x6: {  	[smem:$0x7FF] =	sst s3;
	s4 =	sadd.s32 $0x70200, s0;
	s16 =	smul.u32 $0x50000, s10  }
0x7: {  	s8 =	smul.u32 $0x2800, s6;
	_ =	strace $0x8000004A;
	s17 =	ssub.s32 $0x2, s6  }
0x8: {  	s11 =	smul.u32 $0x28000, s6;
	s5 =	sshrl.u32 s1, $0x3;
	s18 =	sshrl.u32 s17, $0x1  }
0x9: {  	s19 =	sshrl.u32 s16, $0x2;
	s9 =	sadd.s32 s5, s0;
	s5 =	sadd.s32 $0x7A200, s0  }
0xa: {  	s7 =	sadd.s32 s7, s8;
	s20 =	ssub.s32 s17, s18;
	s6 =	sadd.s32 s19, s2  }
0xb: {  	s7 =	sshll.u32 s7, $0x4;
	s21 =	sadd.s32 $0x2200, s9;
	s9 =	sadd.s32 $0x4000, s6  }
0xc: {  	s10 =	sadd.s32 $0x8000, s6;
	s13 =	sadd.s32 $0x10000, s6;
	s20 =	smax.u32 s20, $0x1  }
0xd: {  	s0 =	sadd.s32 s7, s0;
	s7 =	sadd.s32 s1, s11;
	[dreg:$0x3] =	wrdreg s21  }
0xe: {  	s11 =	sadd.s32 $0xC000, s6;
	s21 =	simm.s32 $0x5;
	s23 =	sadd.s32 $0xC200, s0  }
0xf: {  	s22 =	sshrl.u32 s7, $0x3;
	s24 =	sadd.s32 $0xCA00, s0;
	[dreg:$0x5] =	wrdreg s23  }
0x10: {  	s25 =	sadd.s32 $0xD200, s0;
	s26 =	sadd.s32 $0xDA00, s0;
	[dreg:$0x6] =	wrdreg s24  }
0x11: {  	s19 =	sadd.s32 $0xE200, s0;
	s0 =	simm.s32 $0x0;
	[dreg:$0x7] =	wrdreg s25  }
0x12: {  	s12 =	sadd.s32 s4, s22;
	[dreg:$0x8] =	wrdreg s26;
	s22 =	simm.s32 $0x2900  }
0x13: {  	s23 =	simm.s32 $0x2800;
	s24 =	simm.s32 $0x1;
	s1 =	sadd.s32 $0x10, s12  }
0x14: {  	v0 =	vimm.f32 $0.0e+00;
	s25 =	simm.s32 $0x2880;
	s26 =	simm.s32 $0x2;
	[dreg:$0x4] =	wrdreg s1  }
.LBB2_1:
0x15: {  	s1 =	rddreg [dreg:$0x3]  }
0x16: {  	[tilespmem:s3], [sflag:$0x5] =	stream.linear.gather [hbm4b:s1+s3], $0x2800, $0x38;
	[tilespmem:$0x1E900] =	vst v63  }
0x17: {  	s18 =	sand.u32 $0xFE00, s3;
	s8 =	sand.u32 $0x70, s3;
	_ =	swait.ge [sflag:s21], $0x2800  }
0x18: {  	s14 =	sshrl.u32 s18, $0x2;
	s1 =	simm.s32 $0x40;
	[sflag:s21] =	ssyncset.done $0x0  }
0x19: {  	s14 =	sor.u32 s8, s14;
	s8 =	simm.s32 $0x0;
	[sflag:s21] =	ssyncadd.s32 $0xFFFFD800  }
.LBB2_2:
0x1a: {  	p0 =	sne.s32 s1, $0xFFC0  }
0x1b: {  	[tilespmem:s14+$0x2900] =	vst v0;
	s8 =	sadd.s32 $0x10, s8;
	s14 =	smov.u32 s1;
	s1 =	sadd.s32 $0x40, s1  }
.Ltmp0:
0x1c: {  	(pc) =	sbr.rel @p0 .LBB2_2-.Ltmp0, $4  }
0x1d: {  	_ = 	snop  }
0x1e: {  	s14 =	sand.u32 $0xFE00, s14  }
0x1f: {  	s15 =	sand.u32 $0x70, s8;
	s14 =	sshrl.u32 s14, $0x2  }
0x20: {  	s14 =	sor.u32 s15, s14  }
0x21: {  	[tilespmem:s14+$0x2900] =	vst v0  }
0x22: {  	[spmem:s6] =	stream.linear.scatter [tilespmem:s22], [sflag:$0x5], $0x4000, $0x38;
	[tilespmem:$0x1E900] =	vst v63  }
0x23: {  	_ =	swait.ge [sflag:s21], $0x4000  }
0x24: {  	[sflag:s21] =	ssyncset.done $0x0  }
0x25: {  	[sflag:s21] =	ssyncadd.s32 $0xFFFFC000  }
0x26: {  	[spmem:s9] =	stream.linear.scatter [tilespmem:s22], [sflag:$0x5], $0x4000, $0x38;
	[tilespmem:$0x1E900] =	vst v63  }
0x27: {  	_ =	swait.ge [sflag:s21], $0x4000  }
0x28: {  	[sflag:s21] =	ssyncset.done $0x0  }
0x29: {  	[sflag:s21] =	ssyncadd.s32 $0xFFFFC000  }
0x2a: {  	[spmem:s10] =	stream.linear.scatter [tilespmem:s22], [sflag:$0x5], $0x4000, $0x38;
	[tilespmem:$0x1E900] =	vst v63  }
0x2b: {  	_ =	swait.ge [sflag:s21], $0x4000  }
0x2c: {  	[sflag:s21] =	ssyncset.done $0x0  }
0x2d: {  	[sflag:s21] =	ssyncadd.s32 $0xFFFFC000  }
0x2e: {  	[spmem:s11] =	stream.linear.scatter [tilespmem:s22], [sflag:$0x5], $0x4000, $0x38;
	[tilespmem:$0x1E900] =	vst v63  }
0x2f: {  	_ =	swait.ge [sflag:s21], $0x4000  }
0x30: {  	[sflag:s21] =	ssyncset.done $0x0  }
0x31: {  	[sflag:s21] =	ssyncadd.s32 $0xFFFFC000  }
0x32: {  	[spmem:s13] =	stream.linear.scatter [tilespmem:s22], [sflag:$0x5], $0x4000, $0x38;
	[tilespmem:$0x1E900] =	vst v63  }
0x33: {  	_ =	swait.ge [sflag:s21], $0x4000  }
0x34: {  	[sflag:s21] =	ssyncset.done $0x0  }
0x35: {  	[sflag:s21] =	ssyncadd.s32 $0xFFFFC000  }
0x36: {  	[bflag:$0x0] =	sbarrier.arrive $0xFFFF  }
0x37: {  	[tilespmem:s23], [sflag:$0x1] =	stream.linear.gather [hbm4b:s12+s3], $0x80, $0x38;
	[tilespmem:$0x1E900] =	vst v63  }
0x38: {  	_ =	swait.ge [sflag:s24], $0x80  }
0x39: {  	[sflag:s24] =	ssyncset.done $0x0  }
0x3a: {  	s1 =	simm.s32 $0x80;
	s14 =	simm.s32 $0x100;
	[sflag:s24] =	ssyncadd.s32 $0xFFFFFF80  }
0x3b: {  	[tilespmem:s22], [sflag:$0x3] =	stream.indirect.gather [hbm4b:s5+s1], $0x80, s23, s1, $0xb8;
	[tilespmem:$0x1E900] =	vst v63  }
0x3c: {  	s15 =	sand.u32 $0x7C00, s14;
	s8 =	rddreg [dreg:$0x4]  }
0x3d: {  	[tilespmem:s25], [sflag:$0x2] =	stream.linear.gather [hbm4b:s8+s3], $0x80, $0x38;
	[tilespmem:$0x1E900] =	vst v63  }
0x3e: {  	s8 =	sand.u32 $0x300, s14;
	s14 =	sadd.s32 s7, s15;
	_ =	swait.ge [sflag:s26], $0x80  }
0x3f: {  	s8 =	sor.u32 s8, s14;
	[sflag:s26] =	ssyncset.done $0x0  }
0x40: {  	s8 =	sshrl.u32 s8, $0x3;
	[sflag:s26] =	ssyncadd.s32 $0xFFFFFF80  }
0x41: {  	[tilespmem:s29], [sflag:$0x4] =	stream.indirect.gather [hbm4b:s5+s28], $0x80, s25, s28, $0xb8;
	[tilespmem:$0x1E900] =	vst v63  }
0x42: {  	s8 =	sadd.s32 s4, s8  }
0x43: {  	[tilespmem:s23], [sflag:$0x1] =	stream.linear.gather [hbm4b:s8+s3], $0x80, $0x38;
	[tilespmem:$0x1E900] =	vst v63  }
0x44: {  	_ =	swait.ge [sflag:s30], $0x4000  }
0x45: {  	[sflag:s30] =	ssyncset.done $0x0  }
0x46: {  	s16 =	simm.s32 $0x0;
	[sflag:s30] =	ssyncadd.s32 $0xFFFFC000  }
0x47: {  	[spmem:s2] =	stream.indirect.scatter.add.f32 [tilespmem:s22], [sflag:$0x5], $0x80, s16, s28, $0xb8;
	[tilespmem:$0x1E900] =	vst v63  }
0x48: {  	_ =	swait.ge [sflag:s21], $0x4000  }
0x49: {  	s17 =	simm.s32 $0x180;
	[sflag:s21] =	ssyncset.done $0x0  }
0x4a: {  	s18 =	sand.u32 $0x7C00, s17;
	[sflag:s21] =	ssyncadd.s32 $0xFFFFC000  }
0x4b: {  	s14 =	sadd.s32 s7, s18;
	s8 =	sand.u32 $0x380, s17;
	_ =	swait.ge [sflag:s24], $0x80  }
0x4c: {  	s8 =	sor.u32 s8, s14;
	[sflag:s24] =	ssyncset.done $0x0  }
0x4d: {  	s8 =	sshrl.u32 s8, $0x3;
	[sflag:s24] =	ssyncadd.s32 $0xFFFFFF80  }
0x4e: {  	[tilespmem:s22], [sflag:$0x3] =	stream.indirect.gather [hbm4b:s5+s28], $0x80, s23, s28, $0xb8;
	[tilespmem:$0x1E900] =	vst v63  }
0x4f: {  	s8 =	sadd.s32 s4, s8  }
0x50: {  	[tilespmem:s25], [sflag:$0x2] =	stream.linear.gather [hbm4b:s8+s3], $0x80, $0x38;
	[tilespmem:$0x1E900] =	vst v63  }
0x51: {  	_ =	swait.ge [sflag:s31], $0x4000  }
0x52: {  	[sflag:s31] =	ssyncset.done $0x0  }
0x53: {  	s14 =	simm.s32 $0x380;
	[sflag:s31] =	ssyncadd.s32 $0xFFFFC000  }
0x54: {  	[spmem:s2] =	stream.indirect.scatter.add.f32 [tilespmem:s29], [sflag:$0x5], $0x80, s1, s28, $0xb8;
	[tilespmem:$0x1E900] =	vst v63  }
0x55: {  	s8 =	simm.s32 $0x280;
	s1 =	simm.s32 $0x180;
	_ =	swait.ge [sflag:s21], $0x4000  }
.LBB2_4:
0x56: {  	s16 =	sadd.s32 $0xFFFFFF80, s8  }
0x57: {  	[sflag:s21] =	ssyncset.done $0x0;
	s17 =	smov.u32 s14;
	s15 =	sadd.s32 $0x100, s14  }
0x58: {  	s18 =	sand.u32 $0x7C00, s16;
	s16 =	sand.u32 $0x300, s16;
	[sflag:s21] =	ssyncadd.s32 $0xFFFFC000  }
0x59: {  	p0 =	sne.s32 s14, $0x2780;
	_ =	swait.ge [sflag:s26], $0x80;
	s14 =	sadd.s32 s7, s18  }
0x5a: {  	[sflag:s26] =	ssyncset.done $0x0;
	s14 =	sor.u32 s16, s14  }
0x5b: {  	[sflag:s26] =	ssyncadd.s32 $0xFFFFFF80;
	s14 =	sshrl.u32 s14, $0x3  }
0x5c: {  	[tilespmem:s29], [sflag:$0x4] =	stream.indirect.gather [hbm4b:s5+s28], $0x80, s25, s28, $0xb8;
	[tilespmem:$0x1E900] =	vst v63  }
0x5d: {  	s14 =	sadd.s32 s4, s14  }
0x5e: {  	[tilespmem:s23], [sflag:$0x1] =	stream.linear.gather [hbm4b:s14+s3], $0x80, $0x38;
	[tilespmem:$0x1E900] =	vst v63  }
0x5f: {  	_ =	swait.ge [sflag:s30], $0x4000  }
0x60: {  	s14 =	sadd.s32 $0xFFFFFF80, s1;
	[sflag:s30] =	ssyncset.done $0x0  }
0x61: {  	[sflag:s30] =	ssyncadd.s32 $0xFFFFC000  }
0x62: {  	[spmem:s2] =	stream.indirect.scatter.add.f32 [tilespmem:s22], [sflag:$0x5], $0x80, s14, s28, $0xb8;
	[tilespmem:$0x1E900] =	vst v63  }
0x63: {  	_ =	swait.ge [sflag:s21], $0x4000  }
0x64: {  	[sflag:s21] =	ssyncset.done $0x0  }
0x65: {  	s14 =	sand.u32 $0x7C00, s8;
	[sflag:s21] =	ssyncadd.s32 $0xFFFFC000  }
0x66: {  	s8 =	sand.u32 $0x380, s8;
	s14 =	sadd.s32 s7, s14;
	_ =	swait.ge [sflag:s24], $0x80  }
0x67: {  	s14 =	sor.u32 s8, s14;
	s8 =	smov.u32 s17;
	[sflag:s24] =	ssyncset.done $0x0  }
0x68: {  	s14 =	sshrl.u32 s14, $0x3;
	[sflag:s24] =	ssyncadd.s32 $0xFFFFFF80  }
0x69: {  	[tilespmem:s22], [sflag:$0x3] =	stream.indirect.gather [hbm4b:s5+s28], $0x80, s23, s28, $0xb8;
	[tilespmem:$0x1E900] =	vst v63  }
0x6a: {  	s14 =	sadd.s32 s4, s14  }
0x6b: {  	[tilespmem:s25], [sflag:$0x2] =	stream.linear.gather [hbm4b:s14+s3], $0x80, $0x38;
	[tilespmem:$0x1E900] =	vst v63  }
.Ltmp1:
0x6c: {  	_ =	swait.ge [sflag:s31], $0x4000;
	(pc) =	sbr.rel @p0 .LBB2_4-.Ltmp1, $4  }
0x6d: {  	[sflag:s31] =	ssyncset.done $0x0  }
0x6e: {  	[sflag:s31] =	ssyncadd.s32 $0xFFFFC000  }
0x6f: {  	[spmem:s2] =	stream.indirect.scatter.add.f32 [tilespmem:s29], [sflag:$0x5], $0x80, s1, s28, $0xb8;
	[tilespmem:$0x1E900] =	vst v63  }
0x70: {  	s14 =	smov.u32 s15;
	s1 =	sadd.s32 $0x100, s1;
	_ =	swait.ge [sflag:s21], $0x4000  }
0x71: {  	s14 =	sadd.s32 $0xFFFFFF80, s8;
	[sflag:s21] =	ssyncset.done $0x0  }
0x72: {  	s15 =	sand.u32 $0x7C00, s14;
	[sflag:s21] =	ssyncadd.s32 $0xFFFFC000  }
0x73: {  	s14 =	sand.u32 $0x300, s14;
	_ =	swait.ge [sflag:s26], $0x80;
	s15 =	sadd.s32 s7, s15  }
0x74: {  	s14 =	sor.u32 s14, s15;
	[sflag:s26] =	ssyncset.done $0x0  }
0x75: {  	[sflag:s26] =	ssyncadd.s32 $0xFFFFFF80;
	s14 =	sshrl.u32 s14, $0x3  }
0x76: {  	[tilespmem:s29], [sflag:$0x4] =	stream.indirect.gather [hbm4b:s5+s28], $0x80, s25, s28, $0xb8;
	[tilespmem:$0x1E900] =	vst v63  }
0x77: {  	s14 =	sadd.s32 s4, s14  }
0x78: {  	[tilespmem:s23], [sflag:$0x1] =	stream.linear.gather [hbm4b:s14+s3], $0x80, $0x38;
	[tilespmem:$0x1E900] =	vst v63  }
0x79: {  	_ =	swait.ge [sflag:s30], $0x4000  }
0x7a: {  	[sflag:s30] =	ssyncset.done $0x0  }
0x7b: {  	s15 =	sadd.s32 $0xFFFFFF80, s1;
	[sflag:s30] =	ssyncadd.s32 $0xFFFFC000  }
0x7c: {  	[spmem:s2] =	stream.indirect.scatter.add.f32 [tilespmem:s22], [sflag:$0x5], $0x80, s15, s28, $0xb8;
	[tilespmem:$0x1E900] =	vst v63  }
0x7d: {  	_ =	swait.ge [sflag:s21], $0x4000  }
0x7e: {  	[sflag:s21] =	ssyncset.done $0x0  }
0x7f: {  	s16 =	sand.u32 $0x7C00, s8;
	[sflag:s21] =	ssyncadd.s32 $0xFFFFC000  }
0x80: {  	s17 =	sand.u32 $0x380, s8;
	s14 =	sadd.s32 s7, s16;
	_ =	swait.ge [sflag:s24], $0x80  }
0x81: {  	s8 =	sor.u32 s17, s14;
	[sflag:s24] =	ssyncset.done $0x0  }
0x82: {  	s8 =	sshrl.u32 s8, $0x3;
	[sflag:s24] =	ssyncadd.s32 $0xFFFFFF80  }
0x83: {  	[tilespmem:s22], [sflag:$0x3] =	stream.indirect.gather [hbm4b:s5+s28], $0x80, s23, s28, $0xb8;
	[tilespmem:$0x1E900] =	vst v63  }
0x84: {  	s8 =	sadd.s32 s4, s8  }
0x85: {  	[tilespmem:s25], [sflag:$0x2] =	stream.linear.gather [hbm4b:s8+s3], $0x80, $0x38;
	[tilespmem:$0x1E900] =	vst v63  }
0x86: {  	_ =	swait.ge [sflag:s31], $0x4000  }
0x87: {  	[sflag:s31] =	ssyncset.done $0x0  }
0x88: {  	[sflag:s31] =	ssyncadd.s32 $0xFFFFC000  }
0x89: {  	[spmem:s2] =	stream.indirect.scatter.add.f32 [tilespmem:s29], [sflag:$0x5], $0x80, s1, s28, $0xb8;
	[tilespmem:$0x1E900] =	vst v63  }
0x8a: {  	_ =	swait.ge [sflag:s21], $0x4000  }
0x8b: {  	[sflag:s21] =	ssyncset.done $0x0  }
0x8c: {  	[sflag:s21] =	ssyncadd.s32 $0xFFFFC000  }
0x8d: {  	_ =	swait.ge [sflag:s26], $0x80  }
0x8e: {  	[sflag:s26] =	ssyncset.done $0x0  }
0x8f: {  	[sflag:s26] =	ssyncadd.s32 $0xFFFFFF80  }
0x90: {  	[tilespmem:s29], [sflag:$0x4] =	stream.indirect.gather [hbm4b:s5+s28], $0x80, s25, s28, $0xb8;
	[tilespmem:$0x1E900] =	vst v63  }
0x91: {  	_ =	swait.ge [sflag:s30], $0x4000  }
0x92: {  	[sflag:s30] =	ssyncset.done $0x0  }
0x93: {  	s18 =	simm.s32 $0x2700;
	[sflag:s30] =	ssyncadd.s32 $0xFFFFC000  }
0x94: {  	[spmem:s2] =	stream.indirect.scatter.add.f32 [tilespmem:s22], [sflag:$0x5], $0x80, s18, s28, $0xb8;
	[tilespmem:$0x1E900] =	vst v63  }
0x95: {  	_ =	swait.ge [sflag:s21], $0x4000  }
0x96: {  	[sflag:s21] =	ssyncset.done $0x0  }
0x97: {  	[sflag:s21] =	ssyncadd.s32 $0xFFFFC000  }
0x98: {  	_ =	swait.ge [sflag:s31], $0x4000  }
0x99: {  	[sflag:s31] =	ssyncset.done $0x0  }
0x9a: {  	s8 =	simm.s32 $0x2780;
	[sflag:s31] =	ssyncadd.s32 $0xFFFFC000  }
0x9b: {  	[spmem:s2] =	stream.indirect.scatter.add.f32 [tilespmem:s29], [sflag:$0x5], $0x80, s8, s28, $0xb8;
	[tilespmem:$0x1E900] =	vst v63  }
0x9c: {  	_ =	swait.ge [sflag:s21], $0x4000  }
0x9d: {  	[sflag:s21] =	ssyncset.done $0x0  }
0x9e: {  	s14 =	stileid.u32;
	[sflag:s21] =	ssyncadd.s32 $0xFFFFC000  }
0x9f: {  	s1 =	sshll.u32 s14, $0x6;
	[bflag:$0x0] =	sbarrier.arrive $0xFFFF  }
0xa0: {  	s15 =	sshrl.u32 s6, $0x3;
	s1 =	sor.u32 $0x1C05, s1;
	s16 =	rddreg [dreg:$0x5]  }
0xa1: {  	[hbm:s16], [sflag:s1] =	dma.local [spmem:s15], $0x800  }
0xa2: {  	_ =	swait.ge [sflag:s21], $0x800  }
0xa3: {  	[sflag:s21] =	ssyncset.done $0x0  }
0xa4: {  	s17 =	sshrl.u32 s9, $0x3;
	s18 =	rddreg [dreg:$0x6];
	[sflag:s21] =	ssyncadd.s32 $0xFFFFF800  }
0xa5: {  	[hbm:s18], [sflag:s1] =	dma.local [spmem:s17], $0x800  }
0xa6: {  	_ =	swait.ge [sflag:s21], $0x800  }
0xa7: {  	[sflag:s21] =	ssyncset.done $0x0  }
0xa8: {  	s14 =	sshrl.u32 s10, $0x3;
	s15 =	rddreg [dreg:$0x7];
	[sflag:s21] =	ssyncadd.s32 $0xFFFFF800  }
0xa9: {  	[hbm:s15], [sflag:s1] =	dma.local [spmem:s14], $0x800  }
0xaa: {  	_ =	swait.ge [sflag:s21], $0x800  }
0xab: {  	[sflag:s21] =	ssyncset.done $0x0  }
0xac: {  	s16 =	sshrl.u32 s11, $0x3;
	s17 =	rddreg [dreg:$0x8];
	[sflag:s21] =	ssyncadd.s32 $0xFFFFF800  }
0xad: {  	[hbm:s17], [sflag:s1] =	dma.local [spmem:s16], $0x800  }
0xae: {  	s0 =	sadd.s32 $0x1, s0;
	_ =	swait.ge [sflag:s21], $0x800  }
0xaf: {  	p0 =	sne.s32 s0, s20;
	[sflag:s21] =	ssyncset.done $0x0  }
.Ltmp2:
0xb0: {  	s18 =	sshrl.u32 s13, $0x3;
	[sflag:s21] =	ssyncadd.s32 $0xFFFFF800;
	(pc) =	sbr.rel @p0 .LBB2_1-.Ltmp2, $4  }
0xb1: {  	[hbm:s19], [sflag:s1] =	dma.local [spmem:s18], $0x800  }
0xb2: {  	_ =	swait.ge [sflag:s21], $0x800  }
0xb3: {  	[sflag:s21] =	ssyncset.done $0x0  }
0xb4: {  	[sflag:s21] =	ssyncadd.s32 $0xFFFFF800  }
0xb5: {  	_ =	sfence.sel $0x180000  }
0xb6: {  	[bflag:$0x0] =	sbarrier.arrive $0xFFFF  }
0xb7: {  	_ =	strace $0x9000004A  }
0xb8: {  	s0 =	stileid.u32;
	[bflag:$0x2] =	sbarrier.arrive $0xFFFF  }
0xb9: {  	p0 =	sne.s32 s0, $0x0;
	s0 =	rddreg [dreg:$0x2]  }
0xba: {  	s0 =	sadd.s32 @!p0 $0x100000, s0  }
0xbb: {  	[sflag:s0] =	ssyncadd.tile.s32 @!p0 $0x1;
	_ =	shalt  }
.Lfunc_end2:
_tile_overlayer_lowered:
.L_overlay_start_2:
0xbc: {  	(tag) =	ssettag $0x2  }
0xbd: {  	s0 =	rddreg [dreg:$0x0];
	s2 =	stileid.u32  }
0xbe: {  	s1 =	rddreg [dreg:$0x1];
	p0 =	sne.s32 s2, $0x0  }
0xbf: {  	s3 =	rddreg [dreg:$0x2];
	[bflag:$0x3] =	sbarrier.arrive $0xFFFF;
	s2 =	simm.s32 @!p0 $0x1C05  }
0xc0: {  	[timem:s3], [sflag:s2] =	dma.local @!p0 [hbm:s0], s1  }
0xc1: {  	s0 =	simm.s32 @!p0 $0x5  }
0xc2: {  	_ =	swait.ge @!p0 [sflag:s0], s1  }
0xc3: {  	s1 =	ssub.s32 @!p0 $0x0, s1;
	[sflag:s0] =	ssyncset.done @!p0 $0x0  }
0xc4: {  	[sflag:s0] =	ssyncadd.s32 @!p0 s1  }
0xc5: {  	[bflag:$0x3] =	sbarrier.arrive $0xFFFF  }
0xc6: {  	_ =	shalt  }

// kernel: kernel.16.cloned.1.call-start
scs
__scs_entry_jumppad:
0x0: {  	(pc) =	sbr.rel $0x88, $3  }
0x1: {  	(tag) =	ssettag $0x0;
	lr =	simm.s32 $0x1  }
0x2: {  	[smem:$0x3F99] =	sst lr;
	_ =	strace $0xD0000000  }
0x3: {  	_ = 	snop  }
0x4: {  	_ = 	snop  }
0x5: {  	_ = 	snop  }
0x6: {  	_ = 	snop  }
0x7: {  	_ = 	snop  }
__scs_overlays_trampoline_lowered:
0x8: {  	[smem:$0x3FA8] =	sst s0  }
0x9: {  	[smem:$0x3FA9] =	sst s1  }
0xa: {  	[smem:$0x3FAA] =	sst s2  }
0xb: {  	[smem:$0x3FAB] =	sst s3  }
0xc: {  	[smem:$0x3FAC] =	sst s4  }
0xd: {  	[smem:$0x3FAD] =	sst s5  }
0xe: {  	[smem:$0x3FAE] =	sst s6  }
0xf: {  	[smem:$0x3FAF] =	sst s7  }
0x10: {  	[smem:$0x3FB0] =	sst s8  }
0x11: {  	[smem:$0x3FB1] =	sst s9;
	s0 =	simm.s32 @!p0 $0x0  }
0x12: {  	s1 =	sld [smem:$0x3F97];
	s0 =	simm.s32 @p0 $0x1  }
0x13: {  	[smem:$0x3FB2] =	sst s0;
	s0 =	simm.s32 @!p1 $0x0  }
0x14: {  	s2 =	sld [smem:$0x3F96];
	s0 =	simm.s32 @p1 $0x1  }
0x15: {  	[smem:$0x3FB3] =	sst s0;
	s0 =	simm.s32 @!p2 $0x0  }
0x16: {  	s3 =	sld [smem:$0x3FDB];
	s0 =	simm.s32 @p2 $0x1  }
0x17: {  	s4 =	simm.s32 $0x1BF5;
	[smem:$0x3FB5] =	sst s0  }
0x18: {  	s0 =	sld [smem:$0x3F98];
	_ =	swait.ge [sflag:s4], $0x0  }
0x19: {  	s7 =	sld [smem:$0x3F99]  }
0x1a: {  	s8 =	sadd.s32 $0xFFFFE003, lr  }
0x1b: {  	s9 =	sadd.s32 $0xFFFFFEF7, lr;
	s5 =	simm.s32 $0xFFFFFFFF;
	p2 =	slt.u32 s8, $0xFFFFF086  }
0x1c: {  	p1 =	slt.u32 s9, $0xF7A;
	s5 =	simm.s32 @!p2 $0x0  }
0x1d: {  	s5 =	simm.s32 @p1 $0x1;
	p0 =	seq.s32 s7, s2  }
0x1e: {  	s7 =	smul.u32 @!p0 $0xF7A, s2;
	p2 =	seq.s32 @!p0 s5, $0x0  }
0x1f: {  	s9 =	smul.u32 $0xF7A, s1;
	s8 =	simm.s32 @!p0 $0x1BF5;
	p2 =	por !p2, p0  }
0x20: {  	[sflag:s8] =	ssyncset.s32 @!p0 $0xFFFFF086;
	s6 =	sadd.s32 @!p0 s3, s7;
	s7 =	simm.s32 @!p0 $0x108  }
0x21: {  	s3 =	sadd.s32 s3, s9;
	s6 =	sadd.s32 @!p0 $0x88, s6;
	s7 =	simm.s32 @p2 $0x1082  }
0x22: {  	[simem:s7], [sflag:s8] =	dma.local @!p0 [hbm:s6], $0xF7A  }
0x23: {  	s9 =	sor.u32 $0xD0000000, s2;
	s6 =	simm.s32 $0x108;
	_ =	swait.ge @!p0 [sflag:s8], $0x0  }
0x24: {  	s3 =	sadd.s32 $0x88, s3;
	s6 =	simm.s32 @!p1 $0x1082;
	[sflag:s4] =	ssyncset.s32 $0xFFFFF086  }
0x25: {  	[simem:s6], [sflag:s4] =	dma.local [hbm:s3], $0xF7A  }
0x26: {  	[smem:$0x3F99] =	sst s1;
	(tag) =	ssettag s2;
	_ =	strace s9  }
0x27: {  	s1 =	sld [smem:$0x3FA9]  }
0x28: {  	s2 =	sld [smem:$0x3FAA]  }
0x29: {  	s4 =	sld [smem:$0x3FAC]  }
0x2a: {  	p0 =	seq.s32 s5, $0x0;
	s5 =	sld [smem:$0x3FAD]  }
0x2b: {  	s6 =	sld [smem:$0x3FAE]  }
0x2c: {  	s7 =	sld [smem:$0x3FAF]  }
0x2d: {  	s3 =	simm.s32 $0x108;
	s8 =	sld [smem:$0x3FB0]  }
0x2e: {  	s3 =	simm.s32 @!p0 $0x1082;
	s9 =	sld [smem:$0x3FB1]  }
0x2f: {  	lr =	sadd.s32 s0, s3;
	s0 =	sld [smem:$0x3FA8]  }
0x30: {  	s3 =	sld [smem:$0x3FAB]  }
0x31: {  	[smem:$0x3FB4] =	sst s10  }
0x32: {  	s10 =	sld [smem:$0x3FB2];
	_ =	sdelay $0x3  }
0x33: {  	p0 =	seq.s32 s10, $0x1;
	s10 =	sld [smem:$0x3FB4];
	_ =	sdelay $0x3  }
0x34: {  	[smem:$0x3FB4] =	sst s10  }
0x35: {  	s10 =	sld [smem:$0x3FB3];
	_ =	sdelay $0x3  }
0x36: {  	p1 =	seq.s32 s10, $0x1;
	s10 =	sld [smem:$0x3FB4];
	_ =	sdelay $0x3  }
0x37: {  	[smem:$0x3FB4] =	sst s10  }
0x38: {  	s10 =	sld [smem:$0x3FB5]  }
0x39: {  	_ = 	snop;
	(pc) =	sbr.ind lr, $3  }
0x3a: {  	_ = 	snop  }
0x3b: {  	_ = 	snop  }
0x3c: {  	p2 =	seq.s32 s10, $0x1;
	s10 =	sld [smem:$0x3FB4]  }
0x3d: {  	_ =	shalt  }
0x3e: {  	_ =	shalt  }
0x3f: {  	_ =	shalt  }
0x40: {  	_ =	shalt  }
0x41: {  	_ =	shalt  }
0x42: {  	_ =	shalt  }
0x43: {  	_ =	shalt  }
0x44: {  	_ =	shalt  }
0x45: {  	_ =	shalt  }
0x46: {  	_ =	shalt  }
0x47: {  	_ =	shalt  }
0x48: {  	_ =	shalt  }
0x49: {  	_ =	shalt  }
0x4a: {  	_ =	shalt  }
0x4b: {  	_ =	shalt  }
0x4c: {  	_ =	shalt  }
0x4d: {  	_ =	shalt  }
0x4e: {  	_ =	shalt  }
0x4f: {  	_ =	shalt  }
0x50: {  	_ =	shalt  }
0x51: {  	_ =	shalt  }
0x52: {  	_ =	shalt  }
0x53: {  	_ =	shalt  }
0x54: {  	_ =	shalt  }
0x55: {  	_ =	shalt  }
0x56: {  	_ =	shalt  }
0x57: {  	_ =	shalt  }
0x58: {  	_ =	shalt  }
0x59: {  	_ =	shalt  }
0x5a: {  	_ =	shalt  }
0x5b: {  	_ =	shalt  }
0x5c: {  	_ =	shalt  }
0x5d: {  	_ =	shalt  }
0x5e: {  	_ =	shalt  }
0x5f: {  	_ =	shalt  }
0x60: {  	_ =	shalt  }
0x61: {  	_ =	shalt  }
0x62: {  	_ =	shalt  }
0x63: {  	_ =	shalt  }
0x64: {  	_ =	shalt  }
0x65: {  	_ =	shalt  }
0x66: {  	_ =	shalt  }
0x67: {  	_ =	shalt  }
0x68: {  	_ =	shalt  }
0x69: {  	_ =	shalt  }
0x6a: {  	_ =	shalt  }
0x6b: {  	_ =	shalt  }
0x6c: {  	_ =	shalt  }
0x6d: {  	_ =	shalt  }
0x6e: {  	_ =	shalt  }
0x6f: {  	_ =	shalt  }
0x70: {  	_ =	shalt  }
0x71: {  	_ =	shalt  }
0x72: {  	_ =	shalt  }
0x73: {  	_ =	shalt  }
0x74: {  	_ =	shalt  }
0x75: {  	_ =	shalt  }
0x76: {  	_ =	shalt  }
0x77: {  	_ =	shalt  }
0x78: {  	_ =	shalt  }
0x79: {  	_ =	shalt  }
0x7a: {  	_ =	shalt  }
0x7b: {  	_ =	shalt  }
0x7c: {  	_ =	shalt  }
0x7d: {  	_ =	shalt  }
0x7e: {  	_ =	shalt  }
0x7f: {  	_ =	shalt  }
0x80: {  	_ =	shalt  }
0x81: {  	_ =	shalt  }
0x82: {  	_ =	shalt  }
0x83: {  	_ =	shalt  }
0x84: {  	_ =	shalt  }
0x85: {  	_ =	shalt  }
0x86: {  	_ =	shalt  }
0x87: {  	_ =	shalt  }
.Lfunc_end0:
.L_simem_size_0:
called_computation.2_lowered:
.L_overlay_start_0:
0x88: {  	s2 =	sld [smem:$0x3FD9]  }
0x89: {  	s3 =	sld [smem:$0x3FFE];
	_ =	sdelay $0x1  }
0x8a: {  	s1 =	srdreg.scid  }
0x8b: {  	s0 =	sand.u32 $0x1, s1  }
0x8c: {  	s16 =	sshll.u32 s0, $0xA;
	s2 =	sadd.s32 s3, s2  }
0x8d: {  	s2 =	sadd.s32 s2, s16  }
0x8e: {  	[smem:$0x3FC0] =	sst s2  }
0x8f: {  	_ = 	snop  }
0x90: {  	(tm) =	ssettm $0x1  }
0x91: {  	s17 =	sld [smem:$0x3FFB];
	_ =	sdelay $0x3  }
0x92: {  	_ =	strace s17  }
0x93: {  	s2 =	sld [smem:$0x3FFC];
	_ =	sdelay $0x3  }
0x94: {  	_ =	strace s2  }
0x95: {  	s2 =	sld [smem:$0x3FFD];
	_ =	sdelay $0x3  }
0x96: {  	_ =	strace s2  }
0x97: {  	_ =	strace $0x8FFFFFFF  }
0x98: {  	s18 =	sld [smem:$0x3FDB];
	_ =	sdelay $0x1  }
0x99: {  	s19 =	simm.s32 $_scs_section_size  }
0x9a: {  	s4 =	simm.s32 $_size__tile_overlayer_lowered;
	s5 =	simm.s32 $_tile_overlayer_lowered  }
0x9b: {  	s22 =	simm.s32 $0x1BFF;
	s21 =	sshll.u32 s5, $0x1;
	s2 =	sadd.s32 s19, s18  }
0x9c: {  	s6 =	simm.s32 $0x0;
	s20 =	sshll.u32 s4, $0x1;
	s4 =	sadd.s32 s21, s2  }
0x9d: {  	[timem:s6], [sflag:s22] =	dma.local [hbm:s4], s20  }
0x9e: {  	_ =	swait.ge [sflag:s22], s20  }
0x9f: {  	s3 =	ssub.s32 $0x0, s20;
	[sflag:s22] =	ssyncset.done $0x0  }
0xa0: {  	[sflag:s22] =	ssyncadd.s32 s3;
	_ =	sdelay $0x1  }
0xa1: {  	s23 =	simm.s32 $0x1B8B  }
0xa2: {  	_ =	swait.ge [sflag:s23], $0x1  }
0xa3: {  	[sflag:s23] =	ssyncset.done $0x0  }
0xa4: {  	s25 =	simm.s32 $0x1B8E;
	s24 =	sld [smem:$0x3FFE];
	[sflag:s23] =	ssyncadd.s32 $0xFFFFFFFF  }
0xa5: {  	s26 =	simm.s32 $execute0_lowered;
	[smem:$0x3FD2] =	sst s25  }
0xa6: {  	s4 =	sshll.u32 s26, $0x1;
	_ =	strace $0x8000004C;
	[dreg:$0x1] =	wrdreg $0xFFFFFFFF  }
0xa7: {  	s28 =	simm.s32 $_size_execute0_lowered;
	s2 =	sadd.s32 s2, s4;
	[dreg:$0x0] =	wrdreg $0x0  }
0xa8: {  	s4 =	sshll.u32 s28, $0x1;
	[dreg:$0x2] =	wrdreg s2  }
0xa9: {  	[dreg:$0x3] =	wrdreg s4  }
0xaa: {  	[dreg:$0x4] =	wrdreg $0xC0  }
0xab: {  	_ =	task [dreg:s6], $0x5FFFF  }
0xac: {  	[dreg:$0x1] =	wrdreg $0xFFFFFFFF  }
0xad: {  	[dreg:$0x0] =	wrdreg $0x60  }
0xae: {  	[dreg:$0x2] =	wrdreg s24  }
0xaf: {  	[dreg:$0x3] =	wrdreg $0xA9000  }
0xb0: {  	[dreg:$0x4] =	wrdreg $0x9  }
0xb1: {  	_ =	task.clear_ibuf [dreg:s6], $0x5FFFF;
	_ =	strace $0x9000004C  }
0xb2: {  	s29 =	simm.s32 $0x9;
	_ =	strace $0x8000004E  }
0xb3: {  	_ =	swait.ge [sflag:s29], $0x1  }
0xb4: {  	[sflag:s29] =	ssyncadd.s32 $0xFFFFFFFF  }
0xb5: {  	_ =	strace $0x9000004E  }
0xb6: {  	_ =	sfence  }
0xb7: {  	s30 =	sld [smem:$0x0];
	_ =	sdelay $0x2  }
0xb8: {  	s31 =	sshll.u32 s1, $0xD;
	s1 =	sshrl.u32 s1, $0x2  }
0xb9: {  	s3 =	sand.u32 $0x4000, s31;
	s1 =	sadd.s32 s1, s30  }
0xba: {  	s0 =	sor.u32 s3, s0;
	s1 =	sshll.u32 s1, $0x11  }
0xbb: {  	s0 =	sor.u32 s1, s0  }
0xbc: {  	s0 =	sadd.s32 $0x8F2B, s0  }
0xbd: {  	[sflag:s0] =	ssyncadd.remote.s32 $0x1  }
0xbe: {  	_ =	sfence.sel $0xFFFF  }
0xbf: {  	[dreg:$0x0] =	wrdreg $0xFFFFFFFF;
	(pc) =	sbr.abs _section_cstart, $3  }
0xc0: {  	[dreg:$0x1] =	wrdreg $0xFFFFFFFF  }
0xc1: {  	_ =	task.clear_ibuf [dreg:s6], $0x2FFFF;
	_ =	strace $0x9FFFFFFF  }
0xc2: {  	(tm) =	ssettm $0x7FFFFFFF  }
0xc3: {  	_ =	shalt  }
tec
execute0_lowered:
.L_overlay_start_1:
0x0: {  	(tag) =	ssettag $0x1  }
0x1: {  	s0 =	rddreg [dreg:$0x0]  }
0x2: {  	s2 =	rddreg [dreg:$0x1]  }
0x3: {  	s3 =	simm.s32 $0x0;
	s11 =	stileid.u32;
	s5 =	srdreg.scid  }
0x4: {  	s30 =	simm.s32 $0x5;
	s31 =	simm.s32 $0x2900;
	s1 =	smul.u32 $0x2800, s11  }
0x5: {  	[smem:$0x7FF] =	sst s3;
	s4 =	sadd.s32 $0x5C200, s0;
	s9 =	smul.u32 $0x50000, s11  }
0x6: {  	s8 =	sand.u32 $0x1, s5;
	s13 =	sadd.s32 $0x110200, s0;
	s15 =	smul.u32 $0x280, s11  }
0x7: {  	s5 =	sadd.s32 $0x70200, s0;
	_ =	strace $0x8000004D;
	s28 =	smul.u32 $0x50000, s8  }
0x8: {  	s7 =	ssub.s32 $0x2, s8;
	s16 =	smul.u32 $0x5000, s8;
	s8 =	sshllo.u32 s8, $0x1  }
0x9: {  	s6 =	sshrl.u32 s1, $0x3;
	s10 =	sshrl.u32 s7, $0x1;
	s26 =	sshrl.u32 s9, $0x2  }
0xa: {  	s6 =	sadd.s32 s6, s0;
	s14 =	ssub.s32 s7, s10;
	s7 =	sadd.s32 s26, s2  }
0xb: {  	s29 =	smul.u32 $0x28000, s8;
	s6 =	sadd.s32 $0x2200, s6;
	[dreg:$0x4] =	wrdreg s7  }
0xc: {  	s8 =	smul.u32 $0x2800, s8;
	s12 =	sadd.s32 $0x10000, s7;
	[dreg:$0x3] =	wrdreg s6  }
0xd: {  	s16 =	sadd.s32 s15, s16;
	s26 =	smax.u32 s14, $0x1;
	[dreg:$0x7] =	wrdreg s12  }
0xe: {  	s0 =	sadd.s32 $0x5C210, s0;
	s10 =	sadd.s32 $0x8000, s7;
	[dreg:$0x13] =	wrdreg s26  }
0xf: {  	s11 =	sadd.s32 $0xC000, s7;
	s16 =	sshll.u32 s16, $0x4;
	[dreg:$0x5] =	wrdreg s10  }
0x10: {  	s9 =	sadd.s32 $0x4000, s7;
	s16 =	sadd.s32 s13, s16;
	[dreg:$0x6] =	wrdreg s11  }
0x11: {  	s21 =	sadd.s32 s15, s8;
	s18 =	sadd.s32 $0x800, s16;
	[dreg:$0x9] =	wrdreg s16  }
0x12: {  	s15 =	simm.s32 $0x80;
	s19 =	sadd.s32 $0x1000, s16;
	[dreg:$0xb] =	wrdreg s18  }
0x13: {  	s12 =	sadd.s32 s1, s28;
	s20 =	sadd.s32 $0x1800, s16;
	[dreg:$0xc] =	wrdreg s19  }
0x14: {  	s6 =	sshrl.u32 s12, $0x3;
	s22 =	sadd.s32 $0x2000, s16;
	[dreg:$0xd] =	wrdreg s20  }
0x15: {  	s17 =	sadd.s32 s4, s6;
	s6 =	sadd.s32 s6, s0;
	[dreg:$0xe] =	wrdreg s22  }
0x16: {  	s19 =	sadd.s32 s1, s29;
	s1 =	sshll.u32 s21, $0x4;
	[dreg:$0x8] =	wrdreg s17  }
0x17: {  	[dreg:$0xa] =	wrdreg s6;
	s23 =	sshrl.u32 s19, $0x3;
	s25 =	sadd.s32 s13, s1  }
0x18: {  	s16 =	simm.s32 $0x6900;
	s0 =	sadd.s32 s23, s0;
	[dreg:$0x11] =	wrdreg s25  }
0x19: {  	s18 =	simm.s32 $0x4;
	s24 =	sadd.s32 s4, s23;
	[dreg:$0xf] =	wrdreg s0  }
0x1a: {  	s22 =	simm.s32 $0x0;
	s1 =	sadd.s32 $0x800, s25;
	[dreg:$0x10] =	wrdreg s24  }
0x1b: {  	s6 =	simm.s32 $0x2880;
	s28 =	sadd.s32 $0x1000, s25;
	[dreg:$0x12] =	wrdreg s1  }
0x1c: {  	s13 =	simm.s32 $0x2;
	s29 =	sadd.s32 $0x1800, s25;
	[dreg:$0x14] =	wrdreg s28  }
0x1d: {  	s17 =	simm.s32 $0x3;
	[dreg:$0x15] =	wrdreg s29;
	s0 =	sadd.s32 $0x2000, s25  }
0x1e: {  	v0 =	vimm.f32 $0.0e+00;
	s1 =	simm.s32 $0x1;
	[dreg:$0x16] =	wrdreg s0;
	s0 =	simm.s32 $0x2800  }
.LBB2_1:
0x1f: {  	s8 =	rddreg [dreg:$0x3]  }
0x20: {  	[tilespmem:s3], [sflag:$0x5] =	stream.linear.gather [hbm4b:s8+s3], $0x2800, $0x38;
	[tilespmem:$0x1E900] =	vst v63  }
0x21: {  	s29 =	sand.u32 $0xFE00, s3;
	s20 =	sand.u32 $0x70, s3;
	_ =	swait.ge [sflag:s30], $0x2800  }
0x22: {  	s14 =	simm.s32 $0x40;
	s8 =	sshrl.u32 s29, $0x2;
	[sflag:s30] =	ssyncset.done $0x0  }
0x23: {  	s8 =	sor.u32 s20, s8;
	s20 =	simm.s32 $0x0;
	[sflag:s30] =	ssyncadd.s32 $0xFFFFD800  }
.LBB2_2:
0x24: {  	p0 =	sne.s32 s14, $0xFFC0  }
0x25: {  	[tilespmem:s8+$0x2900] =	vst v0;
	s20 =	sadd.s32 $0x10, s20;
	s8 =	smov.u32 s14;
	s14 =	sadd.s32 $0x40, s14  }
.Ltmp0:
0x26: {  	(pc) =	sbr.rel @p0 .LBB2_2-.Ltmp0, $4  }
0x27: {  	_ = 	snop  }
0x28: {  	s8 =	sand.u32 $0xFE00, s8  }
0x29: {  	s21 =	sand.u32 $0x70, s20;
	s8 =	sshrl.u32 s8, $0x2  }
0x2a: {  	s8 =	sor.u32 s21, s8  }
0x2b: {  	[tilespmem:s8+$0x2900] =	vst v0  }
0x2c: {  	[spmem:s7] =	stream.linear.scatter [tilespmem:s31], [sflag:$0x5], $0x4000, $0x38;
	[tilespmem:$0x1E900] =	vst v63  }
0x2d: {  	_ =	swait.ge [sflag:s30], $0x4000  }
0x2e: {  	[sflag:s30] =	ssyncset.done $0x0  }
0x2f: {  	[sflag:s30] =	ssyncadd.s32 $0xFFFFC000  }
0x30: {  	[spmem:s9] =	stream.linear.scatter [tilespmem:s31], [sflag:$0x5], $0x4000, $0x38;
	[tilespmem:$0x1E900] =	vst v63  }
0x31: {  	_ =	swait.ge [sflag:s30], $0x4000  }
0x32: {  	[sflag:s30] =	ssyncset.done $0x0  }
0x33: {  	[sflag:s30] =	ssyncadd.s32 $0xFFFFC000  }
0x34: {  	[spmem:s10] =	stream.linear.scatter [tilespmem:s31], [sflag:$0x5], $0x4000, $0x38;
	[tilespmem:$0x1E900] =	vst v63  }
0x35: {  	_ =	swait.ge [sflag:s30], $0x4000  }
0x36: {  	[sflag:s30] =	ssyncset.done $0x0  }
0x37: {  	[sflag:s30] =	ssyncadd.s32 $0xFFFFC000  }
0x38: {  	[spmem:s11] =	stream.linear.scatter [tilespmem:s31], [sflag:$0x5], $0x4000, $0x38;
	[tilespmem:$0x1E900] =	vst v63  }
0x39: {  	_ =	swait.ge [sflag:s30], $0x4000  }
0x3a: {  	[sflag:s30] =	ssyncset.done $0x0  }
0x3b: {  	s21 =	rddreg [dreg:$0x7];
	[sflag:s30] =	ssyncadd.s32 $0xFFFFC000  }
0x3c: {  	[spmem:s21] =	stream.linear.scatter [tilespmem:s31], [sflag:$0x5], $0x4000, $0x38;
	[tilespmem:$0x1E900] =	vst v63  }
0x3d: {  	_ =	swait.ge [sflag:s30], $0x4000  }
0x3e: {  	[sflag:s30] =	ssyncset.done $0x0  }
0x3f: {  	[sflag:s30] =	ssyncadd.s32 $0xFFFFC000  }
0x40: {  	[bflag:$0x0] =	sbarrier.arrive $0xFFFF  }
0x41: {  	s23 =	rddreg [dreg:$0x8]  }
0x42: {  	[tilespmem:s0], [sflag:$0x1] =	stream.linear.gather [hbm4b:s23+s3], $0x80, $0x38;
	[tilespmem:$0x1E900] =	vst v63  }
0x43: {  	_ =	swait.ge [sflag:s1], $0x80  }
0x44: {  	[sflag:s1] =	ssyncset.done $0x0  }
0x45: {  	s24 =	simm.s32 $0x80;
	s25 =	simm.s32 $0x100;
	[sflag:s1] =	ssyncadd.s32 $0xFFFFFF80  }
0x46: {  	[tilespmem:s31], [sflag:$0x3] =	stream.indirect.gather [hbm4b:s5+s24], $0x80, s0, s24, $0xb8;
	[tilespmem:$0x1E900] =	vst v63  }
0x47: {  	s20 =	sand.u32 $0x7C00, s25;
	s14 =	rddreg [dreg:$0xa]  }
0x48: {  	[tilespmem:s6], [sflag:$0x2] =	stream.linear.gather [hbm4b:s14+s3], $0x80, $0x38;
	[tilespmem:$0x1E900] =	vst v63  }
0x49: {  	s20 =	sadd.s32 s12, s20;
	s14 =	sand.u32 $0x300, s25;
	_ =	swait.ge [sflag:s13], $0x80  }
0x4a: {  	s14 =	sor.u32 s14, s20;
	[sflag:s13] =	ssyncset.done $0x0  }
0x4b: {  	s14 =	sshrl.u32 s14, $0x3;
	[sflag:s13] =	ssyncadd.s32 $0xFFFFFF80  }
0x4c: {  	[tilespmem:s16], [sflag:$0x4] =	stream.indirect.gather [hbm4b:s5+s15], $0x80, s6, s15, $0xb8;
	[tilespmem:$0x1E900] =	vst v63  }
0x4d: {  	s14 =	sadd.s32 s4, s14  }
0x4e: {  	[tilespmem:s0], [sflag:$0x1] =	stream.linear.gather [hbm4b:s14+s3], $0x80, $0x38;
	[tilespmem:$0x1E900] =	vst v63  }
0x4f: {  	_ =	swait.ge [sflag:s17], $0x4000  }
0x50: {  	[sflag:s17] =	ssyncset.done $0x0  }
0x51: {  	s26 =	simm.s32 $0x0;
	[sflag:s17] =	ssyncadd.s32 $0xFFFFC000  }
0x52: {  	[spmem:s2] =	stream.indirect.scatter.add.f32 [tilespmem:s31], [sflag:$0x5], $0x80, s26, s15, $0xb8;
	[tilespmem:$0x1E900] =	vst v63  }
0x53: {  	_ =	swait.ge [sflag:s30], $0x4000  }
0x54: {  	s28 =	simm.s32 $0x180;
	[sflag:s30] =	ssyncset.done $0x0  }
0x55: {  	s29 =	sand.u32 $0x7C00, s28;
	[sflag:s30] =	ssyncadd.s32 $0xFFFFC000  }
0x56: {  	s20 =	sadd.s32 s12, s29;
	s14 =	sand.u32 $0x380, s28;
	_ =	swait.ge [sflag:s1], $0x80  }
0x57: {  	s14 =	sor.u32 s14, s20;
	[sflag:s1] =	ssyncset.done $0x0  }
0x58: {  	s14 =	sshrl.u32 s14, $0x3;
	[sflag:s1] =	ssyncadd.s32 $0xFFFFFF80  }
0x59: {  	[tilespmem:s31], [sflag:$0x3] =	stream.indirect.gather [hbm4b:s5+s15], $0x80, s0, s15, $0xb8;
	[tilespmem:$0x1E900] =	vst v63  }
0x5a: {  	s14 =	sadd.s32 s4, s14  }
0x5b: {  	[tilespmem:s6], [sflag:$0x2] =	stream.linear.gather [hbm4b:s14+s3], $0x80, $0x38;
	[tilespmem:$0x1E900] =	vst v63  }
0x5c: {  	_ =	swait.ge [sflag:s18], $0x4000  }
0x5d: {  	[sflag:s18] =	ssyncset.done $0x0  }
0x5e: {  	s21 =	simm.s32 $0x280;
	[sflag:s18] =	ssyncadd.s32 $0xFFFFC000  }
0x5f: {  	[spmem:s2] =	stream.indirect.scatter.add.f32 [tilespmem:s16], [sflag:$0x5], $0x80, s24, s15, $0xb8;
	[tilespmem:$0x1E900] =	vst v63  }
0x60: {  	s23 =	simm.s32 $0x380;
	s20 =	simm.s32 $0x180;
	_ =	swait.ge [sflag:s30], $0x4000  }
.LBB2_4:
0x61: {  	s8 =	sadd.s32 $0xFFFFFF80, s21  }
0x62: {  	[sflag:s30] =	ssyncset.done $0x0;
	s24 =	smov.u32 s23;
	s14 =	sadd.s32 $0x100, s23  }
0x63: {  	s25 =	sand.u32 $0x7C00, s8;
	s8 =	sand.u32 $0x300, s8;
	[sflag:s30] =	ssyncadd.s32 $0xFFFFC000  }
0x64: {  	p0 =	sne.s32 s23, $0x2780;
	_ =	swait.ge [sflag:s13], $0x80;
	s23 =	sadd.s32 s12, s25  }
0x65: {  	[sflag:s13] =	ssyncset.done $0x0;
	s8 =	sor.u32 s8, s23  }
0x66: {  	[sflag:s13] =	ssyncadd.s32 $0xFFFFFF80;
	s8 =	sshrl.u32 s8, $0x3  }
0x67: {  	[tilespmem:s16], [sflag:$0x4] =	stream.indirect.gather [hbm4b:s5+s15], $0x80, s6, s15, $0xb8;
	[tilespmem:$0x1E900] =	vst v63  }
0x68: {  	s8 =	sadd.s32 s4, s8  }
0x69: {  	[tilespmem:s0], [sflag:$0x1] =	stream.linear.gather [hbm4b:s8+s3], $0x80, $0x38;
	[tilespmem:$0x1E900] =	vst v63  }
0x6a: {  	_ =	swait.ge [sflag:s17], $0x4000  }
0x6b: {  	s8 =	sadd.s32 $0xFFFFFF80, s20;
	[sflag:s17] =	ssyncset.done $0x0  }
0x6c: {  	[sflag:s17] =	ssyncadd.s32 $0xFFFFC000  }
0x6d: {  	[spmem:s2] =	stream.indirect.scatter.add.f32 [tilespmem:s31], [sflag:$0x5], $0x80, s8, s15, $0xb8;
	[tilespmem:$0x1E900] =	vst v63  }
0x6e: {  	_ =	swait.ge [sflag:s30], $0x4000  }
0x6f: {  	[sflag:s30] =	ssyncset.done $0x0  }
0x70: {  	s8 =	sand.u32 $0x7C00, s21;
	[sflag:s30] =	ssyncadd.s32 $0xFFFFC000  }
0x71: {  	s21 =	sand.u32 $0x380, s21;
	s8 =	sadd.s32 s12, s8;
	_ =	swait.ge [sflag:s1], $0x80  }
0x72: {  	s8 =	sor.u32 s21, s8;
	s21 =	smov.u32 s24;
	[sflag:s1] =	ssyncset.done $0x0  }
0x73: {  	s8 =	sshrl.u32 s8, $0x3;
	[sflag:s1] =	ssyncadd.s32 $0xFFFFFF80  }
0x74: {  	[tilespmem:s31], [sflag:$0x3] =	stream.indirect.gather [hbm4b:s5+s15], $0x80, s0, s15, $0xb8;
	[tilespmem:$0x1E900] =	vst v63  }
0x75: {  	s8 =	sadd.s32 s4, s8  }
0x76: {  	[tilespmem:s6], [sflag:$0x2] =	stream.linear.gather [hbm4b:s8+s3], $0x80, $0x38;
	[tilespmem:$0x1E900] =	vst v63  }
.Ltmp1:
0x77: {  	_ =	swait.ge [sflag:s18], $0x4000;
	(pc) =	sbr.rel @p0 .LBB2_4-.Ltmp1, $4  }
0x78: {  	[sflag:s18] =	ssyncset.done $0x0  }
0x79: {  	[sflag:s18] =	ssyncadd.s32 $0xFFFFC000  }
0x7a: {  	[spmem:s2] =	stream.indirect.scatter.add.f32 [tilespmem:s16], [sflag:$0x5], $0x80, s20, s15, $0xb8;
	[tilespmem:$0x1E900] =	vst v63  }
0x7b: {  	s23 =	smov.u32 s14;
	s20 =	sadd.s32 $0x100, s20;
	_ =	swait.ge [sflag:s30], $0x4000  }
0x7c: {  	s8 =	sadd.s32 $0xFFFFFF80, s21;
	[sflag:s30] =	ssyncset.done $0x0  }
0x7d: {  	s14 =	sand.u32 $0x7C00, s8;
	[sflag:s30] =	ssyncadd.s32 $0xFFFFC000  }
0x7e: {  	s8 =	sand.u32 $0x300, s8;
	_ =	swait.ge [sflag:s13], $0x80;
	s14 =	sadd.s32 s12, s14  }
0x7f: {  	[sflag:s13] =	ssyncset.done $0x0;
	s8 =	sor.u32 s8, s14  }
0x80: {  	[sflag:s13] =	ssyncadd.s32 $0xFFFFFF80;
	s8 =	sshrl.u32 s8, $0x3  }
0x81: {  	[tilespmem:s16], [sflag:$0x4] =	stream.indirect.gather [hbm4b:s5+s15], $0x80, s6, s15, $0xb8;
	[tilespmem:$0x1E900] =	vst v63  }
0x82: {  	s8 =	sadd.s32 s4, s8  }
0x83: {  	[tilespmem:s0], [sflag:$0x1] =	stream.linear.gather [hbm4b:s8+s3], $0x80, $0x38;
	[tilespmem:$0x1E900] =	vst v63  }
0x84: {  	_ =	swait.ge [sflag:s17], $0x4000  }
0x85: {  	[sflag:s17] =	ssyncset.done $0x0  }
0x86: {  	s26 =	sadd.s32 $0xFFFFFF80, s20;
	[sflag:s17] =	ssyncadd.s32 $0xFFFFC000  }
0x87: {  	[spmem:s2] =	stream.indirect.scatter.add.f32 [tilespmem:s31], [sflag:$0x5], $0x80, s26, s15, $0xb8;
	[tilespmem:$0x1E900] =	vst v63  }
0x88: {  	_ =	swait.ge [sflag:s30], $0x4000  }
0x89: {  	[sflag:s30] =	ssyncset.done $0x0  }
0x8a: {  	s14 =	sand.u32 $0x7C00, s21;
	[sflag:s30] =	ssyncadd.s32 $0xFFFFC000  }
0x8b: {  	s21 =	sand.u32 $0x380, s21;
	s8 =	sadd.s32 s12, s14;
	_ =	swait.ge [sflag:s1], $0x80  }
0x8c: {  	s8 =	sor.u32 s21, s8;
	[sflag:s1] =	ssyncset.done $0x0  }
0x8d: {  	s8 =	sshrl.u32 s8, $0x3;
	[sflag:s1] =	ssyncadd.s32 $0xFFFFFF80  }
0x8e: {  	[tilespmem:s31], [sflag:$0x3] =	stream.indirect.gather [hbm4b:s5+s15], $0x80, s0, s15, $0xb8;
	[tilespmem:$0x1E900] =	vst v63  }
0x8f: {  	s8 =	sadd.s32 s4, s8  }
0x90: {  	[tilespmem:s6], [sflag:$0x2] =	stream.linear.gather [hbm4b:s8+s3], $0x80, $0x38;
	[tilespmem:$0x1E900] =	vst v63  }
0x91: {  	_ =	swait.ge [sflag:s18], $0x4000  }
0x92: {  	[sflag:s18] =	ssyncset.done $0x0  }
0x93: {  	[sflag:s18] =	ssyncadd.s32 $0xFFFFC000  }
0x94: {  	[spmem:s2] =	stream.indirect.scatter.add.f32 [tilespmem:s16], [sflag:$0x5], $0x80, s20, s15, $0xb8;
	[tilespmem:$0x1E900] =	vst v63  }
0x95: {  	_ =	swait.ge [sflag:s30], $0x4000  }
0x96: {  	[sflag:s30] =	ssyncset.done $0x0  }
0x97: {  	[sflag:s30] =	ssyncadd.s32 $0xFFFFC000  }
0x98: {  	_ =	swait.ge [sflag:s13], $0x80  }
0x99: {  	[sflag:s13] =	ssyncset.done $0x0  }
0x9a: {  	[sflag:s13] =	ssyncadd.s32 $0xFFFFFF80  }
0x9b: {  	[tilespmem:s16], [sflag:$0x4] =	stream.indirect.gather [hbm4b:s5+s15], $0x80, s6, s15, $0xb8;
	[tilespmem:$0x1E900] =	vst v63  }
0x9c: {  	_ =	swait.ge [sflag:s17], $0x4000  }
0x9d: {  	[sflag:s17] =	ssyncset.done $0x0  }
0x9e: {  	s23 =	simm.s32 $0x2700;
	[sflag:s17] =	ssyncadd.s32 $0xFFFFC000  }
0x9f: {  	[spmem:s2] =	stream.indirect.scatter.add.f32 [tilespmem:s31], [sflag:$0x5], $0x80, s23, s15, $0xb8;
	[tilespmem:$0x1E900] =	vst v63  }
0xa0: {  	_ =	swait.ge [sflag:s30], $0x4000  }
0xa1: {  	[sflag:s30] =	ssyncset.done $0x0  }
0xa2: {  	[sflag:s30] =	ssyncadd.s32 $0xFFFFC000  }
0xa3: {  	_ =	swait.ge [sflag:s18], $0x4000  }
0xa4: {  	[sflag:s18] =	ssyncset.done $0x0  }
0xa5: {  	s24 =	simm.s32 $0x2780;
	[sflag:s18] =	ssyncadd.s32 $0xFFFFC000  }
0xa6: {  	[spmem:s2] =	stream.indirect.scatter.add.f32 [tilespmem:s16], [sflag:$0x5], $0x80, s24, s15, $0xb8;
	[tilespmem:$0x1E900] =	vst v63  }
0xa7: {  	_ =	swait.ge [sflag:s30], $0x4000  }
0xa8: {  	[sflag:s30] =	ssyncset.done $0x0  }
0xa9: {  	s25 =	stileid.u32;
	[sflag:s30] =	ssyncadd.s32 $0xFFFFC000  }
0xaa: {  	s8 =	sshll.u32 s25, $0x6;
	[bflag:$0x0] =	sbarrier.arrive $0xFFFF  }
0xab: {  	s25 =	sshrl.u32 s7, $0x3;
	s24 =	sor.u32 $0x1C05, s8;
	s26 =	rddreg [dreg:$0x9]  }
0xac: {  	[hbm:s26], [sflag:s24] =	dma.local [spmem:s25], $0x800  }
0xad: {  	_ =	swait.ge [sflag:s30], $0x800  }
0xae: {  	[sflag:s30] =	ssyncset.done $0x0  }
0xaf: {  	s26 =	sshrl.u32 s9, $0x3;
	s14 =	rddreg [dreg:$0xb];
	[sflag:s30] =	ssyncadd.s32 $0xFFFFF800  }
0xb0: {  	[hbm:s14], [sflag:s24] =	dma.local [spmem:s26], $0x800  }
0xb1: {  	_ =	swait.ge [sflag:s30], $0x800  }
0xb2: {  	[sflag:s30] =	ssyncset.done $0x0  }
0xb3: {  	s28 =	sshrl.u32 s10, $0x3;
	s20 =	rddreg [dreg:$0xc];
	[sflag:s30] =	ssyncadd.s32 $0xFFFFF800  }
0xb4: {  	[hbm:s20], [sflag:s24] =	dma.local [spmem:s28], $0x800  }
0xb5: {  	_ =	swait.ge [sflag:s30], $0x800  }
0xb6: {  	[sflag:s30] =	ssyncset.done $0x0  }
0xb7: {  	s29 =	sshrl.u32 s11, $0x3;
	s21 =	rddreg [dreg:$0xd];
	[sflag:s30] =	ssyncadd.s32 $0xFFFFF800  }
0xb8: {  	[hbm:s21], [sflag:s24] =	dma.local [spmem:s29], $0x800  }
0xb9: {  	_ =	swait.ge [sflag:s30], $0x800  }
0xba: {  	[sflag:s30] =	ssyncset.done $0x0;
	s23 =	rddreg [dreg:$0x7]  }
0xbb: {  	s14 =	rddreg [dreg:$0xe];
	[sflag:s30] =	ssyncadd.s32 $0xFFFFF800;
	s20 =	sshrl.u32 s23, $0x3  }
0xbc: {  	[hbm:s14], [sflag:s24] =	dma.local [spmem:s20], $0x800  }
0xbd: {  	s14 =	simm.s32 $0x0;
	_ =	swait.ge [sflag:s30], $0x800  }
0xbe: {  	s21 =	sand.u32 $0xFE00, s14;
	[sflag:s30] =	ssyncset.done $0x0  }
0xbf: {  	s23 =	sand.u32 $0x70, s14;
	s8 =	sshrl.u32 s21, $0x2;
	[sflag:s30] =	ssyncadd.s32 $0xFFFFF800  }
0xc0: {  	s21 =	simm.s32 $0x40;
	s8 =	sor.u32 s23, s8;
	[bflag:$0x0] =	sbarrier.arrive $0xFFFF  }
.LBB2_6:
0xc1: {  	p0 =	sne.s32 s21, $0xFFC0  }
0xc2: {  	[tilespmem:s8+$0x2900] =	vst v0;
	s14 =	sadd.s32 $0x10, s14;
	s8 =	smov.u32 s21;
	s21 =	sadd.s32 $0x40, s21  }
.Ltmp2:
0xc3: {  	(pc) =	sbr.rel @p0 .LBB2_6-.Ltmp2, $4  }
0xc4: {  	_ = 	snop  }
0xc5: {  	s8 =	sand.u32 $0xFE00, s8  }
0xc6: {  	s23 =	sand.u32 $0x70, s14;
	s8 =	sshrl.u32 s8, $0x2  }
0xc7: {  	s8 =	sor.u32 s23, s8  }
0xc8: {  	[tilespmem:s8+$0x2900] =	vst v0  }
0xc9: {  	[spmem:s7] =	stream.linear.scatter [tilespmem:s31], [sflag:$0x5], $0x4000, $0x38;
	[tilespmem:$0x1E900] =	vst v63  }
0xca: {  	_ =	swait.ge [sflag:s30], $0x4000  }
0xcb: {  	[sflag:s30] =	ssyncset.done $0x0  }
0xcc: {  	[sflag:s30] =	ssyncadd.s32 $0xFFFFC000  }
0xcd: {  	[spmem:s9] =	stream.linear.scatter [tilespmem:s31], [sflag:$0x5], $0x4000, $0x38;
	[tilespmem:$0x1E900] =	vst v63  }
0xce: {  	_ =	swait.ge [sflag:s30], $0x4000  }
0xcf: {  	[sflag:s30] =	ssyncset.done $0x0  }
0xd0: {  	[sflag:s30] =	ssyncadd.s32 $0xFFFFC000  }
0xd1: {  	[spmem:s10] =	stream.linear.scatter [tilespmem:s31], [sflag:$0x5], $0x4000, $0x38;
	[tilespmem:$0x1E900] =	vst v63  }
0xd2: {  	_ =	swait.ge [sflag:s30], $0x4000  }
0xd3: {  	[sflag:s30] =	ssyncset.done $0x0  }
0xd4: {  	[sflag:s30] =	ssyncadd.s32 $0xFFFFC000  }
0xd5: {  	[spmem:s11] =	stream.linear.scatter [tilespmem:s31], [sflag:$0x5], $0x4000, $0x38;
	[tilespmem:$0x1E900] =	vst v63  }
0xd6: {  	_ =	swait.ge [sflag:s30], $0x4000  }
0xd7: {  	[sflag:s30] =	ssyncset.done $0x0  }
0xd8: {  	s14 =	rddreg [dreg:$0x7];
	[sflag:s30] =	ssyncadd.s32 $0xFFFFC000  }
0xd9: {  	[spmem:s14] =	stream.linear.scatter [tilespmem:s31], [sflag:$0x5], $0x4000, $0x38;
	[tilespmem:$0x1E900] =	vst v63  }
0xda: {  	_ =	swait.ge [sflag:s30], $0x4000  }
0xdb: {  	[sflag:s30] =	ssyncset.done $0x0  }
0xdc: {  	[sflag:s30] =	ssyncadd.s32 $0xFFFFC000  }
0xdd: {  	[bflag:$0x0] =	sbarrier.arrive $0xFFFF  }
0xde: {  	s21 =	rddreg [dreg:$0x10]  }
0xdf: {  	[tilespmem:s0], [sflag:$0x1] =	stream.linear.gather [hbm4b:s21+s3], $0x80, $0x38;
	[tilespmem:$0x1E900] =	vst v63  }
0xe0: {  	_ =	swait.ge [sflag:s1], $0x80  }
0xe1: {  	[sflag:s1] =	ssyncset.done $0x0  }
0xe2: {  	s8 =	simm.s32 $0x80;
	s14 =	simm.s32 $0x100;
	[sflag:s1] =	ssyncadd.s32 $0xFFFFFF80  }
0xe3: {  	[tilespmem:s31], [sflag:$0x3] =	stream.indirect.gather [hbm4b:s5+s8], $0x80, s0, s8, $0xb8;
	[tilespmem:$0x1E900] =	vst v63  }
0xe4: {  	s21 =	sand.u32 $0x7C00, s14;
	s23 =	rddreg [dreg:$0xf]  }
0xe5: {  	[tilespmem:s6], [sflag:$0x2] =	stream.linear.gather [hbm4b:s23+s3], $0x80, $0x38;
	[tilespmem:$0x1E900] =	vst v63  }
0xe6: {  	s14 =	sand.u32 $0x300, s14;
	s21 =	sadd.s32 s19, s21;
	_ =	swait.ge [sflag:s13], $0x80  }
0xe7: {  	s14 =	sor.u32 s14, s21;
	[sflag:s13] =	ssyncset.done $0x0  }
0xe8: {  	s14 =	sshrl.u32 s14, $0x3;
	[sflag:s13] =	ssyncadd.s32 $0xFFFFFF80  }
0xe9: {  	[tilespmem:s16], [sflag:$0x4] =	stream.indirect.gather [hbm4b:s5+s15], $0x80, s6, s15, $0xb8;
	[tilespmem:$0x1E900] =	vst v63  }
0xea: {  	s14 =	sadd.s32 s4, s14  }
0xeb: {  	[tilespmem:s0], [sflag:$0x1] =	stream.linear.gather [hbm4b:s14+s3], $0x80, $0x38;
	[tilespmem:$0x1E900] =	vst v63  }
0xec: {  	_ =	swait.ge [sflag:s17], $0x4000  }
0xed: {  	[sflag:s17] =	ssyncset.done $0x0  }
0xee: {  	s10 =	simm.s32 $0x0;
	[sflag:s17] =	ssyncadd.s32 $0xFFFFC000  }
0xef: {  	[spmem:s2] =	stream.indirect.scatter.add.f32 [tilespmem:s31], [sflag:$0x5], $0x80, s10, s15, $0xb8;
	[tilespmem:$0x1E900] =	vst v63  }
0xf0: {  	_ =	swait.ge [sflag:s30], $0x4000  }
0xf1: {  	s11 =	simm.s32 $0x180;
	[sflag:s30] =	ssyncset.done $0x0  }
0xf2: {  	s23 =	sand.u32 $0x7C00, s11;
	[sflag:s30] =	ssyncadd.s32 $0xFFFFC000  }
0xf3: {  	s21 =	sadd.s32 s19, s23;
	s14 =	sand.u32 $0x380, s11;
	_ =	swait.ge [sflag:s1], $0x80  }
0xf4: {  	s14 =	sor.u32 s14, s21;
	[sflag:s1] =	ssyncset.done $0x0  }
0xf5: {  	s14 =	sshrl.u32 s14, $0x3;
	[sflag:s1] =	ssyncadd.s32 $0xFFFFFF80  }
0xf6: {  	[tilespmem:s31], [sflag:$0x3] =	stream.indirect.gather [hbm4b:s5+s15], $0x80, s0, s15, $0xb8;
	[tilespmem:$0x1E900] =	vst v63  }
0xf7: {  	s14 =	sadd.s32 s4, s14  }
0xf8: {  	[tilespmem:s6], [sflag:$0x2] =	stream.linear.gather [hbm4b:s14+s3], $0x80, $0x38;
	[tilespmem:$0x1E900] =	vst v63  }
0xf9: {  	_ =	swait.ge [sflag:s18], $0x4000  }
0xfa: {  	[sflag:s18] =	ssyncset.done $0x0  }
0xfb: {  	s7 =	smov.u32 s9;
	s23 =	simm.s32 $0x380;
	[sflag:s18] =	ssyncadd.s32 $0xFFFFC000  }
0xfc: {  	[spmem:s2] =	stream.indirect.scatter.add.f32 [tilespmem:s16], [sflag:$0x5], $0x80, s8, s15, $0xb8;
	[tilespmem:$0x1E900] =	vst v63  }
0xfd: {  	s21 =	simm.s32 $0x180;
	s14 =	simm.s32 $0x280;
	_ =	swait.ge [sflag:s30], $0x4000  }
.LBB2_8:
0xfe: {  	s9 =	sadd.s32 $0xFFFFFF80, s14  }
0xff: {  	[sflag:s30] =	ssyncset.done $0x0;
	s10 =	smov.u32 s23;
	s8 =	sadd.s32 $0x100, s23  }
0x100: {  	s11 =	sand.u32 $0x7C00, s9;
	s9 =	sand.u32 $0x300, s9;
	[sflag:s30] =	ssyncadd.s32 $0xFFFFC000  }
0x101: {  	p0 =	sne.s32 s23, $0x2780;
	_ =	swait.ge [sflag:s13], $0x80;
	s11 =	sadd.s32 s19, s11  }
0x102: {  	[sflag:s13] =	ssyncset.done $0x0;
	s9 =	sor.u32 s9, s11  }
0x103: {  	[sflag:s13] =	ssyncadd.s32 $0xFFFFFF80;
	s9 =	sshrl.u32 s9, $0x3  }
0x104: {  	[tilespmem:s16], [sflag:$0x4] =	stream.indirect.gather [hbm4b:s5+s15], $0x80, s6, s15, $0xb8;
	[tilespmem:$0x1E900] =	vst v63  }
0x105: {  	s9 =	sadd.s32 s4, s9  }
0x106: {  	[tilespmem:s0], [sflag:$0x1] =	stream.linear.gather [hbm4b:s9+s3], $0x80, $0x38;
	[tilespmem:$0x1E900] =	vst v63  }
0x107: {  	_ =	swait.ge [sflag:s17], $0x4000  }
0x108: {  	s9 =	sadd.s32 $0xFFFFFF80, s21;
	[sflag:s17] =	ssyncset.done $0x0  }
0x109: {  	[sflag:s17] =	ssyncadd.s32 $0xFFFFC000  }
0x10a: {  	[spmem:s2] =	stream.indirect.scatter.add.f32 [tilespmem:s31], [sflag:$0x5], $0x80, s9, s15, $0xb8;
	[tilespmem:$0x1E900] =	vst v63  }
0x10b: {  	_ =	swait.ge [sflag:s30], $0x4000  }
0x10c: {  	[sflag:s30] =	ssyncset.done $0x0  }
0x10d: {  	s9 =	sand.u32 $0x7C00, s14;
	[sflag:s30] =	ssyncadd.s32 $0xFFFFC000  }
0x10e: {  	s11 =	sand.u32 $0x380, s14;
	s9 =	sadd.s32 s19, s9;
	_ =	swait.ge [sflag:s1], $0x80  }
0x10f: {  	s14 =	smov.u32 s10;
	s9 =	sor.u32 s11, s9;
	[sflag:s1] =	ssyncset.done $0x0  }
0x110: {  	s9 =	sshrl.u32 s9, $0x3;
	[sflag:s1] =	ssyncadd.s32 $0xFFFFFF80  }
0x111: {  	[tilespmem:s31], [sflag:$0x3] =	stream.indirect.gather [hbm4b:s5+s15], $0x80, s0, s15, $0xb8;
	[tilespmem:$0x1E900] =	vst v63  }
0x112: {  	s9 =	sadd.s32 s4, s9  }
0x113: {  	[tilespmem:s6], [sflag:$0x2] =	stream.linear.gather [hbm4b:s9+s3], $0x80, $0x38;
	[tilespmem:$0x1E900] =	vst v63  }
.Ltmp3:
0x114: {  	_ =	swait.ge [sflag:s18], $0x4000;
	(pc) =	sbr.rel @p0 .LBB2_8-.Ltmp3, $4  }
0x115: {  	[sflag:s18] =	ssyncset.done $0x0  }
0x116: {  	[sflag:s18] =	ssyncadd.s32 $0xFFFFC000  }
0x117: {  	[spmem:s2] =	stream.indirect.scatter.add.f32 [tilespmem:s16], [sflag:$0x5], $0x80, s21, s15, $0xb8;
	[tilespmem:$0x1E900] =	vst v63  }
0x118: {  	s23 =	smov.u32 s8;
	s21 =	sadd.s32 $0x100, s21;
	_ =	swait.ge [sflag:s30], $0x4000  }
0x119: {  	s8 =	sadd.s32 $0xFFFFFF80, s14;
	[sflag:s30] =	ssyncset.done $0x0  }
0x11a: {  	s9 =	sand.u32 $0x7C00, s8;
	[sflag:s30] =	ssyncadd.s32 $0xFFFFC000  }
0x11b: {  	s8 =	sand.u32 $0x300, s8;
	_ =	swait.ge [sflag:s13], $0x80;
	s9 =	sadd.s32 s19, s9  }
0x11c: {  	s8 =	sor.u32 s8, s9;
	[sflag:s13] =	ssyncset.done $0x0  }
0x11d: {  	[sflag:s13] =	ssyncadd.s32 $0xFFFFFF80;
	s8 =	sshrl.u32 s8, $0x3  }
0x11e: {  	[tilespmem:s16], [sflag:$0x4] =	stream.indirect.gather [hbm4b:s5+s15], $0x80, s6, s15, $0xb8;
	[tilespmem:$0x1E900] =	vst v63  }
0x11f: {  	s8 =	sadd.s32 s4, s8  }
0x120: {  	[tilespmem:s0], [sflag:$0x1] =	stream.linear.gather [hbm4b:s8+s3], $0x80, $0x38;
	[tilespmem:$0x1E900] =	vst v63  }
0x121: {  	_ =	swait.ge [sflag:s17], $0x4000  }
0x122: {  	[sflag:s17] =	ssyncset.done $0x0  }
0x123: {  	s23 =	sadd.s32 $0xFFFFFF80, s21;
	[sflag:s17] =	ssyncadd.s32 $0xFFFFC000  }
0x124: {  	[spmem:s2] =	stream.indirect.scatter.add.f32 [tilespmem:s31], [sflag:$0x5], $0x80, s23, s15, $0xb8;
	[tilespmem:$0x1E900] =	vst v63  }
0x125: {  	_ =	swait.ge [sflag:s30], $0x4000  }
0x126: {  	[sflag:s30] =	ssyncset.done $0x0  }
0x127: {  	s9 =	sand.u32 $0x7C00, s14;
	[sflag:s30] =	ssyncadd.s32 $0xFFFFC000  }
0x128: {  	s10 =	sand.u32 $0x380, s14;
	s8 =	sadd.s32 s19, s9;
	_ =	swait.ge [sflag:s1], $0x80  }
0x129: {  	s8 =	sor.u32 s10, s8;
	[sflag:s1] =	ssyncset.done $0x0  }
0x12a: {  	s8 =	sshrl.u32 s8, $0x3;
	[sflag:s1] =	ssyncadd.s32 $0xFFFFFF80  }
0x12b: {  	[tilespmem:s31], [sflag:$0x3] =	stream.indirect.gather [hbm4b:s5+s15], $0x80, s0, s15, $0xb8;
	[tilespmem:$0x1E900] =	vst v63  }
0x12c: {  	s8 =	sadd.s32 s4, s8  }
0x12d: {  	[tilespmem:s6], [sflag:$0x2] =	stream.linear.gather [hbm4b:s8+s3], $0x80, $0x38;
	[tilespmem:$0x1E900] =	vst v63  }
0x12e: {  	_ =	swait.ge [sflag:s18], $0x4000  }
0x12f: {  	[sflag:s18] =	ssyncset.done $0x0  }
0x130: {  	[sflag:s18] =	ssyncadd.s32 $0xFFFFC000  }
0x131: {  	[spmem:s2] =	stream.indirect.scatter.add.f32 [tilespmem:s16], [sflag:$0x5], $0x80, s21, s15, $0xb8;
	[tilespmem:$0x1E900] =	vst v63  }
0x132: {  	_ =	swait.ge [sflag:s30], $0x4000  }
0x133: {  	[sflag:s30] =	ssyncset.done $0x0  }
0x134: {  	[sflag:s30] =	ssyncadd.s32 $0xFFFFC000  }
0x135: {  	_ =	swait.ge [sflag:s13], $0x80  }
0x136: {  	[sflag:s13] =	ssyncset.done $0x0  }
0x137: {  	[sflag:s13] =	ssyncadd.s32 $0xFFFFFF80  }
0x138: {  	[tilespmem:s16], [sflag:$0x4] =	stream.indirect.gather [hbm4b:s5+s15], $0x80, s6, s15, $0xb8;
	[tilespmem:$0x1E900] =	vst v63  }
0x139: {  	_ =	swait.ge [sflag:s17], $0x4000  }
0x13a: {  	[sflag:s17] =	ssyncset.done $0x0  }
0x13b: {  	s11 =	simm.s32 $0x2700;
	[sflag:s17] =	ssyncadd.s32 $0xFFFFC000  }
0x13c: {  	[spmem:s2] =	stream.indirect.scatter.add.f32 [tilespmem:s31], [sflag:$0x5], $0x80, s11, s15, $0xb8;
	[tilespmem:$0x1E900] =	vst v63  }
0x13d: {  	_ =	swait.ge [sflag:s30], $0x4000  }
0x13e: {  	[sflag:s30] =	ssyncset.done $0x0  }
0x13f: {  	[sflag:s30] =	ssyncadd.s32 $0xFFFFC000  }
0x140: {  	_ =	swait.ge [sflag:s18], $0x4000  }
0x141: {  	[sflag:s18] =	ssyncset.done $0x0  }
0x142: {  	s14 =	simm.s32 $0x2780;
	[sflag:s18] =	ssyncadd.s32 $0xFFFFC000  }
0x143: {  	[spmem:s2] =	stream.indirect.scatter.add.f32 [tilespmem:s16], [sflag:$0x5], $0x80, s14, s15, $0xb8;
	[tilespmem:$0x1E900] =	vst v63  }
0x144: {  	_ =	swait.ge [sflag:s30], $0x4000  }
0x145: {  	[sflag:s30] =	ssyncset.done $0x0  }
0x146: {  	[sflag:s30] =	ssyncadd.s32 $0xFFFFC000  }
0x147: {  	[bflag:$0x0] =	sbarrier.arrive $0xFFFF  }
0x148: {  	s21 =	rddreg [dreg:$0x11]  }
0x149: {  	[hbm:s21], [sflag:s24] =	dma.local [spmem:s25], $0x800  }
0x14a: {  	_ =	swait.ge [sflag:s30], $0x800  }
0x14b: {  	[sflag:s30] =	ssyncset.done $0x0  }
0x14c: {  	s23 =	rddreg [dreg:$0x12];
	[sflag:s30] =	ssyncadd.s32 $0xFFFFF800  }
0x14d: {  	[hbm:s23], [sflag:s24] =	dma.local [spmem:s26], $0x800  }
0x14e: {  	_ =	swait.ge [sflag:s30], $0x800  }
0x14f: {  	[sflag:s30] =	ssyncset.done $0x0  }
0x150: {  	s25 =	rddreg [dreg:$0x14];
	[sflag:s30] =	ssyncadd.s32 $0xFFFFF800  }
0x151: {  	[hbm:s25], [sflag:s24] =	dma.local [spmem:s28], $0x800  }
0x152: {  	_ =	swait.ge [sflag:s30], $0x800  }
0x153: {  	[sflag:s30] =	ssyncset.done $0x0  }
0x154: {  	s26 =	rddreg [dreg:$0x15];
	[sflag:s30] =	ssyncadd.s32 $0xFFFFF800  }
0x155: {  	[hbm:s26], [sflag:s24] =	dma.local [spmem:s29], $0x800  }
0x156: {  	_ =	swait.ge [sflag:s30], $0x800  }
0x157: {  	[sflag:s30] =	ssyncset.done $0x0  }
0x158: {  	s28 =	rddreg [dreg:$0x16];
	[sflag:s30] =	ssyncadd.s32 $0xFFFFF800  }
0x159: {  	[hbm:s28], [sflag:s24] =	dma.local [spmem:s20], $0x800  }
0x15a: {  	_ =	swait.ge [sflag:s30], $0x800  }
0x15b: {  	s22 =	sadd.s32 $0x1, s22;
	s29 =	rddreg [dreg:$0x13]  }
0x15c: {  	p0 =	sne.s32 s22, s29  }
.Ltmp4:
0x15d: {  	_ = 	snop;
	(pc) =	sbr.rel @p0 .LBB2_1-.Ltmp4, $4  }
0x15e: {  	_ = 	snop  }
0x15f: {  	s9 =	smov.u32 s7;
	s7 =	rddreg [dreg:$0x4]  }
0x160: {  	[sflag:s30] =	ssyncset.done $0x0;
	s10 =	rddreg [dreg:$0x5]  }
0x161: {  	s11 =	rddreg [dreg:$0x6];
	[sflag:s30] =	ssyncadd.s32 $0xFFFFF800  }
0x162: {  	_ =	sfence.sel $0x180000  }
0x163: {  	[bflag:$0x0] =	sbarrier.arrive $0xFFFF  }
0x164: {  	_ =	strace $0x9000004D  }
0x165: {  	s0 =	stileid.u32;
	[bflag:$0x2] =	sbarrier.arrive $0xFFFF  }
0x166: {  	p0 =	sne.s32 s0, $0x0;
	s0 =	rddreg [dreg:$0x2]  }
0x167: {  	s0 =	sadd.s32 @!p0 $0x100000, s0  }
0x168: {  	[sflag:s0] =	ssyncadd.tile.s32 @!p0 $0x1;
	_ =	shalt  }
.Lfunc_end2:
_tile_overlayer_lowered:
.L_overlay_start_2:
0x169: {  	(tag) =	ssettag $0x2  }
0x16a: {  	s0 =	rddreg [dreg:$0x0];
	s2 =	stileid.u32  }
0x16b: {  	s1 =	rddreg [dreg:$0x1];
	p0 =	sne.s32 s2, $0x0  }
0x16c: {  	s3 =	rddreg [dreg:$0x2];
	[bflag:$0x3] =	sbarrier.arrive $0xFFFF;
	s2 =	simm.s32 @!p0 $0x1C05  }
0x16d: {  	[timem:s3], [sflag:s2] =	dma.local @!p0 [hbm:s0], s1  }
0x16e: {  	s0 =	simm.s32 @!p0 $0x5  }
0x16f: {  	_ =	swait.ge @!p0 [sflag:s0], s1  }
0x170: {  	s1 =	ssub.s32 @!p0 $0x0, s1;
	[sflag:s0] =	ssyncset.done @!p0 $0x0  }
0x171: {  	[sflag:s0] =	ssyncadd.s32 @!p0 s1  }
0x172: {  	[bflag:$0x3] =	sbarrier.arrive $0xFFFF  }
0x173: {  	_ =	shalt  }

// kernel: kernel.19.cloned.1.call-start
scs
__scs_entry_jumppad:
0x0: {  	(pc) =	sbr.rel $0x88, $3  }
0x1: {  	(tag) =	ssettag $0x0;
	lr =	simm.s32 $0x1  }
0x2: {  	[smem:$0x3F99] =	sst lr;
	_ =	strace $0xD0000000  }
0x3: {  	_ = 	snop  }
0x4: {  	_ = 	snop  }
0x5: {  	_ = 	snop  }
0x6: {  	_ = 	snop  }
0x7: {  	_ = 	snop  }
__scs_overlays_trampoline_lowered:
0x8: {  	[smem:$0x3FA8] =	sst s0  }
0x9: {  	[smem:$0x3FA9] =	sst s1  }
0xa: {  	[smem:$0x3FAA] =	sst s2  }
0xb: {  	[smem:$0x3FAB] =	sst s3  }
0xc: {  	[smem:$0x3FAC] =	sst s4  }
0xd: {  	[smem:$0x3FAD] =	sst s5  }
0xe: {  	[smem:$0x3FAE] =	sst s6  }
0xf: {  	[smem:$0x3FAF] =	sst s7  }
0x10: {  	[smem:$0x3FB0] =	sst s8  }
0x11: {  	[smem:$0x3FB1] =	sst s9;
	s0 =	simm.s32 @!p0 $0x0  }
0x12: {  	s1 =	sld [smem:$0x3F97];
	s0 =	simm.s32 @p0 $0x1  }
0x13: {  	[smem:$0x3FB2] =	sst s0;
	s0 =	simm.s32 @!p1 $0x0  }
0x14: {  	s2 =	sld [smem:$0x3F96];
	s0 =	simm.s32 @p1 $0x1  }
0x15: {  	[smem:$0x3FB3] =	sst s0;
	s0 =	simm.s32 @!p2 $0x0  }
0x16: {  	s3 =	sld [smem:$0x3FDB];
	s0 =	simm.s32 @p2 $0x1  }
0x17: {  	s4 =	simm.s32 $0x1BF5;
	[smem:$0x3FB5] =	sst s0  }
0x18: {  	s0 =	sld [smem:$0x3F98];
	_ =	swait.ge [sflag:s4], $0x0  }
0x19: {  	s7 =	sld [smem:$0x3F99]  }
0x1a: {  	s8 =	sadd.s32 $0xFFFFE003, lr  }
0x1b: {  	s9 =	sadd.s32 $0xFFFFFEF7, lr;
	s5 =	simm.s32 $0xFFFFFFFF;
	p2 =	slt.u32 s8, $0xFFFFF086  }
0x1c: {  	p1 =	slt.u32 s9, $0xF7A;
	s5 =	simm.s32 @!p2 $0x0  }
0x1d: {  	s5 =	simm.s32 @p1 $0x1;
	p0 =	seq.s32 s7, s2  }
0x1e: {  	s7 =	smul.u32 @!p0 $0xF7A, s2;
	p2 =	seq.s32 @!p0 s5, $0x0  }
0x1f: {  	s9 =	smul.u32 $0xF7A, s1;
	s8 =	simm.s32 @!p0 $0x1BF5;
	p2 =	por !p2, p0  }
0x20: {  	[sflag:s8] =	ssyncset.s32 @!p0 $0xFFFFF086;
	s6 =	sadd.s32 @!p0 s3, s7;
	s7 =	simm.s32 @!p0 $0x108  }
0x21: {  	s3 =	sadd.s32 s3, s9;
	s6 =	sadd.s32 @!p0 $0x88, s6;
	s7 =	simm.s32 @p2 $0x1082  }
0x22: {  	[simem:s7], [sflag:s8] =	dma.local @!p0 [hbm:s6], $0xF7A  }
0x23: {  	s9 =	sor.u32 $0xD0000000, s2;
	s6 =	simm.s32 $0x108;
	_ =	swait.ge @!p0 [sflag:s8], $0x0  }
0x24: {  	s3 =	sadd.s32 $0x88, s3;
	s6 =	simm.s32 @!p1 $0x1082;
	[sflag:s4] =	ssyncset.s32 $0xFFFFF086  }
0x25: {  	[simem:s6], [sflag:s4] =	dma.local [hbm:s3], $0xF7A  }
0x26: {  	[smem:$0x3F99] =	sst s1;
	(tag) =	ssettag s2;
	_ =	strace s9  }
0x27: {  	s1 =	sld [smem:$0x3FA9]  }
0x28: {  	s2 =	sld [smem:$0x3FAA]  }
0x29: {  	s4 =	sld [smem:$0x3FAC]  }
0x2a: {  	p0 =	seq.s32 s5, $0x0;
	s5 =	sld [smem:$0x3FAD]  }
0x2b: {  	s6 =	sld [smem:$0x3FAE]  }
0x2c: {  	s7 =	sld [smem:$0x3FAF]  }
0x2d: {  	s3 =	simm.s32 $0x108;
	s8 =	sld [smem:$0x3FB0]  }
0x2e: {  	s3 =	simm.s32 @!p0 $0x1082;
	s9 =	sld [smem:$0x3FB1]  }
0x2f: {  	lr =	sadd.s32 s0, s3;
	s0 =	sld [smem:$0x3FA8]  }
0x30: {  	s3 =	sld [smem:$0x3FAB]  }
0x31: {  	[smem:$0x3FB4] =	sst s10  }
0x32: {  	s10 =	sld [smem:$0x3FB2];
	_ =	sdelay $0x3  }
0x33: {  	p0 =	seq.s32 s10, $0x1;
	s10 =	sld [smem:$0x3FB4];
	_ =	sdelay $0x3  }
0x34: {  	[smem:$0x3FB4] =	sst s10  }
0x35: {  	s10 =	sld [smem:$0x3FB3];
	_ =	sdelay $0x3  }
0x36: {  	p1 =	seq.s32 s10, $0x1;
	s10 =	sld [smem:$0x3FB4];
	_ =	sdelay $0x3  }
0x37: {  	[smem:$0x3FB4] =	sst s10  }
0x38: {  	s10 =	sld [smem:$0x3FB5]  }
0x39: {  	_ = 	snop;
	(pc) =	sbr.ind lr, $3  }
0x3a: {  	_ = 	snop  }
0x3b: {  	_ = 	snop  }
0x3c: {  	p2 =	seq.s32 s10, $0x1;
	s10 =	sld [smem:$0x3FB4]  }
0x3d: {  	_ =	shalt  }
0x3e: {  	_ =	shalt  }
0x3f: {  	_ =	shalt  }
0x40: {  	_ =	shalt  }
0x41: {  	_ =	shalt  }
0x42: {  	_ =	shalt  }
0x43: {  	_ =	shalt  }
0x44: {  	_ =	shalt  }
0x45: {  	_ =	shalt  }
0x46: {  	_ =	shalt  }
0x47: {  	_ =	shalt  }
0x48: {  	_ =	shalt  }
0x49: {  	_ =	shalt  }
0x4a: {  	_ =	shalt  }
0x4b: {  	_ =	shalt  }
0x4c: {  	_ =	shalt  }
0x4d: {  	_ =	shalt  }
0x4e: {  	_ =	shalt  }
0x4f: {  	_ =	shalt  }
0x50: {  	_ =	shalt  }
0x51: {  	_ =	shalt  }
0x52: {  	_ =	shalt  }
0x53: {  	_ =	shalt  }
0x54: {  	_ =	shalt  }
0x55: {  	_ =	shalt  }
0x56: {  	_ =	shalt  }
0x57: {  	_ =	shalt  }
0x58: {  	_ =	shalt  }
0x59: {  	_ =	shalt  }
0x5a: {  	_ =	shalt  }
0x5b: {  	_ =	shalt  }
0x5c: {  	_ =	shalt  }
0x5d: {  	_ =	shalt  }
0x5e: {  	_ =	shalt  }
0x5f: {  	_ =	shalt  }
0x60: {  	_ =	shalt  }
0x61: {  	_ =	shalt  }
0x62: {  	_ =	shalt  }
0x63: {  	_ =	shalt  }
0x64: {  	_ =	shalt  }
0x65: {  	_ =	shalt  }
0x66: {  	_ =	shalt  }
0x67: {  	_ =	shalt  }
0x68: {  	_ =	shalt  }
0x69: {  	_ =	shalt  }
0x6a: {  	_ =	shalt  }
0x6b: {  	_ =	shalt  }
0x6c: {  	_ =	shalt  }
0x6d: {  	_ =	shalt  }
0x6e: {  	_ =	shalt  }
0x6f: {  	_ =	shalt  }
0x70: {  	_ =	shalt  }
0x71: {  	_ =	shalt  }
0x72: {  	_ =	shalt  }
0x73: {  	_ =	shalt  }
0x74: {  	_ =	shalt  }
0x75: {  	_ =	shalt  }
0x76: {  	_ =	shalt  }
0x77: {  	_ =	shalt  }
0x78: {  	_ =	shalt  }
0x79: {  	_ =	shalt  }
0x7a: {  	_ =	shalt  }
0x7b: {  	_ =	shalt  }
0x7c: {  	_ =	shalt  }
0x7d: {  	_ =	shalt  }
0x7e: {  	_ =	shalt  }
0x7f: {  	_ =	shalt  }
0x80: {  	_ =	shalt  }
0x81: {  	_ =	shalt  }
0x82: {  	_ =	shalt  }
0x83: {  	_ =	shalt  }
0x84: {  	_ =	shalt  }
0x85: {  	_ =	shalt  }
0x86: {  	_ =	shalt  }
0x87: {  	_ =	shalt  }
.Lfunc_end0:
.L_simem_size_0:
called_computation.3_lowered:
.L_overlay_start_0:
0x88: {  	s2 =	sld [smem:$0x3FD9]  }
0x89: {  	s3 =	sld [smem:$0x3FFE];
	_ =	sdelay $0x1  }
0x8a: {  	s1 =	srdreg.scid  }
0x8b: {  	s0 =	sand.u32 $0x1, s1  }
0x8c: {  	s16 =	sshll.u32 s0, $0xA;
	s2 =	sadd.s32 s3, s2  }
0x8d: {  	s2 =	sadd.s32 s2, s16  }
0x8e: {  	[smem:$0x3FC0] =	sst s2  }
0x8f: {  	_ = 	snop  }
0x90: {  	(tm) =	ssettm $0x1  }
0x91: {  	s17 =	sld [smem:$0x3FFB];
	_ =	sdelay $0x3  }
0x92: {  	_ =	strace s17  }
0x93: {  	s2 =	sld [smem:$0x3FFC];
	_ =	sdelay $0x3  }
0x94: {  	_ =	strace s2  }
0x95: {  	s2 =	sld [smem:$0x3FFD];
	_ =	sdelay $0x3  }
0x96: {  	_ =	strace s2  }
0x97: {  	_ =	strace $0x8FFFFFFF  }
0x98: {  	s18 =	sld [smem:$0x3FDB];
	_ =	sdelay $0x1  }
0x99: {  	s19 =	simm.s32 $_scs_section_size  }
0x9a: {  	s4 =	simm.s32 $_size__tile_overlayer_lowered;
	s5 =	simm.s32 $_tile_overlayer_lowered  }
0x9b: {  	s22 =	simm.s32 $0x1BFF;
	s21 =	sshll.u32 s5, $0x1;
	s2 =	sadd.s32 s19, s18  }
0x9c: {  	s6 =	simm.s32 $0x0;
	s20 =	sshll.u32 s4, $0x1;
	s4 =	sadd.s32 s21, s2  }
0x9d: {  	[timem:s6], [sflag:s22] =	dma.local [hbm:s4], s20  }
0x9e: {  	_ =	swait.ge [sflag:s22], s20  }
0x9f: {  	s3 =	ssub.s32 $0x0, s20;
	[sflag:s22] =	ssyncset.done $0x0  }
0xa0: {  	[sflag:s22] =	ssyncadd.s32 s3;
	_ =	sdelay $0x1  }
0xa1: {  	s23 =	simm.s32 $0x1B8B  }
0xa2: {  	_ =	swait.ge [sflag:s23], $0x1  }
0xa3: {  	[sflag:s23] =	ssyncset.done $0x0  }
0xa4: {  	s25 =	simm.s32 $0x1B8E;
	s24 =	sld [smem:$0x3FFE];
	[sflag:s23] =	ssyncadd.s32 $0xFFFFFFFF  }
0xa5: {  	s26 =	simm.s32 $execute0_lowered;
	[smem:$0x3FD2] =	sst s25  }
0xa6: {  	s4 =	sshll.u32 s26, $0x1;
	_ =	strace $0x8000004F;
	[dreg:$0x1] =	wrdreg $0xFFFFFFFF  }
0xa7: {  	s28 =	simm.s32 $_size_execute0_lowered;
	s2 =	sadd.s32 s2, s4;
	[dreg:$0x0] =	wrdreg $0x0  }
0xa8: {  	s4 =	sshll.u32 s28, $0x1;
	[dreg:$0x2] =	wrdreg s2  }
0xa9: {  	[dreg:$0x3] =	wrdreg s4  }
0xaa: {  	[dreg:$0x4] =	wrdreg $0xC0  }
0xab: {  	_ =	task [dreg:s6], $0x5FFFF  }
0xac: {  	[dreg:$0x1] =	wrdreg $0xFFFFFFFF  }
0xad: {  	[dreg:$0x0] =	wrdreg $0x60  }
0xae: {  	[dreg:$0x2] =	wrdreg s24  }
0xaf: {  	[dreg:$0x3] =	wrdreg $0x9  }
0xb0: {  	_ =	task.clear_ibuf [dreg:s6], $0x4FFFF;
	_ =	strace $0x9000004F  }
0xb1: {  	s29 =	simm.s32 $0x9;
	_ =	strace $0x80000051  }
0xb2: {  	_ =	swait.ge [sflag:s29], $0x1  }
0xb3: {  	[sflag:s29] =	ssyncadd.s32 $0xFFFFFFFF  }
0xb4: {  	_ =	strace $0x90000051  }
0xb5: {  	_ =	sfence  }
0xb6: {  	s30 =	sld [smem:$0x0];
	_ =	sdelay $0x2  }
0xb7: {  	s31 =	sshll.u32 s1, $0xD;
	s1 =	sshrl.u32 s1, $0x2  }
0xb8: {  	s3 =	sand.u32 $0x4000, s31;
	s1 =	sadd.s32 s1, s30  }
0xb9: {  	s0 =	sor.u32 s3, s0;
	s1 =	sshll.u32 s1, $0x11  }
0xba: {  	s0 =	sor.u32 s1, s0  }
0xbb: {  	s0 =	sadd.s32 $0x8F2B, s0  }
0xbc: {  	[sflag:s0] =	ssyncadd.remote.s32 $0x1  }
0xbd: {  	_ =	sfence.sel $0xFFFF  }
0xbe: {  	[dreg:$0x0] =	wrdreg $0xFFFFFFFF;
	(pc) =	sbr.abs _section_cstart, $3  }
0xbf: {  	[dreg:$0x1] =	wrdreg $0xFFFFFFFF  }
0xc0: {  	_ =	task.clear_ibuf [dreg:s6], $0x2FFFF;
	_ =	strace $0x9FFFFFFF  }
0xc1: {  	(tm) =	ssettm $0x7FFFFFFF  }
tec
execute0_lowered:
.L_overlay_start_1:
0x0: {  	(tag) =	ssettag $0x1  }
0x1: {  	s0 =	srdreg.scid  }
0x2: {  	s5 =	rddreg [dreg:$0x0];
	s2 =	simm.s32 $0x0;
	s9 =	simm.s32 $0xA000  }
0x3: {  	s10 =	simm.s32 $0xB400;
	s11 =	simm.s32 $0x5000;
	s4 =	sand.u32 $0x1, s0  }
0x4: {  	s12 =	simm.s32 $0x80;
	s0 =	stileid.u32;
	s1 =	sshll.u32 s4, $0x4  }
0x5: {  	s13 =	simm.s32 $0x400;
	s14 =	simm.s32 $0x0;
	s3 =	sor.u32 s0, s1  }
0x6: {  	[smem:$0x7FF] =	sst s2;
	s7 =	sshll.u32 s0, $0x7;
	s6 =	sshrl.u32 s3, $0x3  }
0x7: {  	s4 =	ssub.s32 $0x2, s4;
	s1 =	rddreg [dreg:$0x1];
	s6 =	smul.u32 $0x28000, s6  }
0x8: {  	s7 =	sand.u32 $0x380, s7;
	_ =	strace $0x80000050;
	s8 =	smul.u32 $0x280, s3  }
0x9: {  	s30 =	sshrl.u32 s4, $0x1;
	s3 =	sadd.s32 $0xC200, s5;
	s6 =	sor.u32 s7, s6  }
0xa: {  	s31 =	ssub.s32 s4, s30;
	s29 =	sadd.s32 s8, s5;
	s6 =	sshrl.u32 s6, $0x3  }
0xb: {  	s8 =	simm.s32 $0x1;
	s4 =	sadd.s32 $0x7200, s29;
	s6 =	sadd.s32 s6, s5  }
0xc: {  	v0 =	vimm.f32 $0.0e+00;
	s7 =	smax.u32 s31, $0x1;
	s5 =	sadd.s32 $0x2200, s29;
	s6 =	sadd.s32 $0xCC00, s6  }
.LBB2_1:
0xd: {  	s15 =	simm.s32 $0x40;
	s16 =	simm.s32 $0x0  }
.LBB2_2:
0xe: {  	p0 =	sne.s32 s15, $0x13FC0;
	[tilespmem:s16+$0x5000] =	vst v0;
	s16 =	smov.u32 s15;
	s15 =	sadd.s32 $0x40, s15  }
.Ltmp0:
0xf: {  	(pc) =	sbr.rel @p0 .LBB2_2-.Ltmp0, $2  }
0x10: {  	_ =	sdelay $0x2  }
0x11: {  	s16 =	sshra.s32 s16, $0x2  }
0x12: {  	[tilespmem:s16+$0x5000] =	vst v0;
	s15 =	simm.s32 $0x0  }
0x13: {  	[tilespmem:s15], [sflag:$0x1] =	stream.linear.gather [hbm4b:s3+s15], $0x5000, $0x38;
	[tilespmem:$0xC800] =	vst v63  }
0x14: {  	_ =	swait.ge [sflag:s8], $0x5000  }
0x15: {  	[sflag:s8] =	ssyncset.done $0x0  }
0x16: {  	[sflag:s8] =	ssyncadd.s32 $0xFFFFB000  }
0x17: {  	[tilespmem:s9], [sflag:$0x1] =	stream.linear.gather [hbm4b:s4+s15], $0x1400, $0x38;
	[tilespmem:$0xC800] =	vst v63  }
0x18: {  	_ =	swait.ge [sflag:s8], $0x1400  }
0x19: {  	[sflag:s8] =	ssyncset.done $0x0  }
0x1a: {  	[sflag:s8] =	ssyncadd.s32 $0xFFFFEC00  }
0x1b: {  	[tilespmem:s10], [sflag:$0x1] =	stream.linear.gather [hbm4b:s5+s15], $0x1400, $0x38;
	[tilespmem:$0xC800] =	vst v63  }
0x1c: {  	_ =	swait.ge [sflag:s8], $0x1400  }
0x1d: {  	[sflag:s8] =	ssyncset.done $0x0  }
0x1e: {  	s16 =	simm.s32 $0x0;
	s15 =	simm.s32 $0x40;
	[sflag:s8] =	ssyncadd.s32 $0xFFFFEC00  }
.LBB2_4:
0x1f: {  	p0 =	sne.s32 s15, $0x4FC0;
	v1 =	vld [tilespmem:s16+$0xA000]  }
0x20: {  	v2 =	vld [tilespmem:s16+$0xB400];
	_ =	sdelay $0x3  }
0x21: {  	v1 =	vshll.u32 v1, $0x1;
	_ =	sdelay $0x4  }
0x22: {  	v3 =	vld.idx.msk [tilespmem:v1+s2+$0x0], $0xffff  }
0x23: {  	v2 =	vshll.u32 v2, $0x1  }
0x24: {  	v1 =	vor.u32 $0x1, v1;
	_ =	sdelay $0x3  }
0x25: {  	[tilespmem:v2+s11+$0x0] =	vst.idx.add.f32.msk $0xffff, v3  }
0x26: {  	v1 =	vld.idx.msk [tilespmem:v1+s2+$0x0], $0xffff  }
0x27: {  	v2 =	vor.u32 $0x1, v2  }
.Ltmp1:
0x28: {  	(pc) =	sbr.rel @p0 .LBB2_4-.Ltmp1, $2  }
0x29: {  	_ =	sdelay $0x2  }
0x2a: {  	s16 =	sshra.s32 s15, $0x2;
	s15 =	sadd.s32 $0x40, s15;
	[tilespmem:v2+s11+$0x0] =	vst.idx.add.f32.msk $0xffff, v1  }
0x2b: {  	v1 =	vld [tilespmem:s16+$0xA000];
	_ =	sdelay $0x4  }
0x2c: {  	v2 =	vld [tilespmem:s16+$0xB400];
	v1 =	vshll.u32 v1, $0x1;
	_ =	sdelay $0x4  }
0x2d: {  	v2 =	vshll.u32 v2, $0x1;
	v3 =	vld.idx.msk [tilespmem:v1+s2+$0x0], $0xffff  }
0x2e: {  	v1 =	vor.u32 $0x1, v1;
	_ =	sdelay $0x3  }
0x2f: {  	[tilespmem:v2+s11+$0x0] =	vst.idx.add.f32.msk $0xffff, v3  }
0x30: {  	v2 =	vor.u32 $0x1, v2;
	v1 =	vld.idx.msk [tilespmem:v1+s2+$0x0], $0xffff;
	_ =	sdelay $0x2  }
0x31: {  	s14 =	sadd.s32 $0x1, s14  }
0x32: {  	p0 =	sne.s32 s14, s7  }
.Ltmp2:
0x33: {  	[tilespmem:v2+s11+$0x0] =	vst.idx.add.f32.msk $0xffff, v1;
	(pc) =	sbr.rel @p0 .LBB2_1-.Ltmp2, $4  }
0x34: {  	[hbm4b:s6+s12] =	stream.strided.scatter [tilespmem:s11], [sflag:$0x1], $0x5000, s13, s12, $0x38;
	[tilespmem:$0xC800] =	vst v63  }
0x35: {  	_ =	swait.ge [sflag:s8], $0x5000  }
0x36: {  	[sflag:s8] =	ssyncset.done $0x0  }
0x37: {  	[sflag:s8] =	ssyncadd.s32 $0xFFFFB000  }
0x38: {  	_ =	sfence.sel $0x180000  }
0x39: {  	[bflag:$0x0] =	sbarrier.arrive $0xFFFF  }
0x3a: {  	p0 =	sne.s32 s0, $0x0;
	_ =	strace $0x90000050  }
0x3b: {  	s0 =	sadd.s32 @!p0 $0x100000, s1;
	[bflag:$0x2] =	sbarrier.arrive $0xFFFF  }
0x3c: {  	[sflag:s0] =	ssyncadd.tile.s32 @!p0 $0x1;
	_ =	shalt  }
.Lfunc_end2:
_tile_overlayer_lowered:
.L_overlay_start_2:
0x3d: {  	(tag) =	ssettag $0x2  }
0x3e: {  	s0 =	rddreg [dreg:$0x0];
	s2 =	stileid.u32  }
0x3f: {  	s1 =	rddreg [dreg:$0x1];
	p0 =	sne.s32 s2, $0x0  }
0x40: {  	s3 =	rddreg [dreg:$0x2];
	[bflag:$0x3] =	sbarrier.arrive $0xFFFF;
	s2 =	simm.s32 @!p0 $0x1C01  }
0x41: {  	[timem:s3], [sflag:s2] =	dma.local @!p0 [hbm:s0], s1  }
0x42: {  	s0 =	simm.s32 @!p0 $0x1  }
0x43: {  	_ =	swait.ge @!p0 [sflag:s0], s1  }
0x44: {  	s1 =	ssub.s32 @!p0 $0x0, s1;
	[sflag:s0] =	ssyncset.done @!p0 $0x0  }
0x45: {  	[sflag:s0] =	ssyncadd.s32 @!p0 s1  }
0x46: {  	[bflag:$0x3] =	sbarrier.arrive $0xFFFF  }
0x47: {  	_ =	shalt  }

</sc_bundles>
